<compile_context>
chip_gen: v7x
topology: tpu7x:2x2x1
jax: 0.10.2.dev20260603
libtpu: 0.0.44.dev20260713+nightly
codegen_flags: <defaults>
</compile_context>

<pallas_src>
import functools

import jax
import jax.numpy as jnp
from jax import lax
from jax.experimental import pallas as pl
from jax.experimental.pallas import tpu as pltpu
from jax.experimental.pallas import tpu_sc as plsc

NC = 2
NS = 16
NW = NC * NS
LANES = 16
TILE = 1024
WT = 14
CHW = WT * 2 * TILE


def _mixup_body(nchunks, x_hbm, idx_hbm, w_hbm, out_hbm,
                idx_v, w_v, a0, a1, o0, o1, si0, si1, so0, so1):
    per_w = nchunks // NW
    c = lax.axis_index("c")
    s = lax.axis_index("s")
    wid = s * NC + c
    base = wid * per_w

    pltpu.sync_copy(idx_hbm, idx_v)
    pltpu.sync_copy(w_hbm, w_v)
    wa = w_v[...]
    wb = 1.0 - wa
    bgroups = 256 // LANES
    pvecs = []
    for j in range(bgroups):
        p = idx_v[pl.ds(j * LANES, LANES)]
        pvecs.append(
            lax.shift_left(lax.shift_right_logical(p, 7), 10)
            + lax.bitwise_and(p, 127))

    abufs = (a0, a1)
    obufs = (o0, o1)
    isems = (si0, si1)
    osems = (so0, so1)

    def start_in(t, k):
        pltpu.async_copy(
            x_hbm.at[pl.ds((base + t) * CHW, CHW)], abufs[k], isems[k])

    def wait_in(k):
        pltpu.make_async_copy(
            x_hbm.at[pl.ds(0, CHW)], abufs[k], isems[k]).wait()

    def start_out(t, k):
        pltpu.async_copy(
            obufs[k], out_hbm.at[pl.ds((base + t) * CHW, CHW)], osems[k])

    def wait_out(k):
        pltpu.make_async_copy(
            obufs[k], out_hbm.at[pl.ds(0, CHW)], osems[k]).wait()

    start_in(0, 0)

    def group(g, _):
        for k in (0, 1):
            t = g * 2 + k
            nk = 1 - k

            @pl.when(t + 1 < per_w)
            def _():
                start_in(t + 1, nk)

            wait_in(k)

            @pl.when(t >= 2)
            def _():
                wait_out(k)

            @plsc.parallel_loop(0, WT * 8, 1, unroll=16)
            def _(w, k=k):
                wt = lax.shift_right_logical(w, 3)
                w8 = lax.bitwise_and(w, 7)
                rb = wt * (2 * TILE) + w8 * 128
                rb = pl.multiple_of(rb, 128)
                for j in range(bgroups):
                    off = (j // 8) * TILE + (j % 8) * LANES
                    a = abufs[k][pl.ds(rb + off, LANES)]
                    b = plsc.load_gather(abufs[k], [pvecs[j] + rb])
                    obufs[k][pl.ds(rb + off, LANES)] = wa * a + wb * b
            start_out(t, k)
        return 0

    lax.fori_loop(0, per_w // 2, group, 0)
    wait_out(0)
    wait_out(1)


def kernel(inputs, index, lam):
    B, C, H, W = inputs.shape
    assert B == 256 and W % 8 == 0
    xt = jnp.transpose(inputs, (1, 2, 3, 0))
    x6 = xt.reshape(C, H, W // 8, 8, B // 128, 128)
    xp = jnp.transpose(x6, (0, 1, 2, 4, 3, 5))
    xflat = xp.reshape(-1)

    nchunks = C * H * (W // 8) // WT
    assert nchunks % NW == 0

    idx = index.astype(jnp.int32)
    w = jnp.full((LANES,), lam, dtype=jnp.float32)

    mesh = plsc.VectorSubcoreMesh(
        core_axis_name="c", subcore_axis_name="s",
        num_cores=NC, num_subcores=NS)

    run = pl.kernel(
        functools.partial(_mixup_body, nchunks),
        out_type=jax.ShapeDtypeStruct((xflat.size,), jnp.float32),
        mesh=mesh,
        compiler_params=pltpu.CompilerParams(
            use_tc_tiling_on_sc=False, needs_layout_passes=False),
        scratch_types=[
            pltpu.VMEM((B,), jnp.int32),
            pltpu.VMEM((LANES,), jnp.float32),
            pltpu.VMEM((CHW,), jnp.float32),
            pltpu.VMEM((CHW,), jnp.float32),
            pltpu.VMEM((CHW,), jnp.float32),
            pltpu.VMEM((CHW,), jnp.float32),
            pltpu.SemaphoreType.DMA,
            pltpu.SemaphoreType.DMA,
            pltpu.SemaphoreType.DMA,
            pltpu.SemaphoreType.DMA,
        ],
    )
    outflat = run(xflat, idx, w)
    outp = outflat.reshape(C, H, W // 8, B // 128, 8, 128)
    outt = jnp.transpose(outp, (0, 1, 2, 4, 3, 5)).reshape(C, H, W, B)
    return jnp.transpose(outt, (3, 0, 1, 2))

# --- scband reference (transcript-rebuilt; emitter-appended) ---
"""Pipeline reference for scband-mixup-30159260352991 (READ-ONLY COPY).

The authoritative reference and input builder live on the scoring server;
editing this copy changes nothing except your own understanding.
"""

import jax, jax.numpy as jnp
import numpy as np


def setup_inputs(seed: int = 0) -> dict:
    key = jax.random.key(seed)
    k1, k2 = jax.random.split(key)
    batch = 256
    inputs = jax.random.normal(k1, (batch, 3, 224, 224), dtype=jnp.float32)
    # mixup coefficient: lam ~ Beta(alpha, alpha), alpha=1.0; fixed seed for determinism
    rng = np.random.default_rng(0)
    lam = float(rng.beta(1.0, 1.0))
    # random permutation of the batch (int index, constant w.r.t. differentiation)
    index = jax.random.permutation(k2, batch)
    return {"inputs": inputs, "index": index.astype(jnp.int64), "lam": lam}


def reference(inputs, index, lam):
    # mixed = lam * x + (1 - lam) * x[perm]
    mixed = lam * inputs + (1.0 - lam) * jnp.take(inputs, index, axis=0)
    return mixed

if __name__ == "__main__":
    import jax
    _d = setup_inputs()
    print(jax.jit(kernel)(*tuple(_d.values())))

</pallas_src>

<mosaic_0001>
#map = affine_map<(d0, d1) -> (0)>
module attributes {stable_mosaic.version = 14 : i64} {
  func.func @_mixup_body(%arg0: i32, %arg1: i32, %arg2: memref<38535168xf32, #tpu.memory_space<hbm>>, %arg3: memref<256xi32, #tpu.memory_space<hbm>>, %arg4: memref<16xf32, #tpu.memory_space<hbm>>, %arg5: memref<38535168xf32, #tpu.memory_space<hbm>>, %arg6: memref<256xi32, #tpu.memory_space<vmem>>, %arg7: memref<16xf32, #tpu.memory_space<vmem>>, %arg8: memref<28672xf32, #tpu.memory_space<vmem>>, %arg9: memref<28672xf32, #tpu.memory_space<vmem>>, %arg10: memref<28672xf32, #tpu.memory_space<vmem>>, %arg11: memref<28672xf32, #tpu.memory_space<vmem>>, %arg12: memref<!tpu.dma_semaphore, #tpu.memory_space<semaphore_mem>>, %arg13: memref<!tpu.dma_semaphore, #tpu.memory_space<semaphore_mem>>, %arg14: memref<!tpu.dma_semaphore, #tpu.memory_space<semaphore_mem>>, %arg15: memref<!tpu.dma_semaphore, #tpu.memory_space<semaphore_mem>>) attributes {dimension_semantics = [#tpu.dimension_semantics<core_parallel>, #tpu.dimension_semantics<subcore_parallel>], iteration_bounds = array<i64: 2, 16>, scalar_prefetch = 0 : i64, scratch_operands = 10 : i64, tpu.core_type = #tpu.core_type<sc_vector_subcore>, window_params = [{transform_indices = #map}, {transform_indices = #map}, {transform_indices = #map}, {transform_indices = #map}]} {
    %mul3A = arith.constant 2 : i32
    %mul3A_0 = arith.muli %arg1, %mul3A : i32
    %add3A = arith.addi %mul3A_0, %arg0 : i32
    %mul3A_1 = arith.constant 42 : i32
    %mul3A_2 = arith.muli %add3A, %mul3A_1 : i32
    "tpu.region"() ({
      %run_scoped3A = tpu.sem_alloc : memref<!tpu.dma_semaphore, #tpu.memory_space<semaphore_mem>>
      tpu.enqueue_dma source(%arg3 : memref<256xi32, #tpu.memory_space<hbm>>) target(%arg6 : memref<256xi32, #tpu.memory_space<vmem>>) target_semaphore(%run_scoped3A : memref<!tpu.dma_semaphore, #tpu.memory_space<semaphore_mem>>)
      tpu.wait_dma2 semaphore(%run_scoped3A : memref<!tpu.dma_semaphore, #tpu.memory_space<semaphore_mem>>) src(%arg3 : memref<256xi32, #tpu.memory_space<hbm>>) dst(%arg6 : memref<256xi32, #tpu.memory_space<vmem>>)
      tpu.yield
    }) : () -> ()
    "tpu.region"() ({
      %run_scoped3A = tpu.sem_alloc : memref<!tpu.dma_semaphore, #tpu.memory_space<semaphore_mem>>
      tpu.enqueue_dma source(%arg4 : memref<16xf32, #tpu.memory_space<hbm>>) target(%arg7 : memref<16xf32, #tpu.memory_space<vmem>>) target_semaphore(%run_scoped3A : memref<!tpu.dma_semaphore, #tpu.memory_space<semaphore_mem>>)
      tpu.wait_dma2 semaphore(%run_scoped3A : memref<!tpu.dma_semaphore, #tpu.memory_space<semaphore_mem>>) src(%arg4 : memref<16xf32, #tpu.memory_space<hbm>>) dst(%arg7 : memref<16xf32, #tpu.memory_space<vmem>>)
      tpu.yield
    }) : () -> ()
    %get3A = arith.constant 0 : index
    %get3A_3 = tpu.vector_load %arg7[%get3A] {strides = array<i32>} : memref<16xf32, #tpu.memory_space<vmem>>, vector<16xf32>,
    %sub3A = arith.constant 1.000000e+00 : f32
    %sub3A_4 = vector.broadcast %sub3A : f32 to vector<16xf32>
    %sub3A_5 = arith.subf %sub3A_4, %get3A_3 : vector<16xf32>
    %get3A_6 = arith.constant 0 : index
    %get3A_7 = tpu.vector_load %arg6[%get3A_6] {strides = array<i32>} : memref<256xi32, #tpu.memory_space<vmem>>, vector<16xi32>,
    %shift_right_logical3A = arith.constant 7 : i32
    %shift_right_logical3A_8 = vector.broadcast %shift_right_logical3A : i32 to vector<16xi32>
    %shift_right_logical3A_9 = arith.shrui %get3A_7, %shift_right_logical3A_8 : vector<16xi32>
    %shift_left3A = arith.constant 10 : i32
    %shift_left3A_10 = vector.broadcast %shift_left3A : i32 to vector<16xi32>
    %shift_left3A_11 = arith.shli %shift_right_logical3A_9, %shift_left3A_10 : vector<16xi32>
    %and3A = arith.constant 127 : i32
    %and3A_12 = vector.broadcast %and3A : i32 to vector<16xi32>
    %and3A_13 = arith.andi %get3A_7, %and3A_12 : vector<16xi32>
    %add3A_14 = arith.addi %shift_left3A_11, %and3A_13 : vector<16xi32>
    %get3A_15 = arith.constant 16 : index
    %get3A_16 = tpu.vector_load %arg6[%get3A_15] {strides = array<i32>} : memref<256xi32, #tpu.memory_space<vmem>>, vector<16xi32>,
    %shift_right_logical3A_17 = arith.constant 7 : i32
    %shift_right_logical3A_18 = vector.broadcast %shift_right_logical3A_17 : i32 to vector<16xi32>
    %shift_right_logical3A_19 = arith.shrui %get3A_16, %shift_right_logical3A_18 : vector<16xi32>
    %shift_left3A_20 = arith.constant 10 : i32
    %shift_left3A_21 = vector.broadcast %shift_left3A_20 : i32 to vector<16xi32>
    %shift_left3A_22 = arith.shli %shift_right_logical3A_19, %shift_left3A_21 : vector<16xi32>
    %and3A_23 = arith.constant 127 : i32
    %and3A_24 = vector.broadcast %and3A_23 : i32 to vector<16xi32>
    %and3A_25 = arith.andi %get3A_16, %and3A_24 : vector<16xi32>
    %add3A_26 = arith.addi %shift_left3A_22, %and3A_25 : vector<16xi32>
    %get3A_27 = arith.constant 32 : index
    %get3A_28 = tpu.vector_load %arg6[%get3A_27] {strides = array<i32>} : memref<256xi32, #tpu.memory_space<vmem>>, vector<16xi32>,
    %shift_right_logical3A_29 = arith.constant 7 : i32
    %shift_right_logical3A_30 = vector.broadcast %shift_right_logical3A_29 : i32 to vector<16xi32>
    %shift_right_logical3A_31 = arith.shrui %get3A_28, %shift_right_logical3A_30 : vector<16xi32>
    %shift_left3A_32 = arith.constant 10 : i32
    %shift_left3A_33 = vector.broadcast %shift_left3A_32 : i32 to vector<16xi32>
    %shift_left3A_34 = arith.shli %shift_right_logical3A_31, %shift_left3A_33 : vector<16xi32>
    %and3A_35 = arith.constant 127 : i32
    %and3A_36 = vector.broadcast %and3A_35 : i32 to vector<16xi32>
    %and3A_37 = arith.andi %get3A_28, %and3A_36 : vector<16xi32>
    %add3A_38 = arith.addi %shift_left3A_34, %and3A_37 : vector<16xi32>
    %get3A_39 = arith.constant 48 : index
    %get3A_40 = tpu.vector_load %arg6[%get3A_39] {strides = array<i32>} : memref<256xi32, #tpu.memory_space<vmem>>, vector<16xi32>,
    %shift_right_logical3A_41 = arith.constant 7 : i32
    %shift_right_logical3A_42 = vector.broadcast %shift_right_logical3A_41 : i32 to vector<16xi32>
    %shift_right_logical3A_43 = arith.shrui %get3A_40, %shift_right_logical3A_42 : vector<16xi32>
    %shift_left3A_44 = arith.constant 10 : i32
    %shift_left3A_45 = vector.broadcast %shift_left3A_44 : i32 to vector<16xi32>
    %shift_left3A_46 = arith.shli %shift_right_logical3A_43, %shift_left3A_45 : vector<16xi32>
    %and3A_47 = arith.constant 127 : i32
    %and3A_48 = vector.broadcast %and3A_47 : i32 to vector<16xi32>
    %and3A_49 = arith.andi %get3A_40, %and3A_48 : vector<16xi32>
    %add3A_50 = arith.addi %shift_left3A_46, %and3A_49 : vector<16xi32>
    %get3A_51 = arith.constant 64 : index
    %get3A_52 = tpu.vector_load %arg6[%get3A_51] {strides = array<i32>} : memref<256xi32, #tpu.memory_space<vmem>>, vector<16xi32>,
    %shift_right_logical3A_53 = arith.constant 7 : i32
    %shift_right_logical3A_54 = vector.broadcast %shift_right_logical3A_53 : i32 to vector<16xi32>
    %shift_right_logical3A_55 = arith.shrui %get3A_52, %shift_right_logical3A_54 : vector<16xi32>
    %shift_left3A_56 = arith.constant 10 : i32
    %shift_left3A_57 = vector.broadcast %shift_left3A_56 : i32 to vector<16xi32>
    %shift_left3A_58 = arith.shli %shift_right_logical3A_55, %shift_left3A_57 : vector<16xi32>
    %and3A_59 = arith.constant 127 : i32
    %and3A_60 = vector.broadcast %and3A_59 : i32 to vector<16xi32>
    %and3A_61 = arith.andi %get3A_52, %and3A_60 : vector<16xi32>
    %add3A_62 = arith.addi %shift_left3A_58, %and3A_61 : vector<16xi32>
    %get3A_63 = arith.constant 80 : index
    %get3A_64 = tpu.vector_load %arg6[%get3A_63] {strides = array<i32>} : memref<256xi32, #tpu.memory_space<vmem>>, vector<16xi32>,
    %shift_right_logical3A_65 = arith.constant 7 : i32
    %shift_right_logical3A_66 = vector.broadcast %shift_right_logical3A_65 : i32 to vector<16xi32>
    %shift_right_logical3A_67 = arith.shrui %get3A_64, %shift_right_logical3A_66 : vector<16xi32>
    %shift_left3A_68 = arith.constant 10 : i32
    %shift_left3A_69 = vector.broadcast %shift_left3A_68 : i32 to vector<16xi32>
    %shift_left3A_70 = arith.shli %shift_right_logical3A_67, %shift_left3A_69 : vector<16xi32>
    %and3A_71 = arith.constant 127 : i32
    %and3A_72 = vector.broadcast %and3A_71 : i32 to vector<16xi32>
    %and3A_73 = arith.andi %get3A_64, %and3A_72 : vector<16xi32>
    %add3A_74 = arith.addi %shift_left3A_70, %and3A_73 : vector<16xi32>
    %get3A_75 = arith.constant 96 : index
    %get3A_76 = tpu.vector_load %arg6[%get3A_75] {strides = array<i32>} : memref<256xi32, #tpu.memory_space<vmem>>, vector<16xi32>,
    %shift_right_logical3A_77 = arith.constant 7 : i32
    %shift_right_logical3A_78 = vector.broadcast %shift_right_logical3A_77 : i32 to vector<16xi32>
    %shift_right_logical3A_79 = arith.shrui %get3A_76, %shift_right_logical3A_78 : vector<16xi32>
    %shift_left3A_80 = arith.constant 10 : i32
    %shift_left3A_81 = vector.broadcast %shift_left3A_80 : i32 to vector<16xi32>
    %shift_left3A_82 = arith.shli %shift_right_logical3A_79, %shift_left3A_81 : vector<16xi32>
    %and3A_83 = arith.constant 127 : i32
    %and3A_84 = vector.broadcast %and3A_83 : i32 to vector<16xi32>
    %and3A_85 = arith.andi %get3A_76, %and3A_84 : vector<16xi32>
    %add3A_86 = arith.addi %shift_left3A_82, %and3A_85 : vector<16xi32>
    %get3A_87 = arith.constant 112 : index
    %get3A_88 = tpu.vector_load %arg6[%get3A_87] {strides = array<i32>} : memref<256xi32, #tpu.memory_space<vmem>>, vector<16xi32>,
    %shift_right_logical3A_89 = arith.constant 7 : i32
    %shift_right_logical3A_90 = vector.broadcast %shift_right_logical3A_89 : i32 to vector<16xi32>
    %shift_right_logical3A_91 = arith.shrui %get3A_88, %shift_right_logical3A_90 : vector<16xi32>
    %shift_left3A_92 = arith.constant 10 : i32
    %shift_left3A_93 = vector.broadcast %shift_left3A_92 : i32 to vector<16xi32>
    %shift_left3A_94 = arith.shli %shift_right_logical3A_91, %shift_left3A_93 : vector<16xi32>
    %and3A_95 = arith.constant 127 : i32
    %and3A_96 = vector.broadcast %and3A_95 : i32 to vector<16xi32>
    %and3A_97 = arith.andi %get3A_88, %and3A_96 : vector<16xi32>
    %add3A_98 = arith.addi %shift_left3A_94, %and3A_97 : vector<16xi32>
    %get3A_99 = arith.constant 128 : index
    %get3A_100 = tpu.vector_load %arg6[%get3A_99] {strides = array<i32>} : memref<256xi32, #tpu.memory_space<vmem>>, vector<16xi32>,
    %shift_right_logical3A_101 = arith.constant 7 : i32
    %shift_right_logical3A_102 = vector.broadcast %shift_right_logical3A_101 : i32 to vector<16xi32>
    %shift_right_logical3A_103 = arith.shrui %get3A_100, %shift_right_logical3A_102 : vector<16xi32>
    %shift_left3A_104 = arith.constant 10 : i32
    %shift_left3A_105 = vector.broadcast %shift_left3A_104 : i32 to vector<16xi32>
    %shift_left3A_106 = arith.shli %shift_right_logical3A_103, %shift_left3A_105 : vector<16xi32>
    %and3A_107 = arith.constant 127 : i32
    %and3A_108 = vector.broadcast %and3A_107 : i32 to vector<16xi32>
    %and3A_109 = arith.andi %get3A_100, %and3A_108 : vector<16xi32>
    %add3A_110 = arith.addi %shift_left3A_106, %and3A_109 : vector<16xi32>
    %get3A_111 = arith.constant 144 : index
    %get3A_112 = tpu.vector_load %arg6[%get3A_111] {strides = array<i32>} : memref<256xi32, #tpu.memory_space<vmem>>, vector<16xi32>,
    %shift_right_logical3A_113 = arith.constant 7 : i32
    %shift_right_logical3A_114 = vector.broadcast %shift_right_logical3A_113 : i32 to vector<16xi32>
    %shift_right_logical3A_115 = arith.shrui %get3A_112, %shift_right_logical3A_114 : vector<16xi32>
    %shift_left3A_116 = arith.constant 10 : i32
    %shift_left3A_117 = vector.broadcast %shift_left3A_116 : i32 to vector<16xi32>
    %shift_left3A_118 = arith.shli %shift_right_logical3A_115, %shift_left3A_117 : vector<16xi32>
    %and3A_119 = arith.constant 127 : i32
    %and3A_120 = vector.broadcast %and3A_119 : i32 to vector<16xi32>
    %and3A_121 = arith.andi %get3A_112, %and3A_120 : vector<16xi32>
    %add3A_122 = arith.addi %shift_left3A_118, %and3A_121 : vector<16xi32>
    %get3A_123 = arith.constant 160 : index
    %get3A_124 = tpu.vector_load %arg6[%get3A_123] {strides = array<i32>} : memref<256xi32, #tpu.memory_space<vmem>>, vector<16xi32>,
    %shift_right_logical3A_125 = arith.constant 7 : i32
    %shift_right_logical3A_126 = vector.broadcast %shift_right_logical3A_125 : i32 to vector<16xi32>
    %shift_right_logical3A_127 = arith.shrui %get3A_124, %shift_right_logical3A_126 : vector<16xi32>
    %shift_left3A_128 = arith.constant 10 : i32
    %shift_left3A_129 = vector.broadcast %shift_left3A_128 : i32 to vector<16xi32>
    %shift_left3A_130 = arith.shli %shift_right_logical3A_127, %shift_left3A_129 : vector<16xi32>
    %and3A_131 = arith.constant 127 : i32
    %and3A_132 = vector.broadcast %and3A_131 : i32 to vector<16xi32>
    %and3A_133 = arith.andi %get3A_124, %and3A_132 : vector<16xi32>
    %add3A_134 = arith.addi %shift_left3A_130, %and3A_133 : vector<16xi32>
    %get3A_135 = arith.constant 176 : index
    %get3A_136 = tpu.vector_load %arg6[%get3A_135] {strides = array<i32>} : memref<256xi32, #tpu.memory_space<vmem>>, vector<16xi32>,
    %shift_right_logical3A_137 = arith.constant 7 : i32
    %shift_right_logical3A_138 = vector.broadcast %shift_right_logical3A_137 : i32 to vector<16xi32>
    %shift_right_logical3A_139 = arith.shrui %get3A_136, %shift_right_logical3A_138 : vector<16xi32>
    %shift_left3A_140 = arith.constant 10 : i32
    %shift_left3A_141 = vector.broadcast %shift_left3A_140 : i32 to vector<16xi32>
    %shift_left3A_142 = arith.shli %shift_right_logical3A_139, %shift_left3A_141 : vector<16xi32>
    %and3A_143 = arith.constant 127 : i32
    %and3A_144 = vector.broadcast %and3A_143 : i32 to vector<16xi32>
    %and3A_145 = arith.andi %get3A_136, %and3A_144 : vector<16xi32>
    %add3A_146 = arith.addi %shift_left3A_142, %and3A_145 : vector<16xi32>
    %get3A_147 = arith.constant 192 : index
    %get3A_148 = tpu.vector_load %arg6[%get3A_147] {strides = array<i32>} : memref<256xi32, #tpu.memory_space<vmem>>, vector<16xi32>,
    %shift_right_logical3A_149 = arith.constant 7 : i32
    %shift_right_logical3A_150 = vector.broadcast %shift_right_logical3A_149 : i32 to vector<16xi32>
    %shift_right_logical3A_151 = arith.shrui %get3A_148, %shift_right_logical3A_150 : vector<16xi32>
    %shift_left3A_152 = arith.constant 10 : i32
    %shift_left3A_153 = vector.broadcast %shift_left3A_152 : i32 to vector<16xi32>
    %shift_left3A_154 = arith.shli %shift_right_logical3A_151, %shift_left3A_153 : vector<16xi32>
    %and3A_155 = arith.constant 127 : i32
    %and3A_156 = vector.broadcast %and3A_155 : i32 to vector<16xi32>
    %and3A_157 = arith.andi %get3A_148, %and3A_156 : vector<16xi32>
    %add3A_158 = arith.addi %shift_left3A_154, %and3A_157 : vector<16xi32>
    %get3A_159 = arith.constant 208 : index
    %get3A_160 = tpu.vector_load %arg6[%get3A_159] {strides = array<i32>} : memref<256xi32, #tpu.memory_space<vmem>>, vector<16xi32>,
    %shift_right_logical3A_161 = arith.constant 7 : i32
    %shift_right_logical3A_162 = vector.broadcast %shift_right_logical3A_161 : i32 to vector<16xi32>
    %shift_right_logical3A_163 = arith.shrui %get3A_160, %shift_right_logical3A_162 : vector<16xi32>
    %shift_left3A_164 = arith.constant 10 : i32
    %shift_left3A_165 = vector.broadcast %shift_left3A_164 : i32 to vector<16xi32>
    %shift_left3A_166 = arith.shli %shift_right_logical3A_163, %shift_left3A_165 : vector<16xi32>
    %and3A_167 = arith.constant 127 : i32
    %and3A_168 = vector.broadcast %and3A_167 : i32 to vector<16xi32>
    %and3A_169 = arith.andi %get3A_160, %and3A_168 : vector<16xi32>
    %add3A_170 = arith.addi %shift_left3A_166, %and3A_169 : vector<16xi32>
    %get3A_171 = arith.constant 224 : index
    %get3A_172 = tpu.vector_load %arg6[%get3A_171] {strides = array<i32>} : memref<256xi32, #tpu.memory_space<vmem>>, vector<16xi32>,
    %shift_right_logical3A_173 = arith.constant 7 : i32
    %shift_right_logical3A_174 = vector.broadcast %shift_right_logical3A_173 : i32 to vector<16xi32>
    %shift_right_logical3A_175 = arith.shrui %get3A_172, %shift_right_logical3A_174 : vector<16xi32>
    %shift_left3A_176 = arith.constant 10 : i32
    %shift_left3A_177 = vector.broadcast %shift_left3A_176 : i32 to vector<16xi32>
    %shift_left3A_178 = arith.shli %shift_right_logical3A_175, %shift_left3A_177 : vector<16xi32>
    %and3A_179 = arith.constant 127 : i32
    %and3A_180 = vector.broadcast %and3A_179 : i32 to vector<16xi32>
    %and3A_181 = arith.andi %get3A_172, %and3A_180 : vector<16xi32>
    %add3A_182 = arith.addi %shift_left3A_178, %and3A_181 : vector<16xi32>
    %get3A_183 = arith.constant 240 : index
    %get3A_184 = tpu.vector_load %arg6[%get3A_183] {strides = array<i32>} : memref<256xi32, #tpu.memory_space<vmem>>, vector<16xi32>,
    %shift_right_logical3A_185 = arith.constant 7 : i32
    %shift_right_logical3A_186 = vector.broadcast %shift_right_logical3A_185 : i32 to vector<16xi32>
    %shift_right_logical3A_187 = arith.shrui %get3A_184, %shift_right_logical3A_186 : vector<16xi32>
    %shift_left3A_188 = arith.constant 10 : i32
    %shift_left3A_189 = vector.broadcast %shift_left3A_188 : i32 to vector<16xi32>
    %shift_left3A_190 = arith.shli %shift_right_logical3A_187, %shift_left3A_189 : vector<16xi32>
    %and3A_191 = arith.constant 127 : i32
    %and3A_192 = vector.broadcast %and3A_191 : i32 to vector<16xi32>
    %and3A_193 = arith.andi %get3A_184, %and3A_192 : vector<16xi32>
    %add3A_194 = arith.addi %shift_left3A_190, %and3A_193 : vector<16xi32>
    %add3A_195 = arith.constant 0 : i32
    %add3A_196 = arith.addi %mul3A_2, %add3A_195 : i32
    %mul3A_197 = arith.constant 28672 : i32
    %mul3A_198 = arith.muli %add3A_196, %mul3A_197 : i32
    %dma_start3A = tpu.memref_slice %arg2[%mul3A_198] : memref<38535168xf32, #tpu.memory_space<hbm>> -> memref<28672xf32, #tpu.memory_space<hbm>>
    %dma_start3A_199 = tpu.memref_slice %arg2[%mul3A_198] : memref<38535168xf32, #tpu.memory_space<hbm>> -> memref<28672xf32, #tpu.memory_space<hbm>>
    tpu.enqueue_dma source(%dma_start3A_199 : memref<28672xf32, #tpu.memory_space<hbm>>) target(%arg8 : memref<28672xf32, #tpu.memory_space<vmem>>) target_semaphore(%arg12 : memref<!tpu.dma_semaphore, #tpu.memory_space<semaphore_mem>>)
    %scan3A = arith.constant 0 : i32
    %scan3A_200 = arith.constant 0 : i32
    %scan3A_201 = arith.constant 21 : i32
    %scan3A_202 = arith.addi %scan3A_200, %scan3A_201 : i32
    %scan3A_203 = arith.constant 1 : i32
    %scan3A_204 = scf.for %scan3A_213 = %scan3A_200 to %scan3A_202 step %scan3A_203 iter_args(%scan3A_214 = %scan3A) -> (i32)  : i32 {
      %mul3A_215 = arith.constant 2 : i32
      %mul3A_216 = arith.muli %scan3A_213, %mul3A_215 : i32
      %add3A_217 = arith.constant 0 : i32
      %add3A_218 = arith.addi %mul3A_216, %add3A_217 : i32
      %add3A_219 = arith.constant 1 : i32
      %add3A_220 = arith.addi %add3A_218, %add3A_219 : i32
      %lt3A = arith.constant 42 : i32
      %lt3A_221 = arith.cmpi slt, %add3A_220, %lt3A : i32
      %convert_element_type3A = arith.extui %lt3A_221 : i1 to i32
      %cond3A = arith.constant 0 : i32
      %cond3A_222 = arith.cmpi ne, %convert_element_type3A, %cond3A : i32
      scf.if %cond3A_222 {
        %add3A_267 = arith.constant 1 : i32
        %add3A_268 = arith.addi %add3A_218, %add3A_267 : i32
        %add3A_269 = arith.addi %mul3A_2, %add3A_268 : i32
        %mul3A_270 = arith.constant 28672 : i32
        %mul3A_271 = arith.muli %add3A_269, %mul3A_270 : i32
        %dma_start3A_272 = tpu.memref_slice %arg2[%mul3A_271] : memref<38535168xf32, #tpu.memory_space<hbm>> -> memref<28672xf32, #tpu.memory_space<hbm>>
        %dma_start3A_273 = tpu.memref_slice %arg2[%mul3A_271] : memref<38535168xf32, #tpu.memory_space<hbm>> -> memref<28672xf32, #tpu.memory_space<hbm>>
        tpu.enqueue_dma source(%dma_start3A_273 : memref<28672xf32, #tpu.memory_space<hbm>>) target(%arg9 : memref<28672xf32, #tpu.memory_space<vmem>>) target_semaphore(%arg13 : memref<!tpu.dma_semaphore, #tpu.memory_space<semaphore_mem>>)
      } else {
      }
      %dma_wait3A_223 = arith.constant 0 : i32
      %dma_wait3A_224 = tpu.memref_slice %arg2[%dma_wait3A_223] : memref<38535168xf32, #tpu.memory_space<hbm>> -> memref<28672xf32, #tpu.memory_space<hbm>>
      %dma_wait3A_225 = arith.constant 0 : i32
      %dma_wait3A_226 = tpu.memref_slice %arg2[%dma_wait3A_225] : memref<38535168xf32, #tpu.memory_space<hbm>> -> memref<28672xf32, #tpu.memory_space<hbm>>
      tpu.wait_dma2 semaphore(%arg12 : memref<!tpu.dma_semaphore, #tpu.memory_space<semaphore_mem>>) src(%dma_wait3A_226 : memref<28672xf32, #tpu.memory_space<hbm>>) dst(%arg8 : memref<28672xf32, #tpu.memory_space<vmem>>)
      %ge3A = arith.constant 2 : i32
      %ge3A_227 = arith.cmpi sge, %add3A_218, %ge3A : i32
      %convert_element_type3A_228 = arith.extui %ge3A_227 : i1 to i32
      %cond3A_229 = arith.constant 0 : i32
      %cond3A_230 = arith.cmpi ne, %convert_element_type3A_228, %cond3A_229 : i32
      scf.if %cond3A_230 {
        %dma_wait3A_267 = arith.constant 0 : i32
        %dma_wait3A_268 = tpu.memref_slice %arg5[%dma_wait3A_267] : memref<38535168xf32, #tpu.memory_space<hbm>> -> memref<28672xf32, #tpu.memory_space<hbm>>
        %dma_wait3A_269 = arith.constant 0 : i32
        %dma_wait3A_270 = tpu.memref_slice %arg5[%dma_wait3A_269] : memref<38535168xf32, #tpu.memory_space<hbm>> -> memref<28672xf32, #tpu.memory_space<hbm>>
        tpu.wait_dma2 semaphore(%arg14 : memref<!tpu.dma_semaphore, #tpu.memory_space<semaphore_mem>>) src(%arg10 : memref<28672xf32, #tpu.memory_space<vmem>>) dst(%dma_wait3A_270 : memref<28672xf32, #tpu.memory_space<hbm>>)
      } else {
      }
      %parallel_loop3A = arith.constant 0 : i32
      %parallel_loop3A_231 = arith.constant 112 : i32
      %parallel_loop3A_232 = arith.constant 1 : i32
      scf.for %parallel_loop3A_267 = %parallel_loop3A to %parallel_loop3A_231 step %parallel_loop3A_232  : i32 {
        %parallel_loop3A_268 = arith.constant 3 : i32
        %parallel_loop3A_269 = arith.shrui %parallel_loop3A_267, %parallel_loop3A_268 : i32
        %parallel_loop3A_270 = arith.constant 7 : i32
        %parallel_loop3A_271 = arith.andi %parallel_loop3A_267, %parallel_loop3A_270 : i32
        %parallel_loop3A_272 = arith.constant 2048 : i32
        %parallel_loop3A_273 = arith.muli %parallel_loop3A_269, %parallel_loop3A_272 : i32
        %parallel_loop3A_274 = arith.constant 128 : i32
        %parallel_loop3A_275 = arith.muli %parallel_loop3A_271, %parallel_loop3A_274 : i32
        %parallel_loop3A_276 = arith.addi %parallel_loop3A_273, %parallel_loop3A_275 : i32
        %parallel_loop3A_277 = tpu.assume_multiple %parallel_loop3A_276, 128 : i32
        %parallel_loop3A_278 = arith.constant 0 : i32
        %parallel_loop3A_279 = arith.addi %parallel_loop3A_277, %parallel_loop3A_278 : i32
        %parallel_loop3A_280 = arith.index_cast %parallel_loop3A_279 : i32 to index
        %parallel_loop3A_281 = tpu.vector_load %arg8[%parallel_loop3A_280] {strides = array<i32>} : memref<28672xf32, #tpu.memory_space<vmem>>, vector<16xf32>,
        %parallel_loop3A_282 = vector.broadcast %parallel_loop3A_277 : i32 to vector<16xi32>
        %parallel_loop3A_283 = arith.addi %add3A_14, %parallel_loop3A_282 : vector<16xi32>
        %parallel_loop3A_284 = tpu.vector_load_idx %arg8[%parallel_loop3A_283] : memref<28672xf32, #tpu.memory_space<vmem>>[vector<16xi32>], vector<16xf32>,
        %parallel_loop3A_285 = arith.mulf %get3A_3, %parallel_loop3A_281 : vector<16xf32>
        %parallel_loop3A_286 = arith.mulf %sub3A_5, %parallel_loop3A_284 : vector<16xf32>
        %parallel_loop3A_287 = arith.addf %parallel_loop3A_285, %parallel_loop3A_286 : vector<16xf32>
        %parallel_loop3A_288 = arith.constant 0 : i32
        %parallel_loop3A_289 = arith.addi %parallel_loop3A_277, %parallel_loop3A_288 : i32
        %parallel_loop3A_290 = arith.index_cast %parallel_loop3A_289 : i32 to index
        %parallel_loop3A_291 = tpu.vector_load %arg10[%parallel_loop3A_290] {strides = array<i32>} : memref<28672xf32, #tpu.memory_space<vmem>>, vector<16xf32>,
        tpu.vector_store %arg10[%parallel_loop3A_290], %parallel_loop3A_287 {strides = array<i32>} : memref<28672xf32, #tpu.memory_space<vmem>>, vector<16xf32>,
        %parallel_loop3A_292 = arith.constant 16 : i32
        %parallel_loop3A_293 = arith.addi %parallel_loop3A_277, %parallel_loop3A_292 : i32
        %parallel_loop3A_294 = arith.index_cast %parallel_loop3A_293 : i32 to index
        %parallel_loop3A_295 = tpu.vector_load %arg8[%parallel_loop3A_294] {strides = array<i32>} : memref<28672xf32, #tpu.memory_space<vmem>>, vector<16xf32>,
        %parallel_loop3A_296 = vector.broadcast %parallel_loop3A_277 : i32 to vector<16xi32>
        %parallel_loop3A_297 = arith.addi %add3A_26, %parallel_loop3A_296 : vector<16xi32>
        %parallel_loop3A_298 = tpu.vector_load_idx %arg8[%parallel_loop3A_297] : memref<28672xf32, #tpu.memory_space<vmem>>[vector<16xi32>], vector<16xf32>,
        %parallel_loop3A_299 = arith.mulf %get3A_3, %parallel_loop3A_295 : vector<16xf32>
        %parallel_loop3A_300 = arith.mulf %sub3A_5, %parallel_loop3A_298 : vector<16xf32>
        %parallel_loop3A_301 = arith.addf %parallel_loop3A_299, %parallel_loop3A_300 : vector<16xf32>
        %parallel_loop3A_302 = arith.constant 16 : i32
        %parallel_loop3A_303 = arith.addi %parallel_loop3A_277, %parallel_loop3A_302 : i32
        %parallel_loop3A_304 = arith.index_cast %parallel_loop3A_303 : i32 to index
        %parallel_loop3A_305 = tpu.vector_load %arg10[%parallel_loop3A_304] {strides = array<i32>} : memref<28672xf32, #tpu.memory_space<vmem>>, vector<16xf32>,
        tpu.vector_store %arg10[%parallel_loop3A_304], %parallel_loop3A_301 {strides = array<i32>} : memref<28672xf32, #tpu.memory_space<vmem>>, vector<16xf32>,
        %parallel_loop3A_306 = arith.constant 32 : i32
        %parallel_loop3A_307 = arith.addi %parallel_loop3A_277, %parallel_loop3A_306 : i32
        %parallel_loop3A_308 = arith.index_cast %parallel_loop3A_307 : i32 to index
        %parallel_loop3A_309 = tpu.vector_load %arg8[%parallel_loop3A_308] {strides = array<i32>} : memref<28672xf32, #tpu.memory_space<vmem>>, vector<16xf32>,
        %parallel_loop3A_310 = vector.broadcast %parallel_loop3A_277 : i32 to vector<16xi32>
        %parallel_loop3A_311 = arith.addi %add3A_38, %parallel_loop3A_310 : vector<16xi32>
        %parallel_loop3A_312 = tpu.vector_load_idx %arg8[%parallel_loop3A_311] : memref<28672xf32, #tpu.memory_space<vmem>>[vector<16xi32>], vector<16xf32>,
        %parallel_loop3A_313 = arith.mulf %get3A_3, %parallel_loop3A_309 : vector<16xf32>
        %parallel_loop3A_314 = arith.mulf %sub3A_5, %parallel_loop3A_312 : vector<16xf32>
        %parallel_loop3A_315 = arith.addf %parallel_loop3A_313, %parallel_loop3A_314 : vector<16xf32>
        %parallel_loop3A_316 = arith.constant 32 : i32
        %parallel_loop3A_317 = arith.addi %parallel_loop3A_277, %parallel_loop3A_316 : i32
        %parallel_loop3A_318 = arith.index_cast %parallel_loop3A_317 : i32 to index
        %parallel_loop3A_319 = tpu.vector_load %arg10[%parallel_loop3A_318] {strides = array<i32>} : memref<28672xf32, #tpu.memory_space<vmem>>, vector<16xf32>,
        tpu.vector_store %arg10[%parallel_loop3A_318], %parallel_loop3A_315 {strides = array<i32>} : memref<28672xf32, #tpu.memory_space<vmem>>, vector<16xf32>,
        %parallel_loop3A_320 = arith.constant 48 : i32
        %parallel_loop3A_321 = arith.addi %parallel_loop3A_277, %parallel_loop3A_320 : i32
        %parallel_loop3A_322 = arith.index_cast %parallel_loop3A_321 : i32 to index
        %parallel_loop3A_323 = tpu.vector_load %arg8[%parallel_loop3A_322] {strides = array<i32>} : memref<28672xf32, #tpu.memory_space<vmem>>, vector<16xf32>,
        %parallel_loop3A_324 = vector.broadcast %parallel_loop3A_277 : i32 to vector<16xi32>
        %parallel_loop3A_325 = arith.addi %add3A_50, %parallel_loop3A_324 : vector<16xi32>
        %parallel_loop3A_326 = tpu.vector_load_idx %arg8[%parallel_loop3A_325] : memref<28672xf32, #tpu.memory_space<vmem>>[vector<16xi32>], vector<16xf32>,
        %parallel_loop3A_327 = arith.mulf %get3A_3, %parallel_loop3A_323 : vector<16xf32>
        %parallel_loop3A_328 = arith.mulf %sub3A_5, %parallel_loop3A_326 : vector<16xf32>
        %parallel_loop3A_329 = arith.addf %parallel_loop3A_327, %parallel_loop3A_328 : vector<16xf32>
        %parallel_loop3A_330 = arith.constant 48 : i32
        %parallel_loop3A_331 = arith.addi %parallel_loop3A_277, %parallel_loop3A_330 : i32
        %parallel_loop3A_332 = arith.index_cast %parallel_loop3A_331 : i32 to index
        %parallel_loop3A_333 = tpu.vector_load %arg10[%parallel_loop3A_332] {strides = array<i32>} : memref<28672xf32, #tpu.memory_space<vmem>>, vector<16xf32>,
        tpu.vector_store %arg10[%parallel_loop3A_332], %parallel_loop3A_329 {strides = array<i32>} : memref<28672xf32, #tpu.memory_space<vmem>>, vector<16xf32>,
        %parallel_loop3A_334 = arith.constant 64 : i32
        %parallel_loop3A_335 = arith.addi %parallel_loop3A_277, %parallel_loop3A_334 : i32
        %parallel_loop3A_336 = arith.index_cast %parallel_loop3A_335 : i32 to index
        %parallel_loop3A_337 = tpu.vector_load %arg8[%parallel_loop3A_336] {strides = array<i32>} : memref<28672xf32, #tpu.memory_space<vmem>>, vector<16xf32>,
        %parallel_loop3A_338 = vector.broadcast %parallel_loop3A_277 : i32 to vector<16xi32>
        %parallel_loop3A_339 = arith.addi %add3A_62, %parallel_loop3A_338 : vector<16xi32>
        %parallel_loop3A_340 = tpu.vector_load_idx %arg8[%parallel_loop3A_339] : memref<28672xf32, #tpu.memory_space<vmem>>[vector<16xi32>], vector<16xf32>,
        %parallel_loop3A_341 = arith.mulf %get3A_3, %parallel_loop3A_337 : vector<16xf32>
        %parallel_loop3A_342 = arith.mulf %sub3A_5, %parallel_loop3A_340 : vector<16xf32>
        %parallel_loop3A_343 = arith.addf %parallel_loop3A_341, %parallel_loop3A_342 : vector<16xf32>
        %parallel_loop3A_344 = arith.constant 64 : i32
        %parallel_loop3A_345 = arith.addi %parallel_loop3A_277, %parallel_loop3A_344 : i32
        %parallel_loop3A_346 = arith.index_cast %parallel_loop3A_345 : i32 to index
        %parallel_loop3A_347 = tpu.vector_load %arg10[%parallel_loop3A_346] {strides = array<i32>} : memref<28672xf32, #tpu.memory_space<vmem>>, vector<16xf32>,
        tpu.vector_store %arg10[%parallel_loop3A_346], %parallel_loop3A_343 {strides = array<i32>} : memref<28672xf32, #tpu.memory_space<vmem>>, vector<16xf32>,
        %parallel_loop3A_348 = arith.constant 80 : i32
        %parallel_loop3A_349 = arith.addi %parallel_loop3A_277, %parallel_loop3A_348 : i32
        %parallel_loop3A_350 = arith.index_cast %parallel_loop3A_349 : i32 to index
        %parallel_loop3A_351 = tpu.vector_load %arg8[%parallel_loop3A_350] {strides = array<i32>} : memref<28672xf32, #tpu.memory_space<vmem>>, vector<16xf32>,
        %parallel_loop3A_352 = vector.broadcast %parallel_loop3A_277 : i32 to vector<16xi32>
        %parallel_loop3A_353 = arith.addi %add3A_74, %parallel_loop3A_352 : vector<16xi32>
        %parallel_loop3A_354 = tpu.vector_load_idx %arg8[%parallel_loop3A_353] : memref<28672xf32, #tpu.memory_space<vmem>>[vector<16xi32>], vector<16xf32>,
        %parallel_loop3A_355 = arith.mulf %get3A_3, %parallel_loop3A_351 : vector<16xf32>
        %parallel_loop3A_356 = arith.mulf %sub3A_5, %parallel_loop3A_354 : vector<16xf32>
        %parallel_loop3A_357 = arith.addf %parallel_loop3A_355, %parallel_loop3A_356 : vector<16xf32>
        %parallel_loop3A_358 = arith.constant 80 : i32
        %parallel_loop3A_359 = arith.addi %parallel_loop3A_277, %parallel_loop3A_358 : i32
        %parallel_loop3A_360 = arith.index_cast %parallel_loop3A_359 : i32 to index
        %parallel_loop3A_361 = tpu.vector_load %arg10[%parallel_loop3A_360] {strides = array<i32>} : memref<28672xf32, #tpu.memory_space<vmem>>, vector<16xf32>,
        tpu.vector_store %arg10[%parallel_loop3A_360], %parallel_loop3A_357 {strides = array<i32>} : memref<28672xf32, #tpu.memory_space<vmem>>, vector<16xf32>,
        %parallel_loop3A_362 = arith.constant 96 : i32
        %parallel_loop3A_363 = arith.addi %parallel_loop3A_277, %parallel_loop3A_362 : i32
        %parallel_loop3A_364 = arith.index_cast %parallel_loop3A_363 : i32 to index
        %parallel_loop3A_365 = tpu.vector_load %arg8[%parallel_loop3A_364] {strides = array<i32>} : memref<28672xf32, #tpu.memory_space<vmem>>, vector<16xf32>,
        %parallel_loop3A_366 = vector.broadcast %parallel_loop3A_277 : i32 to vector<16xi32>
        %parallel_loop3A_367 = arith.addi %add3A_86, %parallel_loop3A_366 : vector<16xi32>
        %parallel_loop3A_368 = tpu.vector_load_idx %arg8[%parallel_loop3A_367] : memref<28672xf32, #tpu.memory_space<vmem>>[vector<16xi32>], vector<16xf32>,
        %parallel_loop3A_369 = arith.mulf %get3A_3, %parallel_loop3A_365 : vector<16xf32>
        %parallel_loop3A_370 = arith.mulf %sub3A_5, %parallel_loop3A_368 : vector<16xf32>
        %parallel_loop3A_371 = arith.addf %parallel_loop3A_369, %parallel_loop3A_370 : vector<16xf32>
        %parallel_loop3A_372 = arith.constant 96 : i32
        %parallel_loop3A_373 = arith.addi %parallel_loop3A_277, %parallel_loop3A_372 : i32
        %parallel_loop3A_374 = arith.index_cast %parallel_loop3A_373 : i32 to index
        %parallel_loop3A_375 = tpu.vector_load %arg10[%parallel_loop3A_374] {strides = array<i32>} : memref<28672xf32, #tpu.memory_space<vmem>>, vector<16xf32>,
        tpu.vector_store %arg10[%parallel_loop3A_374], %parallel_loop3A_371 {strides = array<i32>} : memref<28672xf32, #tpu.memory_space<vmem>>, vector<16xf32>,
        %parallel_loop3A_376 = arith.constant 112 : i32
        %parallel_loop3A_377 = arith.addi %parallel_loop3A_277, %parallel_loop3A_376 : i32
        %parallel_loop3A_378 = arith.index_cast %parallel_loop3A_377 : i32 to index
        %parallel_loop3A_379 = tpu.vector_load %arg8[%parallel_loop3A_378] {strides = array<i32>} : memref<28672xf32, #tpu.memory_space<vmem>>, vector<16xf32>,
        %parallel_loop3A_380 = vector.broadcast %parallel_loop3A_277 : i32 to vector<16xi32>
        %parallel_loop3A_381 = arith.addi %add3A_98, %parallel_loop3A_380 : vector<16xi32>
        %parallel_loop3A_382 = tpu.vector_load_idx %arg8[%parallel_loop3A_381] : memref<28672xf32, #tpu.memory_space<vmem>>[vector<16xi32>], vector<16xf32>,
        %parallel_loop3A_383 = arith.mulf %get3A_3, %parallel_loop3A_379 : vector<16xf32>
        %parallel_loop3A_384 = arith.mulf %sub3A_5, %parallel_loop3A_382 : vector<16xf32>
        %parallel_loop3A_385 = arith.addf %parallel_loop3A_383, %parallel_loop3A_384 : vector<16xf32>
        %parallel_loop3A_386 = arith.constant 112 : i32
        %parallel_loop3A_387 = arith.addi %parallel_loop3A_277, %parallel_loop3A_386 : i32
        %parallel_loop3A_388 = arith.index_cast %parallel_loop3A_387 : i32 to index
        %parallel_loop3A_389 = tpu.vector_load %arg10[%parallel_loop3A_388] {strides = array<i32>} : memref<28672xf32, #tpu.memory_space<vmem>>, vector<16xf32>,
        tpu.vector_store %arg10[%parallel_loop3A_388], %parallel_loop3A_385 {strides = array<i32>} : memref<28672xf32, #tpu.memory_space<vmem>>, vector<16xf32>,
        %parallel_loop3A_390 = arith.constant 1024 : i32
        %parallel_loop3A_391 = arith.addi %parallel_loop3A_277, %parallel_loop3A_390 : i32
        %parallel_loop3A_392 = arith.index_cast %parallel_loop3A_391 : i32 to index
        %parallel_loop3A_393 = tpu.vector_load %arg8[%parallel_loop3A_392] {strides = array<i32>} : memref<28672xf32, #tpu.memory_space<vmem>>, vector<16xf32>,
        %parallel_loop3A_394 = vector.broadcast %parallel_loop3A_277 : i32 to vector<16xi32>
        %parallel_loop3A_395 = arith.addi %add3A_110, %parallel_loop3A_394 : vector<16xi32>
        %parallel_loop3A_396 = tpu.vector_load_idx %arg8[%parallel_loop3A_395] : memref<28672xf32, #tpu.memory_space<vmem>>[vector<16xi32>], vector<16xf32>,
        %parallel_loop3A_397 = arith.mulf %get3A_3, %parallel_loop3A_393 : vector<16xf32>
        %parallel_loop3A_398 = arith.mulf %sub3A_5, %parallel_loop3A_396 : vector<16xf32>
        %parallel_loop3A_399 = arith.addf %parallel_loop3A_397, %parallel_loop3A_398 : vector<16xf32>
        %parallel_loop3A_400 = arith.constant 1024 : i32
        %parallel_loop3A_401 = arith.addi %parallel_loop3A_277, %parallel_loop3A_400 : i32
        %parallel_loop3A_402 = arith.index_cast %parallel_loop3A_401 : i32 to index
        %parallel_loop3A_403 = tpu.vector_load %arg10[%parallel_loop3A_402] {strides = array<i32>} : memref<28672xf32, #tpu.memory_space<vmem>>, vector<16xf32>,
        tpu.vector_store %arg10[%parallel_loop3A_402], %parallel_loop3A_399 {strides = array<i32>} : memref<28672xf32, #tpu.memory_space<vmem>>, vector<16xf32>,
        %parallel_loop3A_404 = arith.constant 1040 : i32
        %parallel_loop3A_405 = arith.addi %parallel_loop3A_277, %parallel_loop3A_404 : i32
        %parallel_loop3A_406 = arith.index_cast %parallel_loop3A_405 : i32 to index
        %parallel_loop3A_407 = tpu.vector_load %arg8[%parallel_loop3A_406] {strides = array<i32>} : memref<28672xf32, #tpu.memory_space<vmem>>, vector<16xf32>,
        %parallel_loop3A_408 = vector.broadcast %parallel_loop3A_277 : i32 to vector<16xi32>
        %parallel_loop3A_409 = arith.addi %add3A_122, %parallel_loop3A_408 : vector<16xi32>
        %parallel_loop3A_410 = tpu.vector_load_idx %arg8[%parallel_loop3A_409] : memref<28672xf32, #tpu.memory_space<vmem>>[vector<16xi32>], vector<16xf32>,
        %parallel_loop3A_411 = arith.mulf %get3A_3, %parallel_loop3A_407 : vector<16xf32>
        %parallel_loop3A_412 = arith.mulf %sub3A_5, %parallel_loop3A_410 : vector<16xf32>
        %parallel_loop3A_413 = arith.addf %parallel_loop3A_411, %parallel_loop3A_412 : vector<16xf32>
        %parallel_loop3A_414 = arith.constant 1040 : i32
        %parallel_loop3A_415 = arith.addi %parallel_loop3A_277, %parallel_loop3A_414 : i32
        %parallel_loop3A_416 = arith.index_cast %parallel_loop3A_415 : i32 to index
        %parallel_loop3A_417 = tpu.vector_load %arg10[%parallel_loop3A_416] {strides = array<i32>} : memref<28672xf32, #tpu.memory_space<vmem>>, vector<16xf32>,
        tpu.vector_store %arg10[%parallel_loop3A_416], %parallel_loop3A_413 {strides = array<i32>} : memref<28672xf32, #tpu.memory_space<vmem>>, vector<16xf32>,
        %parallel_loop3A_418 = arith.constant 1056 : i32
        %parallel_loop3A_419 = arith.addi %parallel_loop3A_277, %parallel_loop3A_418 : i32
        %parallel_loop3A_420 = arith.index_cast %parallel_loop3A_419 : i32 to index
        %parallel_loop3A_421 = tpu.vector_load %arg8[%parallel_loop3A_420] {strides = array<i32>} : memref<28672xf32, #tpu.memory_space<vmem>>, vector<16xf32>,
        %parallel_loop3A_422 = vector.broadcast %parallel_loop3A_277 : i32 to vector<16xi32>
        %parallel_loop3A_423 = arith.addi %add3A_134, %parallel_loop3A_422 : vector<16xi32>
        %parallel_loop3A_424 = tpu.vector_load_idx %arg8[%parallel_loop3A_423] : memref<28672xf32, #tpu.memory_space<vmem>>[vector<16xi32>], vector<16xf32>,
        %parallel_loop3A_425 = arith.mulf %get3A_3, %parallel_loop3A_421 : vector<16xf32>
        %parallel_loop3A_426 = arith.mulf %sub3A_5, %parallel_loop3A_424 : vector<16xf32>
        %parallel_loop3A_427 = arith.addf %parallel_loop3A_425, %parallel_loop3A_426 : vector<16xf32>
        %parallel_loop3A_428 = arith.constant 1056 : i32
        %parallel_loop3A_429 = arith.addi %parallel_loop3A_277, %parallel_loop3A_428 : i32
        %parallel_loop3A_430 = arith.index_cast %parallel_loop3A_429 : i32 to index
        %parallel_loop3A_431 = tpu.vector_load %arg10[%parallel_loop3A_430] {strides = array<i32>} : memref<28672xf32, #tpu.memory_space<vmem>>, vector<16xf32>,
        tpu.vector_store %arg10[%parallel_loop3A_430], %parallel_loop3A_427 {strides = array<i32>} : memref<28672xf32, #tpu.memory_space<vmem>>, vector<16xf32>,
        %parallel_loop3A_432 = arith.constant 1072 : i32
        %parallel_loop3A_433 = arith.addi %parallel_loop3A_277, %parallel_loop3A_432 : i32
        %parallel_loop3A_434 = arith.index_cast %parallel_loop3A_433 : i32 to index
        %parallel_loop3A_435 = tpu.vector_load %arg8[%parallel_loop3A_434] {strides = array<i32>} : memref<28672xf32, #tpu.memory_space<vmem>>, vector<16xf32>,
        %parallel_loop3A_436 = vector.broadcast %parallel_loop3A_277 : i32 to vector<16xi32>
        %parallel_loop3A_437 = arith.addi %add3A_146, %parallel_loop3A_436 : vector<16xi32>
        %parallel_loop3A_438 = tpu.vector_load_idx %arg8[%parallel_loop3A_437] : memref<28672xf32, #tpu.memory_space<vmem>>[vector<16xi32>], vector<16xf32>,
        %parallel_loop3A_439 = arith.mulf %get3A_3, %parallel_loop3A_435 : vector<16xf32>
        %parallel_loop3A_440 = arith.mulf %sub3A_5, %parallel_loop3A_438 : vector<16xf32>
        %parallel_loop3A_441 = arith.addf %parallel_loop3A_439, %parallel_loop3A_440 : vector<16xf32>
        %parallel_loop3A_442 = arith.constant 1072 : i32
        %parallel_loop3A_443 = arith.addi %parallel_loop3A_277, %parallel_loop3A_442 : i32
        %parallel_loop3A_444 = arith.index_cast %parallel_loop3A_443 : i32 to index
        %parallel_loop3A_445 = tpu.vector_load %arg10[%parallel_loop3A_444] {strides = array<i32>} : memref<28672xf32, #tpu.memory_space<vmem>>, vector<16xf32>,
        tpu.vector_store %arg10[%parallel_loop3A_444], %parallel_loop3A_441 {strides = array<i32>} : memref<28672xf32, #tpu.memory_space<vmem>>, vector<16xf32>,
        %parallel_loop3A_446 = arith.constant 1088 : i32
        %parallel_loop3A_447 = arith.addi %parallel_loop3A_277, %parallel_loop3A_446 : i32
        %parallel_loop3A_448 = arith.index_cast %parallel_loop3A_447 : i32 to index
        %parallel_loop3A_449 = tpu.vector_load %arg8[%parallel_loop3A_448] {strides = array<i32>} : memref<28672xf32, #tpu.memory_space<vmem>>, vector<16xf32>,
        %parallel_loop3A_450 = vector.broadcast %parallel_loop3A_277 : i32 to vector<16xi32>
        %parallel_loop3A_451 = arith.addi %add3A_158, %parallel_loop3A_450 : vector<16xi32>
        %parallel_loop3A_452 = tpu.vector_load_idx %arg8[%parallel_loop3A_451] : memref<28672xf32, #tpu.memory_space<vmem>>[vector<16xi32>], vector<16xf32>,
        %parallel_loop3A_453 = arith.mulf %get3A_3, %parallel_loop3A_449 : vector<16xf32>
        %parallel_loop3A_454 = arith.mulf %sub3A_5, %parallel_loop3A_452 : vector<16xf32>
        %parallel_loop3A_455 = arith.addf %parallel_loop3A_453, %parallel_loop3A_454 : vector<16xf32>
        %parallel_loop3A_456 = arith.constant 1088 : i32
        %parallel_loop3A_457 = arith.addi %parallel_loop3A_277, %parallel_loop3A_456 : i32
        %parallel_loop3A_458 = arith.index_cast %parallel_loop3A_457 : i32 to index
        %parallel_loop3A_459 = tpu.vector_load %arg10[%parallel_loop3A_458] {strides = array<i32>} : memref<28672xf32, #tpu.memory_space<vmem>>, vector<16xf32>,
        tpu.vector_store %arg10[%parallel_loop3A_458], %parallel_loop3A_455 {strides = array<i32>} : memref<28672xf32, #tpu.memory_space<vmem>>, vector<16xf32>,
        %parallel_loop3A_460 = arith.constant 1104 : i32
        %parallel_loop3A_461 = arith.addi %parallel_loop3A_277, %parallel_loop3A_460 : i32
        %parallel_loop3A_462 = arith.index_cast %parallel_loop3A_461 : i32 to index
        %parallel_loop3A_463 = tpu.vector_load %arg8[%parallel_loop3A_462] {strides = array<i32>} : memref<28672xf32, #tpu.memory_space<vmem>>, vector<16xf32>,
        %parallel_loop3A_464 = vector.broadcast %parallel_loop3A_277 : i32 to vector<16xi32>
        %parallel_loop3A_465 = arith.addi %add3A_170, %parallel_loop3A_464 : vector<16xi32>
        %parallel_loop3A_466 = tpu.vector_load_idx %arg8[%parallel_loop3A_465] : memref<28672xf32, #tpu.memory_space<vmem>>[vector<16xi32>], vector<16xf32>,
        %parallel_loop3A_467 = arith.mulf %get3A_3, %parallel_loop3A_463 : vector<16xf32>
        %parallel_loop3A_468 = arith.mulf %sub3A_5, %parallel_loop3A_466 : vector<16xf32>
        %parallel_loop3A_469 = arith.addf %parallel_loop3A_467, %parallel_loop3A_468 : vector<16xf32>
        %parallel_loop3A_470 = arith.constant 1104 : i32
        %parallel_loop3A_471 = arith.addi %parallel_loop3A_277, %parallel_loop3A_470 : i32
        %parallel_loop3A_472 = arith.index_cast %parallel_loop3A_471 : i32 to index
        %parallel_loop3A_473 = tpu.vector_load %arg10[%parallel_loop3A_472] {strides = array<i32>} : memref<28672xf32, #tpu.memory_space<vmem>>, vector<16xf32>,
        tpu.vector_store %arg10[%parallel_loop3A_472], %parallel_loop3A_469 {strides = array<i32>} : memref<28672xf32, #tpu.memory_space<vmem>>, vector<16xf32>,
        %parallel_loop3A_474 = arith.constant 1120 : i32
        %parallel_loop3A_475 = arith.addi %parallel_loop3A_277, %parallel_loop3A_474 : i32
        %parallel_loop3A_476 = arith.index_cast %parallel_loop3A_475 : i32 to index
        %parallel_loop3A_477 = tpu.vector_load %arg8[%parallel_loop3A_476] {strides = array<i32>} : memref<28672xf32, #tpu.memory_space<vmem>>, vector<16xf32>,
        %parallel_loop3A_478 = vector.broadcast %parallel_loop3A_277 : i32 to vector<16xi32>
        %parallel_loop3A_479 = arith.addi %add3A_182, %parallel_loop3A_478 : vector<16xi32>
        %parallel_loop3A_480 = tpu.vector_load_idx %arg8[%parallel_loop3A_479] : memref<28672xf32, #tpu.memory_space<vmem>>[vector<16xi32>], vector<16xf32>,
        %parallel_loop3A_481 = arith.mulf %get3A_3, %parallel_loop3A_477 : vector<16xf32>
        %parallel_loop3A_482 = arith.mulf %sub3A_5, %parallel_loop3A_480 : vector<16xf32>
        %parallel_loop3A_483 = arith.addf %parallel_loop3A_481, %parallel_loop3A_482 : vector<16xf32>
        %parallel_loop3A_484 = arith.constant 1120 : i32
        %parallel_loop3A_485 = arith.addi %parallel_loop3A_277, %parallel_loop3A_484 : i32
        %parallel_loop3A_486 = arith.index_cast %parallel_loop3A_485 : i32 to index
        %parallel_loop3A_487 = tpu.vector_load %arg10[%parallel_loop3A_486] {strides = array<i32>} : memref<28672xf32, #tpu.memory_space<vmem>>, vector<16xf32>,
        tpu.vector_store %arg10[%parallel_loop3A_486], %parallel_loop3A_483 {strides = array<i32>} : memref<28672xf32, #tpu.memory_space<vmem>>, vector<16xf32>,
        %parallel_loop3A_488 = arith.constant 1136 : i32
        %parallel_loop3A_489 = arith.addi %parallel_loop3A_277, %parallel_loop3A_488 : i32
        %parallel_loop3A_490 = arith.index_cast %parallel_loop3A_489 : i32 to index
        %parallel_loop3A_491 = tpu.vector_load %arg8[%parallel_loop3A_490] {strides = array<i32>} : memref<28672xf32, #tpu.memory_space<vmem>>, vector<16xf32>,
        %parallel_loop3A_492 = vector.broadcast %parallel_loop3A_277 : i32 to vector<16xi32>
        %parallel_loop3A_493 = arith.addi %add3A_194, %parallel_loop3A_492 : vector<16xi32>
        %parallel_loop3A_494 = tpu.vector_load_idx %arg8[%parallel_loop3A_493] : memref<28672xf32, #tpu.memory_space<vmem>>[vector<16xi32>], vector<16xf32>,
        %parallel_loop3A_495 = arith.mulf %get3A_3, %parallel_loop3A_491 : vector<16xf32>
        %parallel_loop3A_496 = arith.mulf %sub3A_5, %parallel_loop3A_494 : vector<16xf32>
        %parallel_loop3A_497 = arith.addf %parallel_loop3A_495, %parallel_loop3A_496 : vector<16xf32>
        %parallel_loop3A_498 = arith.constant 1136 : i32
        %parallel_loop3A_499 = arith.addi %parallel_loop3A_277, %parallel_loop3A_498 : i32
        %parallel_loop3A_500 = arith.index_cast %parallel_loop3A_499 : i32 to index
        %parallel_loop3A_501 = tpu.vector_load %arg10[%parallel_loop3A_500] {strides = array<i32>} : memref<28672xf32, #tpu.memory_space<vmem>>, vector<16xf32>,
        tpu.vector_store %arg10[%parallel_loop3A_500], %parallel_loop3A_497 {strides = array<i32>} : memref<28672xf32, #tpu.memory_space<vmem>>, vector<16xf32>,
      } {sc.loop_unroll_factor = 16 : i64, sc.parallel_access}
      %add3A_233 = arith.addi %mul3A_2, %add3A_218 : i32
      %mul3A_234 = arith.constant 28672 : i32
      %mul3A_235 = arith.muli %add3A_233, %mul3A_234 : i32
      %dma_start3A_236 = tpu.memref_slice %arg5[%mul3A_235] : memref<38535168xf32, #tpu.memory_space<hbm>> -> memref<28672xf32, #tpu.memory_space<hbm>>
      %dma_start3A_237 = tpu.memref_slice %arg5[%mul3A_235] : memref<38535168xf32, #tpu.memory_space<hbm>> -> memref<28672xf32, #tpu.memory_space<hbm>>
      tpu.enqueue_dma source(%arg10 : memref<28672xf32, #tpu.memory_space<vmem>>) target(%dma_start3A_237 : memref<28672xf32, #tpu.memory_space<hbm>>) target_semaphore(%arg14 : memref<!tpu.dma_semaphore, #tpu.memory_space<semaphore_mem>>)
      %mul3A_238 = arith.constant 2 : i32
      %mul3A_239 = arith.muli %scan3A_213, %mul3A_238 : i32
      %add3A_240 = arith.constant 1 : i32
      %add3A_241 = arith.addi %mul3A_239, %add3A_240 : i32
      %add3A_242 = arith.constant 1 : i32
      %add3A_243 = arith.addi %add3A_241, %add3A_242 : i32
      %lt3A_244 = arith.constant 42 : i32
      %lt3A_245 = arith.cmpi slt, %add3A_243, %lt3A_244 : i32
      %convert_element_type3A_246 = arith.extui %lt3A_245 : i1 to i32
      %cond3A_247 = arith.constant 0 : i32
      %cond3A_248 = arith.cmpi ne, %convert_element_type3A_246, %cond3A_247 : i32
      scf.if %cond3A_248 {
        %add3A_267 = arith.constant 1 : i32
        %add3A_268 = arith.addi %add3A_241, %add3A_267 : i32
        %add3A_269 = arith.addi %mul3A_2, %add3A_268 : i32
        %mul3A_270 = arith.constant 28672 : i32
        %mul3A_271 = arith.muli %add3A_269, %mul3A_270 : i32
        %dma_start3A_272 = tpu.memref_slice %arg2[%mul3A_271] : memref<38535168xf32, #tpu.memory_space<hbm>> -> memref<28672xf32, #tpu.memory_space<hbm>>
        %dma_start3A_273 = tpu.memref_slice %arg2[%mul3A_271] : memref<38535168xf32, #tpu.memory_space<hbm>> -> memref<28672xf32, #tpu.memory_space<hbm>>
        tpu.enqueue_dma source(%dma_start3A_273 : memref<28672xf32, #tpu.memory_space<hbm>>) target(%arg8 : memref<28672xf32, #tpu.memory_space<vmem>>) target_semaphore(%arg12 : memref<!tpu.dma_semaphore, #tpu.memory_space<semaphore_mem>>)
      } else {
      }
      %dma_wait3A_249 = arith.constant 0 : i32
      %dma_wait3A_250 = tpu.memref_slice %arg2[%dma_wait3A_249] : memref<38535168xf32, #tpu.memory_space<hbm>> -> memref<28672xf32, #tpu.memory_space<hbm>>
      %dma_wait3A_251 = arith.constant 0 : i32
      %dma_wait3A_252 = tpu.memref_slice %arg2[%dma_wait3A_251] : memref<38535168xf32, #tpu.memory_space<hbm>> -> memref<28672xf32, #tpu.memory_space<hbm>>
      tpu.wait_dma2 semaphore(%arg13 : memref<!tpu.dma_semaphore, #tpu.memory_space<semaphore_mem>>) src(%dma_wait3A_252 : memref<28672xf32, #tpu.memory_space<hbm>>) dst(%arg9 : memref<28672xf32, #tpu.memory_space<vmem>>)
      %ge3A_253 = arith.constant 2 : i32
      %ge3A_254 = arith.cmpi sge, %add3A_241, %ge3A_253 : i32
      %convert_element_type3A_255 = arith.extui %ge3A_254 : i1 to i32
      %cond3A_256 = arith.constant 0 : i32
      %cond3A_257 = arith.cmpi ne, %convert_element_type3A_255, %cond3A_256 : i32
      scf.if %cond3A_257 {
        %dma_wait3A_267 = arith.constant 0 : i32
        %dma_wait3A_268 = tpu.memref_slice %arg5[%dma_wait3A_267] : memref<38535168xf32, #tpu.memory_space<hbm>> -> memref<28672xf32, #tpu.memory_space<hbm>>
        %dma_wait3A_269 = arith.constant 0 : i32
        %dma_wait3A_270 = tpu.memref_slice %arg5[%dma_wait3A_269] : memref<38535168xf32, #tpu.memory_space<hbm>> -> memref<28672xf32, #tpu.memory_space<hbm>>
        tpu.wait_dma2 semaphore(%arg15 : memref<!tpu.dma_semaphore, #tpu.memory_space<semaphore_mem>>) src(%arg11 : memref<28672xf32, #tpu.memory_space<vmem>>) dst(%dma_wait3A_270 : memref<28672xf32, #tpu.memory_space<hbm>>)
      } else {
      }
      %parallel_loop3A_258 = arith.constant 0 : i32
      %parallel_loop3A_259 = arith.constant 112 : i32
      %parallel_loop3A_260 = arith.constant 1 : i32
      scf.for %parallel_loop3A_267 = %parallel_loop3A_258 to %parallel_loop3A_259 step %parallel_loop3A_260  : i32 {
        %parallel_loop3A_268 = arith.constant 3 : i32
        %parallel_loop3A_269 = arith.shrui %parallel_loop3A_267, %parallel_loop3A_268 : i32
        %parallel_loop3A_270 = arith.constant 7 : i32
        %parallel_loop3A_271 = arith.andi %parallel_loop3A_267, %parallel_loop3A_270 : i32
        %parallel_loop3A_272 = arith.constant 2048 : i32
        %parallel_loop3A_273 = arith.muli %parallel_loop3A_269, %parallel_loop3A_272 : i32
        %parallel_loop3A_274 = arith.constant 128 : i32
        %parallel_loop3A_275 = arith.muli %parallel_loop3A_271, %parallel_loop3A_274 : i32
        %parallel_loop3A_276 = arith.addi %parallel_loop3A_273, %parallel_loop3A_275 : i32
        %parallel_loop3A_277 = tpu.assume_multiple %parallel_loop3A_276, 128 : i32
        %parallel_loop3A_278 = arith.constant 0 : i32
        %parallel_loop3A_279 = arith.addi %parallel_loop3A_277, %parallel_loop3A_278 : i32
        %parallel_loop3A_280 = arith.index_cast %parallel_loop3A_279 : i32 to index
        %parallel_loop3A_281 = tpu.vector_load %arg9[%parallel_loop3A_280] {strides = array<i32>} : memref<28672xf32, #tpu.memory_space<vmem>>, vector<16xf32>,
        %parallel_loop3A_282 = vector.broadcast %parallel_loop3A_277 : i32 to vector<16xi32>
        %parallel_loop3A_283 = arith.addi %add3A_14, %parallel_loop3A_282 : vector<16xi32>
        %parallel_loop3A_284 = tpu.vector_load_idx %arg9[%parallel_loop3A_283] : memref<28672xf32, #tpu.memory_space<vmem>>[vector<16xi32>], vector<16xf32>,
        %parallel_loop3A_285 = arith.mulf %get3A_3, %parallel_loop3A_281 : vector<16xf32>
        %parallel_loop3A_286 = arith.mulf %sub3A_5, %parallel_loop3A_284 : vector<16xf32>
        %parallel_loop3A_287 = arith.addf %parallel_loop3A_285, %parallel_loop3A_286 : vector<16xf32>
        %parallel_loop3A_288 = arith.constant 0 : i32
        %parallel_loop3A_289 = arith.addi %parallel_loop3A_277, %parallel_loop3A_288 : i32
        %parallel_loop3A_290 = arith.index_cast %parallel_loop3A_289 : i32 to index
        %parallel_loop3A_291 = tpu.vector_load %arg11[%parallel_loop3A_290] {strides = array<i32>} : memref<28672xf32, #tpu.memory_space<vmem>>, vector<16xf32>,
        tpu.vector_store %arg11[%parallel_loop3A_290], %parallel_loop3A_287 {strides = array<i32>} : memref<28672xf32, #tpu.memory_space<vmem>>, vector<16xf32>,
        %parallel_loop3A_292 = arith.constant 16 : i32
        %parallel_loop3A_293 = arith.addi %parallel_loop3A_277, %parallel_loop3A_292 : i32
        %parallel_loop3A_294 = arith.index_cast %parallel_loop3A_293 : i32 to index
        %parallel_loop3A_295 = tpu.vector_load %arg9[%parallel_loop3A_294] {strides = array<i32>} : memref<28672xf32, #tpu.memory_space<vmem>>, vector<16xf32>,
        %parallel_loop3A_296 = vector.broadcast %parallel_loop3A_277 : i32 to vector<16xi32>
        %parallel_loop3A_297 = arith.addi %add3A_26, %parallel_loop3A_296 : vector<16xi32>
        %parallel_loop3A_298 = tpu.vector_load_idx %arg9[%parallel_loop3A_297] : memref<28672xf32, #tpu.memory_space<vmem>>[vector<16xi32>], vector<16xf32>,
        %parallel_loop3A_299 = arith.mulf %get3A_3, %parallel_loop3A_295 : vector<16xf32>
        %parallel_loop3A_300 = arith.mulf %sub3A_5, %parallel_loop3A_298 : vector<16xf32>
        %parallel_loop3A_301 = arith.addf %parallel_loop3A_299, %parallel_loop3A_300 : vector<16xf32>
        %parallel_loop3A_302 = arith.constant 16 : i32
        %parallel_loop3A_303 = arith.addi %parallel_loop3A_277, %parallel_loop3A_302 : i32
        %parallel_loop3A_304 = arith.index_cast %parallel_loop3A_303 : i32 to index
        %parallel_loop3A_305 = tpu.vector_load %arg11[%parallel_loop3A_304] {strides = array<i32>} : memref<28672xf32, #tpu.memory_space<vmem>>, vector<16xf32>,
        tpu.vector_store %arg11[%parallel_loop3A_304], %parallel_loop3A_301 {strides = array<i32>} : memref<28672xf32, #tpu.memory_space<vmem>>, vector<16xf32>,
        %parallel_loop3A_306 = arith.constant 32 : i32
        %parallel_loop3A_307 = arith.addi %parallel_loop3A_277, %parallel_loop3A_306 : i32
        %parallel_loop3A_308 = arith.index_cast %parallel_loop3A_307 : i32 to index
        %parallel_loop3A_309 = tpu.vector_load %arg9[%parallel_loop3A_308] {strides = array<i32>} : memref<28672xf32, #tpu.memory_space<vmem>>, vector<16xf32>,
        %parallel_loop3A_310 = vector.broadcast %parallel_loop3A_277 : i32 to vector<16xi32>
        %parallel_loop3A_311 = arith.addi %add3A_38, %parallel_loop3A_310 : vector<16xi32>
        %parallel_loop3A_312 = tpu.vector_load_idx %arg9[%parallel_loop3A_311] : memref<28672xf32, #tpu.memory_space<vmem>>[vector<16xi32>], vector<16xf32>,
        %parallel_loop3A_313 = arith.mulf %get3A_3, %parallel_loop3A_309 : vector<16xf32>
        %parallel_loop3A_314 = arith.mulf %sub3A_5, %parallel_loop3A_312 : vector<16xf32>
        %parallel_loop3A_315 = arith.addf %parallel_loop3A_313, %parallel_loop3A_314 : vector<16xf32>
        %parallel_loop3A_316 = arith.constant 32 : i32
        %parallel_loop3A_317 = arith.addi %parallel_loop3A_277, %parallel_loop3A_316 : i32
        %parallel_loop3A_318 = arith.index_cast %parallel_loop3A_317 : i32 to index
        %parallel_loop3A_319 = tpu.vector_load %arg11[%parallel_loop3A_318] {strides = array<i32>} : memref<28672xf32, #tpu.memory_space<vmem>>, vector<16xf32>,
        tpu.vector_store %arg11[%parallel_loop3A_318], %parallel_loop3A_315 {strides = array<i32>} : memref<28672xf32, #tpu.memory_space<vmem>>, vector<16xf32>,
        %parallel_loop3A_320 = arith.constant 48 : i32
        %parallel_loop3A_321 = arith.addi %parallel_loop3A_277, %parallel_loop3A_320 : i32
        %parallel_loop3A_322 = arith.index_cast %parallel_loop3A_321 : i32 to index
        %parallel_loop3A_323 = tpu.vector_load %arg9[%parallel_loop3A_322] {strides = array<i32>} : memref<28672xf32, #tpu.memory_space<vmem>>, vector<16xf32>,
        %parallel_loop3A_324 = vector.broadcast %parallel_loop3A_277 : i32 to vector<16xi32>
        %parallel_loop3A_325 = arith.addi %add3A_50, %parallel_loop3A_324 : vector<16xi32>
        %parallel_loop3A_326 = tpu.vector_load_idx %arg9[%parallel_loop3A_325] : memref<28672xf32, #tpu.memory_space<vmem>>[vector<16xi32>], vector<16xf32>,
        %parallel_loop3A_327 = arith.mulf %get3A_3, %parallel_loop3A_323 : vector<16xf32>
        %parallel_loop3A_328 = arith.mulf %sub3A_5, %parallel_loop3A_326 : vector<16xf32>
        %parallel_loop3A_329 = arith.addf %parallel_loop3A_327, %parallel_loop3A_328 : vector<16xf32>
        %parallel_loop3A_330 = arith.constant 48 : i32
        %parallel_loop3A_331 = arith.addi %parallel_loop3A_277, %parallel_loop3A_330 : i32
        %parallel_loop3A_332 = arith.index_cast %parallel_loop3A_331 : i32 to index
        %parallel_loop3A_333 = tpu.vector_load %arg11[%parallel_loop3A_332] {strides = array<i32>} : memref<28672xf32, #tpu.memory_space<vmem>>, vector<16xf32>,
        tpu.vector_store %arg11[%parallel_loop3A_332], %parallel_loop3A_329 {strides = array<i32>} : memref<28672xf32, #tpu.memory_space<vmem>>, vector<16xf32>,
        %parallel_loop3A_334 = arith.constant 64 : i32
        %parallel_loop3A_335 = arith.addi %parallel_loop3A_277, %parallel_loop3A_334 : i32
        %parallel_loop3A_336 = arith.index_cast %parallel_loop3A_335 : i32 to index
        %parallel_loop3A_337 = tpu.vector_load %arg9[%parallel_loop3A_336] {strides = array<i32>} : memref<28672xf32, #tpu.memory_space<vmem>>, vector<16xf32>,
        %parallel_loop3A_338 = vector.broadcast %parallel_loop3A_277 : i32 to vector<16xi32>
        %parallel_loop3A_339 = arith.addi %add3A_62, %parallel_loop3A_338 : vector<16xi32>
        %parallel_loop3A_340 = tpu.vector_load_idx %arg9[%parallel_loop3A_339] : memref<28672xf32, #tpu.memory_space<vmem>>[vector<16xi32>], vector<16xf32>,
        %parallel_loop3A_341 = arith.mulf %get3A_3, %parallel_loop3A_337 : vector<16xf32>
        %parallel_loop3A_342 = arith.mulf %sub3A_5, %parallel_loop3A_340 : vector<16xf32>
        %parallel_loop3A_343 = arith.addf %parallel_loop3A_341, %parallel_loop3A_342 : vector<16xf32>
        %parallel_loop3A_344 = arith.constant 64 : i32
        %parallel_loop3A_345 = arith.addi %parallel_loop3A_277, %parallel_loop3A_344 : i32
        %parallel_loop3A_346 = arith.index_cast %parallel_loop3A_345 : i32 to index
        %parallel_loop3A_347 = tpu.vector_load %arg11[%parallel_loop3A_346] {strides = array<i32>} : memref<28672xf32, #tpu.memory_space<vmem>>, vector<16xf32>,
        tpu.vector_store %arg11[%parallel_loop3A_346], %parallel_loop3A_343 {strides = array<i32>} : memref<28672xf32, #tpu.memory_space<vmem>>, vector<16xf32>,
        %parallel_loop3A_348 = arith.constant 80 : i32
        %parallel_loop3A_349 = arith.addi %parallel_loop3A_277, %parallel_loop3A_348 : i32
        %parallel_loop3A_350 = arith.index_cast %parallel_loop3A_349 : i32 to index
        %parallel_loop3A_351 = tpu.vector_load %arg9[%parallel_loop3A_350] {strides = array<i32>} : memref<28672xf32, #tpu.memory_space<vmem>>, vector<16xf32>,
        %parallel_loop3A_352 = vector.broadcast %parallel_loop3A_277 : i32 to vector<16xi32>
        %parallel_loop3A_353 = arith.addi %add3A_74, %parallel_loop3A_352 : vector<16xi32>
        %parallel_loop3A_354 = tpu.vector_load_idx %arg9[%parallel_loop3A_353] : memref<28672xf32, #tpu.memory_space<vmem>>[vector<16xi32>], vector<16xf32>,
        %parallel_loop3A_355 = arith.mulf %get3A_3, %parallel_loop3A_351 : vector<16xf32>
        %parallel_loop3A_356 = arith.mulf %sub3A_5, %parallel_loop3A_354 : vector<16xf32>
        %parallel_loop3A_357 = arith.addf %parallel_loop3A_355, %parallel_loop3A_356 : vector<16xf32>
        %parallel_loop3A_358 = arith.constant 80 : i32
        %parallel_loop3A_359 = arith.addi %parallel_loop3A_277, %parallel_loop3A_358 : i32
        %parallel_loop3A_360 = arith.index_cast %parallel_loop3A_359 : i32 to index
        %parallel_loop3A_361 = tpu.vector_load %arg11[%parallel_loop3A_360] {strides = array<i32>} : memref<28672xf32, #tpu.memory_space<vmem>>, vector<16xf32>,
        tpu.vector_store %arg11[%parallel_loop3A_360], %parallel_loop3A_357 {strides = array<i32>} : memref<28672xf32, #tpu.memory_space<vmem>>, vector<16xf32>,
        %parallel_loop3A_362 = arith.constant 96 : i32
        %parallel_loop3A_363 = arith.addi %parallel_loop3A_277, %parallel_loop3A_362 : i32
        %parallel_loop3A_364 = arith.index_cast %parallel_loop3A_363 : i32 to index
        %parallel_loop3A_365 = tpu.vector_load %arg9[%parallel_loop3A_364] {strides = array<i32>} : memref<28672xf32, #tpu.memory_space<vmem>>, vector<16xf32>,
        %parallel_loop3A_366 = vector.broadcast %parallel_loop3A_277 : i32 to vector<16xi32>
        %parallel_loop3A_367 = arith.addi %add3A_86, %parallel_loop3A_366 : vector<16xi32>
        %parallel_loop3A_368 = tpu.vector_load_idx %arg9[%parallel_loop3A_367] : memref<28672xf32, #tpu.memory_space<vmem>>[vector<16xi32>], vector<16xf32>,
        %parallel_loop3A_369 = arith.mulf %get3A_3, %parallel_loop3A_365 : vector<16xf32>
        %parallel_loop3A_370 = arith.mulf %sub3A_5, %parallel_loop3A_368 : vector<16xf32>
        %parallel_loop3A_371 = arith.addf %parallel_loop3A_369, %parallel_loop3A_370 : vector<16xf32>
        %parallel_loop3A_372 = arith.constant 96 : i32
        %parallel_loop3A_373 = arith.addi %parallel_loop3A_277, %parallel_loop3A_372 : i32
        %parallel_loop3A_374 = arith.index_cast %parallel_loop3A_373 : i32 to index
        %parallel_loop3A_375 = tpu.vector_load %arg11[%parallel_loop3A_374] {strides = array<i32>} : memref<28672xf32, #tpu.memory_space<vmem>>, vector<16xf32>,
        tpu.vector_store %arg11[%parallel_loop3A_374], %parallel_loop3A_371 {strides = array<i32>} : memref<28672xf32, #tpu.memory_space<vmem>>, vector<16xf32>,
        %parallel_loop3A_376 = arith.constant 112 : i32
        %parallel_loop3A_377 = arith.addi %parallel_loop3A_277, %parallel_loop3A_376 : i32
        %parallel_loop3A_378 = arith.index_cast %parallel_loop3A_377 : i32 to index
        %parallel_loop3A_379 = tpu.vector_load %arg9[%parallel_loop3A_378] {strides = array<i32>} : memref<28672xf32, #tpu.memory_space<vmem>>, vector<16xf32>,
        %parallel_loop3A_380 = vector.broadcast %parallel_loop3A_277 : i32 to vector<16xi32>
        %parallel_loop3A_381 = arith.addi %add3A_98, %parallel_loop3A_380 : vector<16xi32>
        %parallel_loop3A_382 = tpu.vector_load_idx %arg9[%parallel_loop3A_381] : memref<28672xf32, #tpu.memory_space<vmem>>[vector<16xi32>], vector<16xf32>,
        %parallel_loop3A_383 = arith.mulf %get3A_3, %parallel_loop3A_379 : vector<16xf32>
        %parallel_loop3A_384 = arith.mulf %sub3A_5, %parallel_loop3A_382 : vector<16xf32>
        %parallel_loop3A_385 = arith.addf %parallel_loop3A_383, %parallel_loop3A_384 : vector<16xf32>
        %parallel_loop3A_386 = arith.constant 112 : i32
        %parallel_loop3A_387 = arith.addi %parallel_loop3A_277, %parallel_loop3A_386 : i32
        %parallel_loop3A_388 = arith.index_cast %parallel_loop3A_387 : i32 to index
        %parallel_loop3A_389 = tpu.vector_load %arg11[%parallel_loop3A_388] {strides = array<i32>} : memref<28672xf32, #tpu.memory_space<vmem>>, vector<16xf32>,
        tpu.vector_store %arg11[%parallel_loop3A_388], %parallel_loop3A_385 {strides = array<i32>} : memref<28672xf32, #tpu.memory_space<vmem>>, vector<16xf32>,
        %parallel_loop3A_390 = arith.constant 1024 : i32
        %parallel_loop3A_391 = arith.addi %parallel_loop3A_277, %parallel_loop3A_390 : i32
        %parallel_loop3A_392 = arith.index_cast %parallel_loop3A_391 : i32 to index
        %parallel_loop3A_393 = tpu.vector_load %arg9[%parallel_loop3A_392] {strides = array<i32>} : memref<28672xf32, #tpu.memory_space<vmem>>, vector<16xf32>,
        %parallel_loop3A_394 = vector.broadcast %parallel_loop3A_277 : i32 to vector<16xi32>
        %parallel_loop3A_395 = arith.addi %add3A_110, %parallel_loop3A_394 : vector<16xi32>
        %parallel_loop3A_396 = tpu.vector_load_idx %arg9[%parallel_loop3A_395] : memref<28672xf32, #tpu.memory_space<vmem>>[vector<16xi32>], vector<16xf32>,
        %parallel_loop3A_397 = arith.mulf %get3A_3, %parallel_loop3A_393 : vector<16xf32>
        %parallel_loop3A_398 = arith.mulf %sub3A_5, %parallel_loop3A_396 : vector<16xf32>
        %parallel_loop3A_399 = arith.addf %parallel_loop3A_397, %parallel_loop3A_398 : vector<16xf32>
        %parallel_loop3A_400 = arith.constant 1024 : i32
        %parallel_loop3A_401 = arith.addi %parallel_loop3A_277, %parallel_loop3A_400 : i32
        %parallel_loop3A_402 = arith.index_cast %parallel_loop3A_401 : i32 to index
        %parallel_loop3A_403 = tpu.vector_load %arg11[%parallel_loop3A_402] {strides = array<i32>} : memref<28672xf32, #tpu.memory_space<vmem>>, vector<16xf32>,
        tpu.vector_store %arg11[%parallel_loop3A_402], %parallel_loop3A_399 {strides = array<i32>} : memref<28672xf32, #tpu.memory_space<vmem>>, vector<16xf32>,
        %parallel_loop3A_404 = arith.constant 1040 : i32
        %parallel_loop3A_405 = arith.addi %parallel_loop3A_277, %parallel_loop3A_404 : i32
        %parallel_loop3A_406 = arith.index_cast %parallel_loop3A_405 : i32 to index
        %parallel_loop3A_407 = tpu.vector_load %arg9[%parallel_loop3A_406] {strides = array<i32>} : memref<28672xf32, #tpu.memory_space<vmem>>, vector<16xf32>,
        %parallel_loop3A_408 = vector.broadcast %parallel_loop3A_277 : i32 to vector<16xi32>
        %parallel_loop3A_409 = arith.addi %add3A_122, %parallel_loop3A_408 : vector<16xi32>
        %parallel_loop3A_410 = tpu.vector_load_idx %arg9[%parallel_loop3A_409] : memref<28672xf32, #tpu.memory_space<vmem>>[vector<16xi32>], vector<16xf32>,
        %parallel_loop3A_411 = arith.mulf %get3A_3, %parallel_loop3A_407 : vector<16xf32>
        %parallel_loop3A_412 = arith.mulf %sub3A_5, %parallel_loop3A_410 : vector<16xf32>
        %parallel_loop3A_413 = arith.addf %parallel_loop3A_411, %parallel_loop3A_412 : vector<16xf32>
        %parallel_loop3A_414 = arith.constant 1040 : i32
        %parallel_loop3A_415 = arith.addi %parallel_loop3A_277, %parallel_loop3A_414 : i32
        %parallel_loop3A_416 = arith.index_cast %parallel_loop3A_415 : i32 to index
        %parallel_loop3A_417 = tpu.vector_load %arg11[%parallel_loop3A_416] {strides = array<i32>} : memref<28672xf32, #tpu.memory_space<vmem>>, vector<16xf32>,
        tpu.vector_store %arg11[%parallel_loop3A_416], %parallel_loop3A_413 {strides = array<i32>} : memref<28672xf32, #tpu.memory_space<vmem>>, vector<16xf32>,
        %parallel_loop3A_418 = arith.constant 1056 : i32
        %parallel_loop3A_419 = arith.addi %parallel_loop3A_277, %parallel_loop3A_418 : i32
        %parallel_loop3A_420 = arith.index_cast %parallel_loop3A_419 : i32 to index
        %parallel_loop3A_421 = tpu.vector_load %arg9[%parallel_loop3A_420] {strides = array<i32>} : memref<28672xf32, #tpu.memory_space<vmem>>, vector<16xf32>,
        %parallel_loop3A_422 = vector.broadcast %parallel_loop3A_277 : i32 to vector<16xi32>
        %parallel_loop3A_423 = arith.addi %add3A_134, %parallel_loop3A_422 : vector<16xi32>
        %parallel_loop3A_424 = tpu.vector_load_idx %arg9[%parallel_loop3A_423] : memref<28672xf32, #tpu.memory_space<vmem>>[vector<16xi32>], vector<16xf32>,
        %parallel_loop3A_425 = arith.mulf %get3A_3, %parallel_loop3A_421 : vector<16xf32>
        %parallel_loop3A_426 = arith.mulf %sub3A_5, %parallel_loop3A_424 : vector<16xf32>
        %parallel_loop3A_427 = arith.addf %parallel_loop3A_425, %parallel_loop3A_426 : vector<16xf32>
        %parallel_loop3A_428 = arith.constant 1056 : i32
        %parallel_loop3A_429 = arith.addi %parallel_loop3A_277, %parallel_loop3A_428 : i32
        %parallel_loop3A_430 = arith.index_cast %parallel_loop3A_429 : i32 to index
        %parallel_loop3A_431 = tpu.vector_load %arg11[%parallel_loop3A_430] {strides = array<i32>} : memref<28672xf32, #tpu.memory_space<vmem>>, vector<16xf32>,
        tpu.vector_store %arg11[%parallel_loop3A_430], %parallel_loop3A_427 {strides = array<i32>} : memref<28672xf32, #tpu.memory_space<vmem>>, vector<16xf32>,
        %parallel_loop3A_432 = arith.constant 1072 : i32
        %parallel_loop3A_433 = arith.addi %parallel_loop3A_277, %parallel_loop3A_432 : i32
        %parallel_loop3A_434 = arith.index_cast %parallel_loop3A_433 : i32 to index
        %parallel_loop3A_435 = tpu.vector_load %arg9[%parallel_loop3A_434] {strides = array<i32>} : memref<28672xf32, #tpu.memory_space<vmem>>, vector<16xf32>,
        %parallel_loop3A_436 = vector.broadcast %parallel_loop3A_277 : i32 to vector<16xi32>
        %parallel_loop3A_437 = arith.addi %add3A_146, %parallel_loop3A_436 : vector<16xi32>
        %parallel_loop3A_438 = tpu.vector_load_idx %arg9[%parallel_loop3A_437] : memref<28672xf32, #tpu.memory_space<vmem>>[vector<16xi32>], vector<16xf32>,
        %parallel_loop3A_439 = arith.mulf %get3A_3, %parallel_loop3A_435 : vector<16xf32>
        %parallel_loop3A_440 = arith.mulf %sub3A_5, %parallel_loop3A_438 : vector<16xf32>
        %parallel_loop3A_441 = arith.addf %parallel_loop3A_439, %parallel_loop3A_440 : vector<16xf32>
        %parallel_loop3A_442 = arith.constant 1072 : i32
        %parallel_loop3A_443 = arith.addi %parallel_loop3A_277, %parallel_loop3A_442 : i32
        %parallel_loop3A_444 = arith.index_cast %parallel_loop3A_443 : i32 to index
        %parallel_loop3A_445 = tpu.vector_load %arg11[%parallel_loop3A_444] {strides = array<i32>} : memref<28672xf32, #tpu.memory_space<vmem>>, vector<16xf32>,
        tpu.vector_store %arg11[%parallel_loop3A_444], %parallel_loop3A_441 {strides = array<i32>} : memref<28672xf32, #tpu.memory_space<vmem>>, vector<16xf32>,
        %parallel_loop3A_446 = arith.constant 1088 : i32
        %parallel_loop3A_447 = arith.addi %parallel_loop3A_277, %parallel_loop3A_446 : i32
        %parallel_loop3A_448 = arith.index_cast %parallel_loop3A_447 : i32 to index
        %parallel_loop3A_449 = tpu.vector_load %arg9[%parallel_loop3A_448] {strides = array<i32>} : memref<28672xf32, #tpu.memory_space<vmem>>, vector<16xf32>,
        %parallel_loop3A_450 = vector.broadcast %parallel_loop3A_277 : i32 to vector<16xi32>
        %parallel_loop3A_451 = arith.addi %add3A_158, %parallel_loop3A_450 : vector<16xi32>
        %parallel_loop3A_452 = tpu.vector_load_idx %arg9[%parallel_loop3A_451] : memref<28672xf32, #tpu.memory_space<vmem>>[vector<16xi32>], vector<16xf32>,
        %parallel_loop3A_453 = arith.mulf %get3A_3, %parallel_loop3A_449 : vector<16xf32>
        %parallel_loop3A_454 = arith.mulf %sub3A_5, %parallel_loop3A_452 : vector<16xf32>
        %parallel_loop3A_455 = arith.addf %parallel_loop3A_453, %parallel_loop3A_454 : vector<16xf32>
        %parallel_loop3A_456 = arith.constant 1088 : i32
        %parallel_loop3A_457 = arith.addi %parallel_loop3A_277, %parallel_loop3A_456 : i32
        %parallel_loop3A_458 = arith.index_cast %parallel_loop3A_457 : i32 to index
        %parallel_loop3A_459 = tpu.vector_load %arg11[%parallel_loop3A_458] {strides = array<i32>} : memref<28672xf32, #tpu.memory_space<vmem>>, vector<16xf32>,
        tpu.vector_store %arg11[%parallel_loop3A_458], %parallel_loop3A_455 {strides = array<i32>} : memref<28672xf32, #tpu.memory_space<vmem>>, vector<16xf32>,
        %parallel_loop3A_460 = arith.constant 1104 : i32
        %parallel_loop3A_461 = arith.addi %parallel_loop3A_277, %parallel_loop3A_460 : i32
        %parallel_loop3A_462 = arith.index_cast %parallel_loop3A_461 : i32 to index
        %parallel_loop3A_463 = tpu.vector_load %arg9[%parallel_loop3A_462] {strides = array<i32>} : memref<28672xf32, #tpu.memory_space<vmem>>, vector<16xf32>,
        %parallel_loop3A_464 = vector.broadcast %parallel_loop3A_277 : i32 to vector<16xi32>
        %parallel_loop3A_465 = arith.addi %add3A_170, %parallel_loop3A_464 : vector<16xi32>
        %parallel_loop3A_466 = tpu.vector_load_idx %arg9[%parallel_loop3A_465] : memref<28672xf32, #tpu.memory_space<vmem>>[vector<16xi32>], vector<16xf32>,
        %parallel_loop3A_467 = arith.mulf %get3A_3, %parallel_loop3A_463 : vector<16xf32>
        %parallel_loop3A_468 = arith.mulf %sub3A_5, %parallel_loop3A_466 : vector<16xf32>
        %parallel_loop3A_469 = arith.addf %parallel_loop3A_467, %parallel_loop3A_468 : vector<16xf32>
        %parallel_loop3A_470 = arith.constant 1104 : i32
        %parallel_loop3A_471 = arith.addi %parallel_loop3A_277, %parallel_loop3A_470 : i32
        %parallel_loop3A_472 = arith.index_cast %parallel_loop3A_471 : i32 to index
        %parallel_loop3A_473 = tpu.vector_load %arg11[%parallel_loop3A_472] {strides = array<i32>} : memref<28672xf32, #tpu.memory_space<vmem>>, vector<16xf32>,
        tpu.vector_store %arg11[%parallel_loop3A_472], %parallel_loop3A_469 {strides = array<i32>} : memref<28672xf32, #tpu.memory_space<vmem>>, vector<16xf32>,
        %parallel_loop3A_474 = arith.constant 1120 : i32
        %parallel_loop3A_475 = arith.addi %parallel_loop3A_277, %parallel_loop3A_474 : i32
        %parallel_loop3A_476 = arith.index_cast %parallel_loop3A_475 : i32 to index
        %parallel_loop3A_477 = tpu.vector_load %arg9[%parallel_loop3A_476] {strides = array<i32>} : memref<28672xf32, #tpu.memory_space<vmem>>, vector<16xf32>,
        %parallel_loop3A_478 = vector.broadcast %parallel_loop3A_277 : i32 to vector<16xi32>
        %parallel_loop3A_479 = arith.addi %add3A_182, %parallel_loop3A_478 : vector<16xi32>
        %parallel_loop3A_480 = tpu.vector_load_idx %arg9[%parallel_loop3A_479] : memref<28672xf32, #tpu.memory_space<vmem>>[vector<16xi32>], vector<16xf32>,
        %parallel_loop3A_481 = arith.mulf %get3A_3, %parallel_loop3A_477 : vector<16xf32>
        %parallel_loop3A_482 = arith.mulf %sub3A_5, %parallel_loop3A_480 : vector<16xf32>
        %parallel_loop3A_483 = arith.addf %parallel_loop3A_481, %parallel_loop3A_482 : vector<16xf32>
        %parallel_loop3A_484 = arith.constant 1120 : i32
        %parallel_loop3A_485 = arith.addi %parallel_loop3A_277, %parallel_loop3A_484 : i32
        %parallel_loop3A_486 = arith.index_cast %parallel_loop3A_485 : i32 to index
        %parallel_loop3A_487 = tpu.vector_load %arg11[%parallel_loop3A_486] {strides = array<i32>} : memref<28672xf32, #tpu.memory_space<vmem>>, vector<16xf32>,
        tpu.vector_store %arg11[%parallel_loop3A_486], %parallel_loop3A_483 {strides = array<i32>} : memref<28672xf32, #tpu.memory_space<vmem>>, vector<16xf32>,
        %parallel_loop3A_488 = arith.constant 1136 : i32
        %parallel_loop3A_489 = arith.addi %parallel_loop3A_277, %parallel_loop3A_488 : i32
        %parallel_loop3A_490 = arith.index_cast %parallel_loop3A_489 : i32 to index
        %parallel_loop3A_491 = tpu.vector_load %arg9[%parallel_loop3A_490] {strides = array<i32>} : memref<28672xf32, #tpu.memory_space<vmem>>, vector<16xf32>,
        %parallel_loop3A_492 = vector.broadcast %parallel_loop3A_277 : i32 to vector<16xi32>
        %parallel_loop3A_493 = arith.addi %add3A_194, %parallel_loop3A_492 : vector<16xi32>
        %parallel_loop3A_494 = tpu.vector_load_idx %arg9[%parallel_loop3A_493] : memref<28672xf32, #tpu.memory_space<vmem>>[vector<16xi32>], vector<16xf32>,
        %parallel_loop3A_495 = arith.mulf %get3A_3, %parallel_loop3A_491 : vector<16xf32>
        %parallel_loop3A_496 = arith.mulf %sub3A_5, %parallel_loop3A_494 : vector<16xf32>
        %parallel_loop3A_497 = arith.addf %parallel_loop3A_495, %parallel_loop3A_496 : vector<16xf32>
        %parallel_loop3A_498 = arith.constant 1136 : i32
        %parallel_loop3A_499 = arith.addi %parallel_loop3A_277, %parallel_loop3A_498 : i32
        %parallel_loop3A_500 = arith.index_cast %parallel_loop3A_499 : i32 to index
        %parallel_loop3A_501 = tpu.vector_load %arg11[%parallel_loop3A_500] {strides = array<i32>} : memref<28672xf32, #tpu.memory_space<vmem>>, vector<16xf32>,
        tpu.vector_store %arg11[%parallel_loop3A_500], %parallel_loop3A_497 {strides = array<i32>} : memref<28672xf32, #tpu.memory_space<vmem>>, vector<16xf32>,
      } {sc.loop_unroll_factor = 16 : i64, sc.parallel_access}
      %add3A_261 = arith.addi %mul3A_2, %add3A_241 : i32
      %mul3A_262 = arith.constant 28672 : i32
      %mul3A_263 = arith.muli %add3A_261, %mul3A_262 : i32
      %dma_start3A_264 = tpu.memref_slice %arg5[%mul3A_263] : memref<38535168xf32, #tpu.memory_space<hbm>> -> memref<28672xf32, #tpu.memory_space<hbm>>
      %dma_start3A_265 = tpu.memref_slice %arg5[%mul3A_263] : memref<38535168xf32, #tpu.memory_space<hbm>> -> memref<28672xf32, #tpu.memory_space<hbm>>
      tpu.enqueue_dma source(%arg11 : memref<28672xf32, #tpu.memory_space<vmem>>) target(%dma_start3A_265 : memref<28672xf32, #tpu.memory_space<hbm>>) target_semaphore(%arg15 : memref<!tpu.dma_semaphore, #tpu.memory_space<semaphore_mem>>)
      %scan3A_266 = arith.constant 0 : i32
      scf.yield %scan3A_266 : i32
    }
    %scan3A_205 = arith.constant 21 : i32
    %dma_wait3A = arith.constant 0 : i32
    %dma_wait3A_206 = tpu.memref_slice %arg5[%dma_wait3A] : memref<38535168xf32, #tpu.memory_space<hbm>> -> memref<28672xf32, #tpu.memory_space<hbm>>
    %dma_wait3A_207 = arith.constant 0 : i32
    %dma_wait3A_208 = tpu.memref_slice %arg5[%dma_wait3A_207] : memref<38535168xf32, #tpu.memory_space<hbm>> -> memref<28672xf32, #tpu.memory_space<hbm>>
    tpu.wait_dma2 semaphore(%arg14 : memref<!tpu.dma_semaphore, #tpu.memory_space<semaphore_mem>>) src(%arg10 : memref<28672xf32, #tpu.memory_space<vmem>>) dst(%dma_wait3A_208 : memref<28672xf32, #tpu.memory_space<hbm>>)
    %dma_wait3A_209 = arith.constant 0 : i32
    %dma_wait3A_210 = tpu.memref_slice %arg5[%dma_wait3A_209] : memref<38535168xf32, #tpu.memory_space<hbm>> -> memref<28672xf32, #tpu.memory_space<hbm>>
    %dma_wait3A_211 = arith.constant 0 : i32
    %dma_wait3A_212 = tpu.memref_slice %arg5[%dma_wait3A_211] : memref<38535168xf32, #tpu.memory_space<hbm>> -> memref<28672xf32, #tpu.memory_space<hbm>>
    tpu.wait_dma2 semaphore(%arg15 : memref<!tpu.dma_semaphore, #tpu.memory_space<semaphore_mem>>) src(%arg11 : memref<28672xf32, #tpu.memory_space<vmem>>) dst(%dma_wait3A_212 : memref<28672xf32, #tpu.memory_space<hbm>>)
    return
  }
}

</mosaic_0001>

<sc_bundles>
// kernel: kernel.3.cloned.1.call-start
scs
__scs_entry_jumppad:
0x0: {  	(pc) =	sbr.rel $0x88, $3  }
0x1: {  	(tag) =	ssettag $0x0;
	lr =	simm.s32 $0x1  }
0x2: {  	[smem:$0x3F9E] =	sst lr;
	_ =	strace $0xD0000000  }
0x3: {  	_ = 	snop  }
0x4: {  	_ = 	snop  }
0x5: {  	_ = 	snop  }
0x6: {  	_ = 	snop  }
0x7: {  	_ = 	snop  }
__scs_overlays_trampoline_lowered:
0x8: {  	[smem:$0x3FAD] =	sst s0  }
0x9: {  	[smem:$0x3FAE] =	sst s1  }
0xa: {  	[smem:$0x3FAF] =	sst s2  }
0xb: {  	[smem:$0x3FB0] =	sst s3  }
0xc: {  	[smem:$0x3FB1] =	sst s4  }
0xd: {  	[smem:$0x3FB2] =	sst s5  }
0xe: {  	[smem:$0x3FB3] =	sst s6  }
0xf: {  	[smem:$0x3FB4] =	sst s7  }
0x10: {  	[smem:$0x3FB5] =	sst s8  }
0x11: {  	[smem:$0x3FB6] =	sst s9;
	s0 =	simm.s32 @!p0 $0x0  }
0x12: {  	s1 =	sld [smem:$0x3F9C];
	s0 =	simm.s32 @p0 $0x1  }
0x13: {  	[smem:$0x3FB7] =	sst s0;
	s0 =	simm.s32 @!p1 $0x0  }
0x14: {  	s2 =	sld [smem:$0x3F9B];
	s0 =	simm.s32 @p1 $0x1  }
0x15: {  	[smem:$0x3FB8] =	sst s0;
	s0 =	simm.s32 @!p2 $0x0  }
0x16: {  	s3 =	sld [smem:$0x3FDB];
	s0 =	simm.s32 @p2 $0x1  }
0x17: {  	s4 =	simm.s32 $0x1BF5;
	[smem:$0x3FBA] =	sst s0  }
0x18: {  	s0 =	sld [smem:$0x3F9D];
	_ =	swait.ge [sflag:s4], $0x0  }
0x19: {  	s7 =	sld [smem:$0x3F9E]  }
0x1a: {  	s8 =	sadd.s32 $0xFFFFE003, lr  }
0x1b: {  	s9 =	sadd.s32 $0xFFFFFEF7, lr;
	s5 =	simm.s32 $0xFFFFFFFF;
	p2 =	slt.u32 s8, $0xFFFFF086  }
0x1c: {  	p1 =	slt.u32 s9, $0xF7A;
	s5 =	simm.s32 @!p2 $0x0  }
0x1d: {  	s5 =	simm.s32 @p1 $0x1;
	p0 =	seq.s32 s7, s2  }
0x1e: {  	s7 =	smul.u32 @!p0 $0xF7A, s2;
	p2 =	seq.s32 @!p0 s5, $0x0  }
0x1f: {  	s9 =	smul.u32 $0xF7A, s1;
	s8 =	simm.s32 @!p0 $0x1BF5;
	p2 =	por !p2, p0  }
0x20: {  	[sflag:s8] =	ssyncset.s32 @!p0 $0xFFFFF086;
	s6 =	sadd.s32 @!p0 s3, s7;
	s7 =	simm.s32 @!p0 $0x108  }
0x21: {  	s3 =	sadd.s32 s3, s9;
	s6 =	sadd.s32 @!p0 $0x88, s6;
	s7 =	simm.s32 @p2 $0x1082  }
0x22: {  	[simem:s7], [sflag:s8] =	dma.local @!p0 [hbm:s6], $0xF7A  }
0x23: {  	s9 =	sor.u32 $0xD0000000, s2;
	s6 =	simm.s32 $0x108;
	_ =	swait.ge @!p0 [sflag:s8], $0x0  }
0x24: {  	s3 =	sadd.s32 $0x88, s3;
	s6 =	simm.s32 @!p1 $0x1082;
	[sflag:s4] =	ssyncset.s32 $0xFFFFF086  }
0x25: {  	[simem:s6], [sflag:s4] =	dma.local [hbm:s3], $0xF7A  }
0x26: {  	[smem:$0x3F9E] =	sst s1;
	(tag) =	ssettag s2;
	_ =	strace s9  }
0x27: {  	s1 =	sld [smem:$0x3FAE]  }
0x28: {  	s2 =	sld [smem:$0x3FAF]  }
0x29: {  	s4 =	sld [smem:$0x3FB1]  }
0x2a: {  	p0 =	seq.s32 s5, $0x0;
	s5 =	sld [smem:$0x3FB2]  }
0x2b: {  	s6 =	sld [smem:$0x3FB3]  }
0x2c: {  	s7 =	sld [smem:$0x3FB4]  }
0x2d: {  	s3 =	simm.s32 $0x108;
	s8 =	sld [smem:$0x3FB5]  }
0x2e: {  	s3 =	simm.s32 @!p0 $0x1082;
	s9 =	sld [smem:$0x3FB6]  }
0x2f: {  	lr =	sadd.s32 s0, s3;
	s0 =	sld [smem:$0x3FAD]  }
0x30: {  	s3 =	sld [smem:$0x3FB0]  }
0x31: {  	[smem:$0x3FB9] =	sst s10  }
0x32: {  	s10 =	sld [smem:$0x3FB7];
	_ =	sdelay $0x3  }
0x33: {  	p0 =	seq.s32 s10, $0x1;
	s10 =	sld [smem:$0x3FB9];
	_ =	sdelay $0x3  }
0x34: {  	[smem:$0x3FB9] =	sst s10  }
0x35: {  	s10 =	sld [smem:$0x3FB8];
	_ =	sdelay $0x3  }
0x36: {  	p1 =	seq.s32 s10, $0x1;
	s10 =	sld [smem:$0x3FB9];
	_ =	sdelay $0x3  }
0x37: {  	[smem:$0x3FB9] =	sst s10  }
0x38: {  	s10 =	sld [smem:$0x3FBA]  }
0x39: {  	_ = 	snop;
	(pc) =	sbr.ind lr, $3  }
0x3a: {  	_ = 	snop  }
0x3b: {  	_ = 	snop  }
0x3c: {  	p2 =	seq.s32 s10, $0x1;
	s10 =	sld [smem:$0x3FB9]  }
0x3d: {  	_ =	shalt  }
0x3e: {  	_ =	shalt  }
0x3f: {  	_ =	shalt  }
0x40: {  	_ =	shalt  }
0x41: {  	_ =	shalt  }
0x42: {  	_ =	shalt  }
0x43: {  	_ =	shalt  }
0x44: {  	_ =	shalt  }
0x45: {  	_ =	shalt  }
0x46: {  	_ =	shalt  }
0x47: {  	_ =	shalt  }
0x48: {  	_ =	shalt  }
0x49: {  	_ =	shalt  }
0x4a: {  	_ =	shalt  }
0x4b: {  	_ =	shalt  }
0x4c: {  	_ =	shalt  }
0x4d: {  	_ =	shalt  }
0x4e: {  	_ =	shalt  }
0x4f: {  	_ =	shalt  }
0x50: {  	_ =	shalt  }
0x51: {  	_ =	shalt  }
0x52: {  	_ =	shalt  }
0x53: {  	_ =	shalt  }
0x54: {  	_ =	shalt  }
0x55: {  	_ =	shalt  }
0x56: {  	_ =	shalt  }
0x57: {  	_ =	shalt  }
0x58: {  	_ =	shalt  }
0x59: {  	_ =	shalt  }
0x5a: {  	_ =	shalt  }
0x5b: {  	_ =	shalt  }
0x5c: {  	_ =	shalt  }
0x5d: {  	_ =	shalt  }
0x5e: {  	_ =	shalt  }
0x5f: {  	_ =	shalt  }
0x60: {  	_ =	shalt  }
0x61: {  	_ =	shalt  }
0x62: {  	_ =	shalt  }
0x63: {  	_ =	shalt  }
0x64: {  	_ =	shalt  }
0x65: {  	_ =	shalt  }
0x66: {  	_ =	shalt  }
0x67: {  	_ =	shalt  }
0x68: {  	_ =	shalt  }
0x69: {  	_ =	shalt  }
0x6a: {  	_ =	shalt  }
0x6b: {  	_ =	shalt  }
0x6c: {  	_ =	shalt  }
0x6d: {  	_ =	shalt  }
0x6e: {  	_ =	shalt  }
0x6f: {  	_ =	shalt  }
0x70: {  	_ =	shalt  }
0x71: {  	_ =	shalt  }
0x72: {  	_ =	shalt  }
0x73: {  	_ =	shalt  }
0x74: {  	_ =	shalt  }
0x75: {  	_ =	shalt  }
0x76: {  	_ =	shalt  }
0x77: {  	_ =	shalt  }
0x78: {  	_ =	shalt  }
0x79: {  	_ =	shalt  }
0x7a: {  	_ =	shalt  }
0x7b: {  	_ =	shalt  }
0x7c: {  	_ =	shalt  }
0x7d: {  	_ =	shalt  }
0x7e: {  	_ =	shalt  }
0x7f: {  	_ =	shalt  }
0x80: {  	_ =	shalt  }
0x81: {  	_ =	shalt  }
0x82: {  	_ =	shalt  }
0x83: {  	_ =	shalt  }
0x84: {  	_ =	shalt  }
0x85: {  	_ =	shalt  }
0x86: {  	_ =	shalt  }
0x87: {  	_ =	shalt  }
.Lfunc_end0:
.L_simem_size_0:
called_computation_lowered:
.L_overlay_start_0:
0x88: {  	s2 =	sld [smem:$0x3FD9]  }
0x89: {  	s3 =	sld [smem:$0x3FFE];
	_ =	sdelay $0x1  }
0x8a: {  	s1 =	srdreg.scid  }
0x8b: {  	s0 =	sand.u32 $0x1, s1  }
0x8c: {  	s17 =	sshll.u32 s0, $0xA;
	s2 =	sadd.s32 s3, s2  }
0x8d: {  	s2 =	sadd.s32 s2, s17  }
0x8e: {  	[smem:$0x3FC5] =	sst s2  }
0x8f: {  	_ = 	snop  }
0x90: {  	s2 =	sld [smem:$0x3FC9]  }
0x91: {  	s18 =	sld [smem:$0x3FC8]  }
0x92: {  	s4 =	sld [smem:$0x3FD0];
	(tm) =	ssettm $0x1  }
0x93: {  	s5 =	sld [smem:$0x3FFB];
	_ =	sdelay $0x3  }
0x94: {  	_ =	strace s5  }
0x95: {  	s5 =	sld [smem:$0x3FFC];
	_ =	sdelay $0x3  }
0x96: {  	_ =	strace s5  }
0x97: {  	s5 =	sld [smem:$0x3FFD];
	_ =	sdelay $0x3  }
0x98: {  	_ =	strace s5  }
0x99: {  	_ =	strace $0x8FFFFFFF  }
0x9a: {  	s19 =	sld [smem:$0x3FDB];
	_ =	sdelay $0x1  }
0x9b: {  	s6 =	simm.s32 $_scs_section_size  }
0x9c: {  	s7 =	simm.s32 $_size__tile_overlayer_lowered;
	s8 =	simm.s32 $_tile_overlayer_lowered  }
0x9d: {  	s22 =	simm.s32 $0x1BFF;
	s21 =	sshll.u32 s8, $0x1;
	s5 =	sadd.s32 s6, s19  }
0x9e: {  	s9 =	simm.s32 $0x0;
	s20 =	sshll.u32 s7, $0x1;
	s7 =	sadd.s32 s21, s5  }
0x9f: {  	[timem:s9], [sflag:s22] =	dma.local [hbm:s7], s20  }
0xa0: {  	_ =	swait.ge [sflag:s22], s20  }
0xa1: {  	s6 =	ssub.s32 $0x0, s20;
	[sflag:s22] =	ssyncset.done $0x0  }
0xa2: {  	[sflag:s22] =	ssyncadd.s32 s6;
	_ =	sdelay $0x1  }
0xa3: {  	s23 =	simm.s32 $0x1B8B  }
0xa4: {  	_ =	swait.ge [sflag:s23], $0x1  }
0xa5: {  	[sflag:s23] =	ssyncset.done $0x0  }
0xa6: {  	s25 =	simm.s32 $0x1B8E;
	s24 =	sld [smem:$0x3FFE];
	[sflag:s23] =	ssyncadd.s32 $0xFFFFFFFF  }
0xa7: {  	s26 =	simm.s32 $execute0_lowered;
	[smem:$0x3FD2] =	sst s25  }
0xa8: {  	s7 =	sshll.u32 s26, $0x1;
	_ =	strace $0x80000046;
	[dreg:$0x1] =	wrdreg $0xFFFFFFFF  }
0xa9: {  	s28 =	simm.s32 $_size_execute0_lowered;
	s5 =	sadd.s32 s5, s7;
	[dreg:$0x0] =	wrdreg $0x0  }
0xaa: {  	s7 =	sshll.u32 s28, $0x1;
	[dreg:$0x2] =	wrdreg s5  }
0xab: {  	[dreg:$0x3] =	wrdreg s7  }
0xac: {  	[dreg:$0x4] =	wrdreg $0xC0  }
0xad: {  	_ =	task [dreg:s9], $0x5FFFF  }
0xae: {  	[dreg:$0x1] =	wrdreg $0xFFFFFFFF  }
0xaf: {  	[dreg:$0x0] =	wrdreg $0x60  }
0xb0: {  	[dreg:$0x2] =	wrdreg s2  }
0xb1: {  	[dreg:$0x3] =	wrdreg s18  }
0xb2: {  	[dreg:$0x4] =	wrdreg s24  }
0xb3: {  	[dreg:$0x5] =	wrdreg s4  }
0xb4: {  	[dreg:$0x6] =	wrdreg $0x9  }
0xb5: {  	_ =	task.clear_ibuf [dreg:s9], $0x7FFFF;
	_ =	strace $0x90000046  }
0xb6: {  	s29 =	simm.s32 $0x9;
	_ =	strace $0x80000048  }
0xb7: {  	_ =	swait.ge [sflag:s29], $0x1  }
0xb8: {  	[sflag:s29] =	ssyncadd.s32 $0xFFFFFFFF  }
0xb9: {  	_ =	strace $0x90000048  }
0xba: {  	_ =	sfence  }
0xbb: {  	s30 =	sld [smem:$0x0];
	_ =	sdelay $0x2  }
0xbc: {  	s31 =	sshll.u32 s1, $0xD;
	s1 =	sshrl.u32 s1, $0x2  }
0xbd: {  	s3 =	sand.u32 $0x4000, s31;
	s1 =	sadd.s32 s1, s30  }
0xbe: {  	s0 =	sor.u32 s3, s0;
	s1 =	sshll.u32 s1, $0x11  }
0xbf: {  	s0 =	sor.u32 s1, s0  }
0xc0: {  	s0 =	sadd.s32 $0x8F2B, s0  }
0xc1: {  	[sflag:s0] =	ssyncadd.remote.s32 $0x1  }
0xc2: {  	_ =	sfence.sel $0xFFFF  }
0xc3: {  	[dreg:$0x0] =	wrdreg $0xFFFFFFFF;
	(pc) =	sbr.abs _section_cstart, $3  }
0xc4: {  	[dreg:$0x1] =	wrdreg $0xFFFFFFFF  }
0xc5: {  	_ =	task.clear_ibuf [dreg:s9], $0x2FFFF;
	_ =	strace $0x9FFFFFFF  }
0xc6: {  	(tm) =	ssettm $0x7FFFFFFF  }
0xc7: {  	_ =	shalt  }
tec
execute0_lowered:
.L_overlay_start_1:
0x0: {  	(tag) =	ssettag $0x1  }
0x1: {  	s1 =	rddreg [dreg:$0x0]  }
0x2: {  	s0 =	rddreg [dreg:$0x2]  }
0x3: {  	s2 =	srdreg.scid;
	s3 =	stileid.u32  }
0x4: {  	s4 =	rddreg [dreg:$0x3];
	s5 =	simm.s32 $0x0;
	s12 =	simm.s32 $0x5  }
0x5: {  	s14 =	simm.s32 $0x110;
	s15 =	simm.s32 $0x7110;
	s16 =	simm.s32 $0x1  }
0x6: {  	s17 =	simm.s32 $0xE110;
	s2 =	sand.u32 $0x1, s2;
	s3 =	sshll.u32 s3, $0x1  }
0x7: {  	s18 =	simm.s32 $0x2;
	s19 =	simm.s32 $0x4;
	s3 =	sor.u32 s2, s3  }
0x8: {  	s20 =	simm.s32 $0x15110;
	s21 =	simm.s32 $0x3;
	s6 =	smul.u32 $0x2A, s3  }
0x9: {  	s22 =	simm.s32 $0x0;
	s2 =	ssub.s32 $0x2, s2;
	s3 =	smul.u32 $0x24C00, s3  }
0xa: {  	[smem:$0x7FF] =	sst s5;
	s7 =	sadd.s32 $0x400, s0;
	s8 =	sshrl.u32 s2, $0x1  }
0xb: {  	_ =	strace $0x80000047;
	s31 =	ssub.s32 s2, s8;
	s8 =	sadd.s32 s1, s3  }
0xc: {  	s9 =	sor.u32 $0x1, s6;
	s10 =	sadd.s32 $0x2, s6;
	s11 =	smax.u32 s31, $0x1  }
.LBB2_1:
0xd: {  	s0 =	rddreg [dreg:$0x1]  }
0xe: {  	[tilespmem:s5], [sflag:$0x5] =	stream.linear.gather [hbm4b:s0+s5], $0x100, $0x38;
	[tilespmem:$0x1C110] =	vst v63  }
0xf: {  	_ =	swait.ge [sflag:s12], $0x100  }
0x10: {  	[sflag:s12] =	ssyncset.done $0x0  }
0x11: {  	s31 =	simm.s32 $0x100;
	[sflag:s12] =	ssyncadd.s32 $0xFFFFFF00  }
0x12: {  	[tilespmem:s31], [sflag:$0x5] =	stream.linear.gather [hbm4b:s7+s5], $0x10, $0x38;
	[tilespmem:$0x1C110] =	vst v63  }
0x13: {  	_ =	swait.ge [sflag:s12], $0x10  }
0x14: {  	[sflag:s12] =	ssyncset.done $0x0  }
0x15: {  	[sflag:s12] =	ssyncadd.s32 $0xFFFFFFF0  }
0x16: {  	v18 =	vld [tilespmem:$0x0]  }
0x17: {  	v19 =	vld [tilespmem:$0x10]  }
0x18: {  	v20 =	vld [tilespmem:$0x20]  }
0x19: {  	v21 =	vld [tilespmem:$0x30]  }
0x1a: {  	v22 =	vld [tilespmem:$0x40]  }
0x1b: {  	v24 =	vld [tilespmem:$0x60]  }
0x1c: {  	v25 =	vld [tilespmem:$0x70]  }
0x1d: {  	v27 =	vld [tilespmem:$0x90]  }
0x1e: {  	v28 =	vld [tilespmem:$0xA0]  }
0x1f: {  	v29 =	vld [tilespmem:$0xB0]  }
0x20: {  	v30 =	vld [tilespmem:$0xC0]  }
0x21: {  	v31 =	vld [tilespmem:$0xD0];
	v0 =	vshll.u32 v18, $0x3  }
0x22: {  	v33 =	vld [tilespmem:$0xF0];
	v1 =	vshll.u32 v19, $0x3;
	v2 =	vand.u32 $0x7F, v18;
	v3 =	vand.u32 $0x7F, v19  }
0x23: {  	v42 =	vshll.u32 v20, $0x3;
	v4 =	vshll.u32 v21, $0x3;
	v5 =	vand.u32 $0x7F, v21  }
0x24: {  	v23 =	vld [tilespmem:$0x50];
	v6 =	vand.u32 $0x7F, v22;
	v7 =	vshll.u32 v24, $0x3;
	v8 =	vand.u32 $0x7F, v24  }
0x25: {  	v9 =	vand.u32 $0x7F, v25;
	v10 =	vshll.u32 v27, $0x3;
	v11 =	vand.u32 $0x7F, v27  }
0x26: {  	v12 =	vand.u32 $0x7F, v28;
	v13 =	vand.u32 $0x7F, v29;
	v14 =	vshll.u32 v30, $0x3  }
0x27: {  	v15 =	vand.u32 $0x7F, v30;
	v16 =	vand.u32 $0x7F, v31;
	v17 =	vshll.u32 v33, $0x3  }
0x28: {  	v34 =	vand.u32 $0x7F, v33;
	v54 =	vand.u32 $0x7, v19;
	v55 =	vand.u32 $0x7, v20  }
0x29: {  	v56 =	vand.u32 $0x7, v21;
	v57 =	vand.u32 $0x7, v23;
	v58 =	vand.u32 $0x7, v24  }
0x2a: {  	v59 =	vand.u32 $0x7, v25;
	v60 =	vand.u32 $0x7, v27;
	v0 =	vand.u32 $0xFFFFFC00, v0  }
0x2b: {  	v61 =	vand.u32 $0x7, v28;
	v1 =	vand.u32 $0xFFFFFC00, v1;
	v63 =	vor.u32 v2, v0  }
0x2c: {  	v41 =	vor.u32 v3, v1;
	v2 =	vand.u32 $0xFFFFFC00, v42;
	v3 =	vand.u32 $0x7F, v20  }
0x2d: {  	v26 =	vld [tilespmem:$0x80];
	v43 =	vor.u32 v3, v2;
	v3 =	vand.u32 $0xFFFFFC00, v4;
	v4 =	vshll.u32 v22, $0x3  }
0x2e: {  	v4 =	vand.u32 $0xFFFFFC00, v4;
	v44 =	vor.u32 v5, v3;
	v5 =	vshll.u32 v23, $0x3  }
0x2f: {  	v3 =	vor.u32 v6, v4;
	v5 =	vand.u32 $0xFFFFFC00, v5;
	v6 =	vand.u32 $0x7F, v23  }
0x30: {  	v45 =	vor.u32 v6, v5;
	v6 =	vand.u32 $0xFFFFFC00, v7;
	v7 =	vshll.u32 v25, $0x3  }
0x31: {  	v32 =	vld [tilespmem:$0xE0];
	v62 =	vand.u32 $0x7, v29;
	v17 =	vand.u32 $0xFFFFFC00, v17;
	v7 =	vand.u32 $0xFFFFFC00, v7  }
0x32: {  	v53 =	vor.u32 v34, v17;
	v46 =	vor.u32 v8, v6;
	v8 =	vshll.u32 v26, $0x3  }
0x33: {  	v47 =	vor.u32 v9, v7;
	v8 =	vand.u32 $0xFFFFFC00, v8;
	v9 =	vand.u32 $0x7F, v26  }
0x34: {  	v7 =	vmovc v3;
	v3 =	vor.u32 v9, v8;
	v9 =	vand.u32 $0xFFFFFC00, v10;
	v10 =	vshll.u32 v28, $0x3  }
0x35: {  	v24 =	vmovc v56;
	v27 =	vmovc v58;
	v10 =	vand.u32 $0xFFFFFC00, v10;
	v48 =	vor.u32 v11, v9;
	v11 =	vshll.u32 v29, $0x3  }
0x36: {  	v56 =	vand.u32 $0x7, v32;
	v20 =	vmovc v53;
	v23 =	vmovc v55;
	v49 =	vor.u32 v12, v10;
	v12 =	vand.u32 $0xFFFFFC00, v11  }
0x37: {  	v4 =	vmovc v41;
	v5 =	vmovc v43;
	v50 =	vor.u32 v13, v12;
	v13 =	vand.u32 $0xFFFFFC00, v14;
	v14 =	vshll.u32 v31, $0x3  }
0x38: {  	v6 =	vmovc v44;
	v28 =	vmovc v59;
	v59 =	vand.u32 $0x7, v31;
	v8 =	vmov v45;
	v11 =	vld [tilespmem:$0x100];
	v14 =	vand.u32 $0xFFFFFC00, v14  }
0x39: {  	v9 =	vmovc v46;
	v31 =	vmovc v61;
	v12 =	vmov v3;
	v3 =	vor.u32 v15, v13;
	v51 =	vor.u32 v16, v14  }
0x3a: {  	v10 =	vmovc v47;
	v15 =	vshll.u32 v32, $0x3;
	v16 =	vand.u32 $0x7F, v32;
	v17 =	vmovc v3;
	v3 =	vand.u32 $0x7, v18  }
0x3b: {  	[tilespmem:$0x1FFE0] =	vst v56;
	v32 =	vmovc v62;
	v13 =	vmovc v48;
	v15 =	vand.u32 $0xFFFFFC00, v15;
	v21 =	vmov v3;
	v3 =	vand.u32 $0x7, v22  }
0x3c: {  	[tilespmem:$0x1FFD0] =	vst v59;
	v18 =	vmovc v51;
	v51 =	vand.u32 $0x7, v33;
	v14 =	vmovc v49;
	v25 =	vmov v3;
	v3 =	vand.u32 $0x7, v26  }
0x3d: {  	[tilespmem:s14], [sflag:$0x1] =	stream.linear.gather [hbm4b:s8+s5], $0x7000, $0x38;
	v52 =	vor.u32 v16, v15;
	v16 =	vsub.f32 $1.000000000e+00, v11;
	v22 =	vmovc v54;
	v29 =	vmovc v3;
	v3 =	vand.u32 $0x7, v30;
	[tilespmem:$0x1C110] =	vst v63  }
0x3e: {  	s23 =	simm.s32 $0x0;
	[tilespmem:$0x1FFF0] =	vst v51;
	v19 =	vmovc v52;
	v26 =	vmovc v57;
	v15 =	vmov v50;
	v30 =	vmov v60;
	v33 =	vmov v3  }
.LBB2_2:
0x3f: {  	s25 =	sshll.u32 s23, $0x1  }
0x40: {  	s0 =	sadd.s32 s25, s9  }
0x41: {  	s24 =	smul.u32 $0xE00, s0;
	_ =	sdelay $0x1  }
0x42: {  	s0 =	sadd.s32 s1, s24  }
0x43: {  	[tilespmem:s15], [sflag:$0x2] =	stream.linear.gather [hbm4b:s0+s5], $0x7000, $0x38;
	[tilespmem:$0x1C110] =	vst v63  }
0x44: {  	_ =	swait.ge [sflag:s16], $0x7000  }
0x45: {  	p0 =	seq.s32 s23, $0x0;
	[sflag:s16] =	ssyncset.done $0x0  }
0x46: {  	s0 =	simm.s32 @!p0 $0x3;
	[sflag:s16] =	ssyncadd.s32 $0xFFFF9000  }
0x47: {  	_ =	swait.ge @!p0 [sflag:s0], $0x7000  }
0x48: {  	[sflag:s0] =	ssyncset.done @!p0 $0x0  }
0x49: {  	s26 =	simm.s32 $0x0;
	[sflag:s0] =	ssyncadd.s32 @!p0 $0xFFFF9000  }
.LBB2_3:
0x4a: {  	s28 =	sshll.u32 s26, $0x8  }
0x4b: {  	v34 =	vadd.s32 s28, v63  }
0x4c: {  	v34 =	vand.u32 $0xFFFFFC78, v34  }
0x4d: {  	v34 =	vor.u32 v21, v34;
	_ =	sdelay $0x3  }
0x4e: {  	v35 =	vld [tilespmem:s28+$0x110]  }
0x4f: {  	v34 =	vld.idx.msk [tilespmem:v34+s14+$0x0], $0xffff;
	_ =	sdelay $0x2  }
0x50: {  	v36 =	vadd.s32 s28, v4  }
0x51: {  	v36 =	vand.u32 $0xFFFFFC78, v36  }
0x52: {  	v36 =	vor.u32 v22, v36;
	v35 =	vmul.f32 v35, v11;
	v34 =	vmul.f32 v34, v16;
	_ =	sdelay $0x1  }
0x53: {  	v34 =	vadd.f32 v34, v35;
	_ =	sdelay $0x1  }
0x54: {  	v62 =	vld [tilespmem:s28+$0x120];
	[tilespmem:s28+$0xE110] =	vst v34  }
0x55: {  	v0 =	vld.idx.msk [tilespmem:v36+s14+$0x0], $0xffff;
	_ =	sdelay $0x2  }
0x56: {  	v1 =	vadd.s32 s28, v5  }
0x57: {  	v36 =	vand.u32 $0xFFFFFC78, v1  }
0x58: {  	v34 =	vmul.f32 v62, v11;
	v36 =	vor.u32 v23, v36;
	v35 =	vmul.f32 v0, v16;
	_ =	sdelay $0x1  }
0x59: {  	v34 =	vadd.f32 v35, v34;
	_ =	sdelay $0x1  }
0x5a: {  	v2 =	vld [tilespmem:s28+$0x130];
	[tilespmem:s28+$0xE120] =	vst v34  }
0x5b: {  	v40 =	vld.idx.msk [tilespmem:v36+s14+$0x0], $0xffff;
	_ =	sdelay $0x2  }
0x5c: {  	v41 =	vadd.s32 s28, v6  }
0x5d: {  	v36 =	vand.u32 $0xFFFFFC78, v41  }
0x5e: {  	v34 =	vmul.f32 v2, v11;
	v36 =	vor.u32 v24, v36;
	v35 =	vmul.f32 v40, v16;
	_ =	sdelay $0x1  }
0x5f: {  	v34 =	vadd.f32 v35, v34  }
0x60: {  	s30 =	sor.u32 $0x80, s28  }
0x61: {  	v44 =	vadd.s32 s30, v63;
	[tilespmem:s28+$0xE130] =	vst v34  }
0x62: {  	v43 =	vld.idx.msk [tilespmem:v36+s14+$0x0], $0xffff;
	v36 =	vand.u32 $0xFFFFFCF8, v44  }
0x63: {  	v36 =	vor.u32 v21, v36  }
0x64: {  	v42 =	vld [tilespmem:s28+$0x140];
	_ =	sdelay $0x2  }
0x65: {  	v37 =	vadd.s32 s28, v7;
	v38 =	vld [tilespmem:s28+$0x190]  }
0x66: {  	v37 =	vand.u32 $0xFFFFFC78, v37;
	v46 =	vld.idx.msk [tilespmem:v36+s14+$0x0], $0xffff  }
0x67: {  	v37 =	vor.u32 v25, v37;
	v34 =	vmul.f32 v42, v11;
	v35 =	vmul.f32 v43, v16;
	_ =	sdelay $0x1  }
0x68: {  	v39 =	vadd.s32 s30, v4;
	v34 =	vadd.f32 v35, v34  }
0x69: {  	v39 =	vand.u32 $0xFFFFFCF8, v39  }
0x6a: {  	v45 =	vld [tilespmem:s28+$0x150];
	v39 =	vor.u32 v22, v39;
	v38 =	vmul.f32 v38, v11;
	[tilespmem:s28+$0xE140] =	vst v34;
	v34 =	vmul.f32 v46, v16  }
0x6b: {  	v47 =	vld.idx.msk [tilespmem:v37+s14+$0x0], $0xffff  }
0x6c: {  	v34 =	vadd.f32 v34, v38;
	_ =	sdelay $0x1  }
0x6d: {  	v48 =	vadd.s32 s28, v8;
	v50 =	vld [tilespmem:s28+$0x1A0];
	[tilespmem:s28+$0xE190] =	vst v34  }
0x6e: {  	v37 =	vand.u32 $0xFFFFFC78, v48;
	v52 =	vld.idx.msk [tilespmem:v39+s14+$0x0], $0xffff  }
0x6f: {  	v35 =	vmul.f32 v45, v11;
	v37 =	vor.u32 v26, v37;
	v36 =	vmul.f32 v47, v16;
	_ =	sdelay $0x1  }
0x70: {  	v54 =	vadd.s32 s30, v5;
	v35 =	vadd.f32 v36, v35  }
0x71: {  	v39 =	vand.u32 $0xFFFFFCF8, v54  }
0x72: {  	v49 =	vld [tilespmem:s28+$0x160];
	v34 =	vmul.f32 v50, v11;
	v39 =	vor.u32 v23, v39;
	[tilespmem:s28+$0xE150] =	vst v35;
	v35 =	vmul.f32 v52, v16  }
0x73: {  	v37 =	vld.idx.msk [tilespmem:v37+s14+$0x0], $0xffff  }
0x74: {  	v34 =	vadd.f32 v35, v34;
	_ =	sdelay $0x1  }
0x75: {  	v53 =	vadd.s32 s28, v9;
	v58 =	vld [tilespmem:s28+$0x1B0];
	[tilespmem:s28+$0xE1A0] =	vst v34  }
0x76: {  	v38 =	vand.u32 $0xFFFFFC78, v53;
	v60 =	vld.idx.msk [tilespmem:v39+s14+$0x0], $0xffff  }
0x77: {  	v38 =	vor.u32 v27, v38;
	v36 =	vmul.f32 v49, v11;
	v37 =	vmul.f32 v37, v16;
	_ =	sdelay $0x1  }
0x78: {  	s2 =	sor.u32 $0x100, s28;
	v0 =	vadd.s32 s30, v6;
	v55 =	vadd.f32 v37, v36  }
0x79: {  	v40 =	vadd.s32 s2, v63;
	v39 =	vand.u32 $0xFFFFFCF8, v0  }
0x7a: {  	v57 =	vld [tilespmem:s28+$0x170];
	s0 =	sor.u32 $0x200, s28;
	v34 =	vmul.f32 v58, v11;
	v39 =	vor.u32 v24, v39;
	[tilespmem:s28+$0xE160] =	vst v55;
	v35 =	vmul.f32 v60, v16  }
0x7b: {  	v41 =	vadd.s32 s0, v63;
	v1 =	vand.u32 $0xFFFFFD78, v40;
	v61 =	vld.idx.msk [tilespmem:v38+s14+$0x0], $0xffff  }
0x7c: {  	s3 =	sor.u32 $0x180, s28;
	v41 =	vand.u32 $0xFFFFFE78, v41;
	v34 =	vadd.f32 v35, v34;
	v35 =	vor.u32 v21, v1  }
0x7d: {  	v2 =	vld [tilespmem:s28+$0x180];
	v41 =	vor.u32 v21, v41;
	v46 =	vadd.s32 s3, v63  }
0x7e: {  	v62 =	vadd.s32 s28, v10;
	v45 =	vld [tilespmem:s28+$0x1C0];
	v48 =	vand.u32 $0xFFFFFDF8, v46;
	[tilespmem:s28+$0xE1B0] =	vst v34  }
0x7f: {  	v38 =	vand.u32 $0xFFFFFC78, v62;
	v47 =	vld.idx.msk [tilespmem:v39+s14+$0x0], $0xffff;
	v39 =	vor.u32 v21, v48  }
0x80: {  	v49 =	vld [tilespmem:s28+$0x210];
	v36 =	vmul.f32 v57, v11;
	v38 =	vor.u32 v28, v38;
	v37 =	vmul.f32 v61, v16  }
0x81: {  	v42 =	vadd.s32 s30, v7;
	v35 =	vld.idx.msk [tilespmem:v35+s14+$0x0], $0xffff  }
0x82: {  	v41 =	vld.idx.msk [tilespmem:v41+s14+$0x0], $0xffff;
	v42 =	vand.u32 $0xFFFFFCF8, v42;
	v36 =	vadd.f32 v37, v36  }
0x83: {  	v42 =	vor.u32 v25, v42;
	v43 =	vld [tilespmem:s28+$0x290]  }
0x84: {  	v34 =	vmul.f32 v45, v11;
	v45 =	vadd.s32 s2, v4;
	[tilespmem:s28+$0xE170] =	vst v36;
	v36 =	vmul.f32 v47, v16;
	v39 =	vld.idx.msk [tilespmem:v39+s14+$0x0], $0xffff  }
0x85: {  	v44 =	vadd.s32 s28, v12;
	v40 =	vmul.f32 v49, v11;
	v45 =	vand.u32 $0xFFFFFD78, v45;
	v38 =	vld.idx.msk [tilespmem:v38+s14+$0x0], $0xffff  }
0x86: {  	v46 =	vld [tilespmem:s28+$0x310];
	v45 =	vor.u32 v22, v45;
	v34 =	vadd.f32 v36, v34;
	v35 =	vmul.f32 v35, v16  }
0x87: {  	v44 =	vand.u32 $0xFFFFFC78, v44;
	v41 =	vmul.f32 v41, v16;
	v52 =	vadd.s32 s3, v4  }
0x88: {  	v50 =	vld [tilespmem:s28+$0x1D0];
	v55 =	vmul.f32 v43, v11;
	[tilespmem:s28+$0xE1C0] =	vst v34;
	v35 =	vadd.f32 v35, v40;
	v34 =	vand.u32 $0xFFFFFDF8, v52  }
0x89: {  	v47 =	vadd.s32 s0, v4;
	v53 =	vld.idx.msk [tilespmem:v42+s14+$0x0], $0xffff;
	v39 =	vmul.f32 v39, v16;
	v34 =	vor.u32 v22, v34  }
0x8a: {  	v58 =	vld [tilespmem:s28+$0x220];
	v37 =	vmul.f32 v2, v11;
	v62 =	vand.u32 $0xFFFFFE78, v47;
	v38 =	vmul.f32 v38, v16;
	[tilespmem:s28+$0xE210] =	vst v35  }
0x8b: {  	v0 =	vmul.f32 v46, v11;
	v42 =	vor.u32 v22, v62;
	v61 =	vld.idx.msk [tilespmem:v45+s14+$0x0], $0xffff;
	v39 =	vadd.f32 v39, v55  }
0x8c: {  	v44 =	vor.u32 v29, v44;
	v54 =	vld [tilespmem:s28+$0x510];
	v57 =	vadd.s32 s30, v8;
	v37 =	vadd.f32 v38, v37  }
0x8d: {  	v41 =	vadd.f32 v41, v0;
	v60 =	vand.u32 $0xFFFFFCF8, v57;
	v1 =	vld [tilespmem:s28+$0x2A0];
	v36 =	vmul.f32 v50, v11;
	[tilespmem:s28+$0xE290] =	vst v39  }
0x8e: {  	v2 =	vadd.s32 s2, v5;
	[tilespmem:s28+$0xE180] =	vst v37;
	v37 =	vor.u32 v26, v60;
	v38 =	vmul.f32 v53, v16;
	v34 =	vld.idx.msk [tilespmem:v34+s14+$0x0], $0xffff  }
0x8f: {  	[tilespmem:s28+$0xE310] =	vst v41;
	v49 =	vand.u32 $0xFFFFFD78, v2;
	v50 =	vld [tilespmem:s28+$0x320];
	v35 =	vmul.f32 v58, v11  }
0x90: {  	v45 =	vor.u32 v23, v49;
	v42 =	vld.idx.msk [tilespmem:v42+s14+$0x0], $0xffff;
	v36 =	vadd.f32 v38, v36;
	v43 =	vmul.f32 v61, v16  }
0x91: {  	v57 =	vadd.s32 s0, v5;
	v48 =	vld [tilespmem:s28+$0x1E0];
	v52 =	vadd.s32 s3, v5  }
0x92: {  	v40 =	vmul.f32 v54, v11;
	v44 =	vld.idx.msk [tilespmem:v44+s14+$0x0], $0xffff;
	[tilespmem:s28+$0xE1D0] =	vst v36;
	v35 =	vadd.f32 v43, v35;
	v36 =	vand.u32 $0xFFFFFDF8, v52  }
0x93: {  	v39 =	vmul.f32 v1, v11;
	v37 =	vld.idx.msk [tilespmem:v37+s14+$0x0], $0xffff;
	v34 =	vmul.f32 v34, v16;
	v36 =	vor.u32 v23, v36  }
0x94: {  	v62 =	vadd.s32 s2, v6;
	v58 =	vand.u32 $0xFFFFFE78, v57;
	v55 =	vld [tilespmem:s28+$0x230];
	v41 =	vmul.f32 v50, v11;
	[tilespmem:s28+$0xE220] =	vst v35  }
0x95: {  	v42 =	vmul.f32 v42, v16;
	v45 =	vld.idx.msk [tilespmem:v45+s14+$0x0], $0xffff;
	v34 =	vadd.f32 v34, v39;
	v39 =	vor.u32 v23, v58  }
0x96: {  	v54 =	vadd.s32 s30, v9;
	v2 =	vand.u32 $0xFFFFFD78, v62;
	v38 =	vmul.f32 v48, v11  }
0x97: {  	v60 =	vld [tilespmem:s28+$0x2B0];
	v53 =	vmul.f32 v44, v16;
	v44 =	vand.u32 $0xFFFFFCF8, v54;
	v41 =	vadd.f32 v42, v41;
	[tilespmem:s28+$0xE2A0] =	vst v34  }
0x98: {  	v61 =	vadd.s32 s28, v13;
	v44 =	vor.u32 v27, v44;
	v37 =	vmul.f32 v37, v16;
	v36 =	vld.idx.msk [tilespmem:v36+s14+$0x0], $0xffff  }
0x99: {  	v46 =	vor.u32 v24, v2;
	v48 =	vld [tilespmem:s28+$0x330];
	v0 =	vand.u32 $0xFFFFFC78, v61;
	v40 =	vadd.f32 v53, v40;
	[tilespmem:s28+$0xE320] =	vst v41  }
0x9a: {  	v35 =	vmul.f32 v55, v11;
	v37 =	vadd.f32 v37, v38;
	v45 =	vmul.f32 v45, v16;
	v39 =	vld.idx.msk [tilespmem:v39+s14+$0x0], $0xffff  }
0x9b: {  	v49 =	vadd.s32 s3, v6;
	v1 =	vld [tilespmem:s28+$0x1F0];
	v42 =	vor.u32 v30, v0;
	[tilespmem:s28+$0xE510] =	vst v40  }
0x9c: {  	v52 =	vld [tilespmem:s28+$0x520];
	v55 =	vadd.s32 s0, v6;
	[tilespmem:s28+$0xE1E0] =	vst v37;
	v35 =	vadd.f32 v45, v35;
	v37 =	vand.u32 $0xFFFFFDF8, v49  }
0x9d: {  	v34 =	vmul.f32 v60, v11;
	v50 =	vld.idx.msk [tilespmem:v44+s14+$0x0], $0xffff;
	v36 =	vmul.f32 v36, v16;
	v37 =	vor.u32 v24, v37  }
0x9e: {  	v54 =	vld [tilespmem:s28+$0x240];
	v60 =	vand.u32 $0xFFFFFE78, v55;
	v41 =	vmul.f32 v48, v11;
	[tilespmem:s28+$0xE230] =	vst v35  }
0x9f: {  	v58 =	vld.idx.msk [tilespmem:v46+s14+$0x0], $0xffff;
	v34 =	vadd.f32 v36, v34;
	v39 =	vmul.f32 v39, v16;
	v36 =	vor.u32 v24, v60  }
0xa0: {  	v62 =	vadd.s32 s2, v7;
	v53 =	vadd.s32 s30, v10;
	v42 =	vld.idx.msk [tilespmem:v42+s14+$0x0], $0xffff  }
0xa1: {  	v2 =	vand.u32 $0xFFFFFD78, v62;
	v61 =	vld [tilespmem:s28+$0x2C0];
	v57 =	vand.u32 $0xFFFFFCF8, v53;
	[tilespmem:s28+$0xE2B0] =	vst v34;
	v39 =	vadd.f32 v39, v41  }
0xa2: {  	v40 =	vor.u32 v28, v57;
	v38 =	vmul.f32 v1, v11;
	v43 =	vmul.f32 v50, v16;
	v37 =	vld.idx.msk [tilespmem:v37+s14+$0x0], $0xffff  }
0xa3: {  	v0 =	vmul.f32 v52, v11;
	v48 =	vld [tilespmem:s28+$0x340];
	v49 =	vadd.s32 s28, v14;
	v44 =	vor.u32 v25, v2;
	[tilespmem:s28+$0xE330] =	vst v39  }
0xa4: {  	v35 =	vmul.f32 v54, v11;
	v38 =	vadd.f32 v43, v38;
	v45 =	vmul.f32 v58, v16;
	v36 =	vld.idx.msk [tilespmem:v36+s14+$0x0], $0xffff  }
0xa5: {  	v53 =	vld [tilespmem:s28+$0x250];
	v54 =	vadd.s32 s0, v7;
	v42 =	vmul.f32 v42, v16;
	v50 =	vadd.s32 s3, v7  }
0xa6: {  	v1 =	vld [tilespmem:s28+$0x200];
	v46 =	vand.u32 $0xFFFFFC78, v49;
	[tilespmem:s28+$0xE1F0] =	vst v38;
	v35 =	vadd.f32 v45, v35;
	v38 =	vand.u32 $0xFFFFFDF8, v50  }
0xa7: {  	v60 =	vld [tilespmem:s28+$0x2D0];
	v34 =	vmul.f32 v61, v11;
	v37 =	vmul.f32 v37, v16;
	v38 =	vor.u32 v25, v38  }
0xa8: {  	v57 =	vand.u32 $0xFFFFFE78, v54;
	v52 =	vor.u32 v31, v46;
	v39 =	vmul.f32 v48, v11;
	v40 =	vld.idx.msk [tilespmem:v40+s14+$0x0], $0xffff;
	[tilespmem:s28+$0xE240] =	vst v35  }
0xa9: {  	v44 =	vld.idx.msk [tilespmem:v44+s14+$0x0], $0xffff;
	v34 =	vadd.f32 v37, v34;
	v36 =	vmul.f32 v36, v16;
	v37 =	vor.u32 v25, v57  }
0xaa: {  	v41 =	vadd.f32 v42, v0;
	v48 =	vld [tilespmem:s28+$0x350]  }
0xab: {  	v55 =	vadd.s32 s30, v12;
	v58 =	vld [tilespmem:s28+$0x530];
	[tilespmem:s28+$0xE2C0] =	vst v34;
	v36 =	vadd.f32 v36, v39  }
0xac: {  	v62 =	vadd.s32 s2, v8;
	v49 =	vadd.s32 s3, v8;
	v46 =	vand.u32 $0xFFFFFCF8, v55;
	[tilespmem:s28+$0xE520] =	vst v41;
	v38 =	vld.idx.msk [tilespmem:v38+s14+$0x0], $0xffff  }
0xad: {  	v43 =	vmul.f32 v1, v11;
	v1 =	vand.u32 $0xFFFFFD78, v62;
	v0 =	vld.idx.msk [tilespmem:v52+s14+$0x0], $0xffff;
	v40 =	vmul.f32 v40, v16;
	[tilespmem:s28+$0xE340] =	vst v36  }
0xae: {  	v42 =	vor.u32 v26, v1;
	v35 =	vmul.f32 v53, v11;
	v2 =	vmul.f32 v44, v16;
	v37 =	vld.idx.msk [tilespmem:v37+s14+$0x0], $0xffff  }
0xaf: {  	v55 =	vadd.s32 s0, v8;
	v61 =	vor.u32 v29, v46;
	v40 =	vadd.f32 v40, v43  }
0xb0: {  	v52 =	vand.u32 $0xFFFFFDF8, v49;
	v45 =	vmul.f32 v58, v11;
	v35 =	vadd.f32 v2, v35  }
0xb1: {  	v54 =	vld [tilespmem:s28+$0x260];
	v34 =	vmul.f32 v60, v11;
	v43 =	vor.u32 v26, v52;
	[tilespmem:s28+$0xE200] =	vst v40;
	v38 =	vmul.f32 v38, v16  }
0xb2: {  	v50 =	vld [tilespmem:s28+$0x590];
	v57 =	vand.u32 $0xFFFFFE78, v55;
	v39 =	vmul.f32 v0, v16;
	v36 =	vmul.f32 v48, v11;
	[tilespmem:s28+$0xE250] =	vst v35  }
0xb3: {  	v42 =	vld.idx.msk [tilespmem:v42+s14+$0x0], $0xffff;
	v34 =	vadd.f32 v38, v34;
	v37 =	vmul.f32 v37, v16;
	v38 =	vor.u32 v26, v57  }
0xb4: {  	v53 =	vadd.s32 s28, v15;
	v41 =	vld.idx.msk [tilespmem:v61+s14+$0x0], $0xffff  }
0xb5: {  	v58 =	vld [tilespmem:s28+$0x2E0];
	v60 =	vadd.s32 s30, v13;
	v39 =	vadd.f32 v39, v45;
	[tilespmem:s28+$0xE2D0] =	vst v34;
	v36 =	vadd.f32 v37, v36  }
0xb6: {  	v45 =	vand.u32 $0xFFFFFCF8, v60;
	v44 =	vand.u32 $0xFFFFFC78, v53;
	v61 =	vadd.s32 s2, v9;
	v43 =	vld.idx.msk [tilespmem:v43+s14+$0x0], $0xffff  }
0xb7: {  	v0 =	vld [tilespmem:s28+$0x360];
	v52 =	vadd.s32 s0, v9;
	v44 =	vor.u32 v32, v44;
	v46 =	vand.u32 $0xFFFFFD78, v61;
	[tilespmem:s28+$0xE350] =	vst v36  }
0xb8: {  	v35 =	vmul.f32 v54, v11;
	v46 =	vor.u32 v27, v46;
	v42 =	vmul.f32 v42, v16;
	v38 =	vld.idx.msk [tilespmem:v38+s14+$0x0], $0xffff  }
0xb9: {  	v62 =	vld [tilespmem:s28+$0x540];
	v40 =	vmul.f32 v50, v11;
	v2 =	vadd.s32 s3, v9;
	v41 =	vmul.f32 v41, v16  }
0xba: {  	v49 =	vld [tilespmem:s28+$0x5A0];
	v48 =	vand.u32 $0xFFFFFDF8, v2;
	v34 =	vmul.f32 v58, v11;
	v35 =	vadd.f32 v42, v35  }
0xbb: {  	[tilespmem:s28+$0xE530] =	vst v39;
	v50 =	vld [tilespmem:s28+$0x270];
	v40 =	vadd.f32 v41, v40;
	v41 =	vor.u32 v27, v48;
	v43 =	vmul.f32 v43, v16  }
0xbc: {  	v1 =	vor.u32 v30, v45;
	v55 =	vand.u32 $0xFFFFFE78, v52;
	v44 =	vld.idx.msk [tilespmem:v44+s14+$0x0], $0xffff;
	v36 =	vmul.f32 v0, v11;
	[tilespmem:s28+$0xE260] =	vst v35  }
0xbd: {  	v54 =	vld.idx.msk [tilespmem:v46+s14+$0x0], $0xffff;
	v34 =	vadd.f32 v43, v34;
	v38 =	vmul.f32 v38, v16;
	v43 =	vor.u32 v27, v55  }
0xbe: {  	v58 =	vld [tilespmem:s28+$0x2F0]  }
0xbf: {  	v60 =	vadd.s32 s2, v10;
	v53 =	vadd.s32 s28, v17;
	v0 =	vld [tilespmem:s28+$0x370];
	[tilespmem:s28+$0xE2E0] =	vst v34;
	v36 =	vadd.f32 v38, v36  }
0xc0: {  	v52 =	vadd.s32 s0, v10;
	v2 =	vadd.s32 s3, v10;
	v57 =	vand.u32 $0xFFFFFC78, v53;
	[tilespmem:s28+$0xE590] =	vst v40;
	v41 =	vld.idx.msk [tilespmem:v41+s14+$0x0], $0xffff  }
0xc1: {  	v37 =	vmul.f32 v62, v11;
	v62 =	vand.u32 $0xFFFFFD78, v60;
	v44 =	vmul.f32 v44, v16;
	v39 =	vld.idx.msk [tilespmem:v1+s14+$0x0], $0xffff;
	[tilespmem:s28+$0xE360] =	vst v36  }
0xc2: {  	v42 =	vor.u32 v28, v62;
	v35 =	vmul.f32 v50, v11;
	v40 =	vmul.f32 v54, v16;
	v43 =	vld.idx.msk [tilespmem:v43+s14+$0x0], $0xffff  }
0xc3: {  	v61 =	vmul.f32 v49, v11;
	v49 =	vand.u32 $0xFFFFFDF8, v2;
	v45 =	vor.u32 v33, v57  }
0xc4: {  	s29 =	sor.u32 $0x280, s28;
	v57 =	vld [tilespmem:s28+$0x300];
	v37 =	vadd.f32 v44, v37;
	v34 =	vmul.f32 v58, v11;
	v35 =	vadd.f32 v40, v35  }
0xc5: {  	v48 =	vld [tilespmem:s28+$0x550];
	v58 =	vadd.s32 s29, v63;
	v40 =	vor.u32 v28, v49;
	v41 =	vmul.f32 v41, v16  }
0xc6: {  	v50 =	vld [tilespmem:s28+$0x280];
	v39 =	vmul.f32 v39, v16;
	v36 =	vmul.f32 v0, v11;
	v54 =	vand.u32 $0xFFFFFE78, v52;
	[tilespmem:s28+$0xE270] =	vst v35  }
0xc7: {  	v53 =	vld.idx.msk [tilespmem:v42+s14+$0x0], $0xffff;
	v34 =	vadd.f32 v41, v34;
	v43 =	vmul.f32 v43, v16;
	v41 =	vor.u32 v28, v54  }
0xc8: {  	v62 =	vld [tilespmem:s28+$0x380];
	v1 =	vadd.s32 s30, v14;
	[tilespmem:s28+$0xE540] =	vst v37;
	v38 =	vadd.f32 v39, v61;
	v61 =	vand.u32 $0xFFFFFEF8, v58  }
0xc9: {  	v44 =	vand.u32 $0xFFFFFCF8, v1;
	v45 =	vld.idx.msk [tilespmem:v45+s14+$0x0], $0xffff;
	[tilespmem:s28+$0xE2F0] =	vst v34;
	v36 =	vadd.f32 v43, v36;
	v43 =	vor.u32 v21, v61  }
0xca: {  	v60 =	vadd.s32 s2, v12;
	v1 =	vadd.s32 s3, v12;
	v44 =	vor.u32 v31, v44;
	[tilespmem:s28+$0xE5A0] =	vst v38;
	v40 =	vld.idx.msk [tilespmem:v40+s14+$0x0], $0xffff  }
0xcb: {  	v55 =	vld [tilespmem:s28+$0x5B0];
	v47 =	vand.u32 $0xFFFFFDF8, v1;
	v0 =	vadd.s32 s28, v18;
	v38 =	vand.u32 $0xFFFFFD78, v60;
	[tilespmem:s28+$0xE370] =	vst v36  }
0xcc: {  	v38 =	vor.u32 v29, v38;
	v35 =	vmul.f32 v50, v11;
	v39 =	vmul.f32 v53, v16;
	v41 =	vld.idx.msk [tilespmem:v41+s14+$0x0], $0xffff  }
0xcd: {  	v37 =	vmul.f32 v48, v11;
	v48 =	vld [tilespmem:s28+$0x390];
	v47 =	vor.u32 v29, v47;
	v46 =	vand.u32 $0xFFFFFC78, v0  }
0xce: {  	v45 =	vmul.f32 v45, v16;
	v49 =	vadd.s32 s29, v4;
	v35 =	vadd.f32 v39, v35;
	v43 =	vld.idx.msk [tilespmem:v43+s14+$0x0], $0xffff  }
0xcf: {  	v2 =	vld [tilespmem:s28+$0x610];
	v34 =	vmul.f32 v57, v11;
	v53 =	vadd.s32 s0, v12;
	v40 =	vmul.f32 v40, v16  }
0xd0: {  	v44 =	vld.idx.msk [tilespmem:v44+s14+$0x0], $0xffff;
	v37 =	vadd.f32 v45, v37;
	v36 =	vmul.f32 v62, v11;
	[tilespmem:s28+$0xE280] =	vst v35;
	v35 =	vand.u32 $0xFFFFFE78, v53  }
0xd1: {  	v38 =	vld.idx.msk [tilespmem:v38+s14+$0x0], $0xffff;
	v34 =	vadd.f32 v40, v34;
	v41 =	vmul.f32 v41, v16;
	v35 =	vor.u32 v29, v35  }
0xd2: {  	v60 =	vand.u32 $0xFFFFFEF8, v49;
	v42 =	vmul.f32 v55, v11;
	v61 =	vmul.f32 v48, v11  }
0xd3: {  	v55 =	vld [tilespmem:s28+$0x690];
	[tilespmem:s28+$0xE300] =	vst v34;
	v36 =	vadd.f32 v41, v36;
	v43 =	vmul.f32 v43, v16;
	v41 =	vor.u32 v22, v60  }
0xd4: {  	v1 =	vadd.s32 s3, v13;
	v52 =	vor.u32 v59, v46;
	v54 =	vadd.s32 s2, v13;
	[tilespmem:s28+$0xE550] =	vst v37;
	v58 =	vld.idx.msk [tilespmem:v47+s14+$0x0], $0xffff  }
0xd5: {  	v57 =	vand.u32 $0xFFFFFD78, v54;
	v44 =	vmul.f32 v44, v16;
	v62 =	vld [tilespmem:s28+$0x710];
	[tilespmem:s28+$0xE380] =	vst v36;
	v43 =	vadd.f32 v43, v61  }
0xd6: {  	v37 =	vor.u32 v30, v57;
	v39 =	vmul.f32 v2, v11;
	v38 =	vmul.f32 v38, v16;
	v35 =	vld.idx.msk [tilespmem:v35+s14+$0x0], $0xffff  }
0xd7: {  	v0 =	vadd.s32 s30, v15;
	v54 =	vld [tilespmem:s28+$0x3A0];
	v53 =	vand.u32 $0xFFFFFDF8, v1;
	[tilespmem:s28+$0xE390] =	vst v43  }
0xd8: {  	v42 =	vadd.f32 v44, v42;
	v48 =	vor.u32 v30, v53;
	v38 =	vadd.f32 v38, v39;
	v41 =	vld.idx.msk [tilespmem:v41+s14+$0x0], $0xffff  }
0xd9: {  	v45 =	vld.idx.msk [tilespmem:v52+s14+$0x0], $0xffff;
	v34 =	vmul.f32 v55, v11;
	v55 =	vadd.s32 s0, v13;
	v46 =	vmul.f32 v58, v16  }
0xda: {  	v52 =	vld [tilespmem:s28+$0x620];
	v60 =	vadd.s32 s29, v5;
	v36 =	vmul.f32 v62, v11;
	[tilespmem:s28+$0xE610] =	vst v38;
	v38 =	vand.u32 $0xFFFFFE78, v55  }
0xdb: {  	v37 =	vld.idx.msk [tilespmem:v37+s14+$0x0], $0xffff;
	v34 =	vadd.f32 v46, v34;
	v35 =	vmul.f32 v35, v16;
	v38 =	vor.u32 v30, v38  }
0xdc: {  	v2 =	vand.u32 $0xFFFFFCF8, v0;
	v40 =	vld [tilespmem:s28+$0x560];
	v0 =	vand.u32 $0xFFFFFEF8, v60;
	v43 =	vmul.f32 v54, v11  }
0xdd: {  	v58 =	vld [tilespmem:s28+$0x6A0];
	[tilespmem:s28+$0xE690] =	vst v34;
	v35 =	vadd.f32 v35, v36;
	v41 =	vmul.f32 v41, v16;
	v36 =	vor.u32 v23, v0  }
0xde: {  	v57 =	vadd.s32 s2, v14;
	[tilespmem:s28+$0xE5B0] =	vst v42;
	v62 =	vld.idx.msk [tilespmem:v48+s14+$0x0], $0xffff  }
0xdf: {  	v1 =	vld [tilespmem:s28+$0x720];
	v47 =	vor.u32 v32, v2;
	v61 =	vand.u32 $0xFFFFFD78, v57;
	[tilespmem:s28+$0xE710] =	vst v35;
	v41 =	vadd.f32 v41, v43  }
0xe0: {  	v42 =	vor.u32 v31, v61;
	v39 =	vmul.f32 v52, v11;
	v37 =	vmul.f32 v37, v16;
	v38 =	vld.idx.msk [tilespmem:v38+s14+$0x0], $0xffff  }
0xe1: {  	v2 =	vadd.s32 s3, v14;
	v57 =	vadd.s32 s0, v14;
	v40 =	vmul.f32 v40, v11;
	v55 =	vld [tilespmem:s28+$0x3B0];
	[tilespmem:s28+$0xE3A0] =	vst v41  }
0xe2: {  	v54 =	vand.u32 $0xFFFFFDF8, v2;
	v52 =	vmul.f32 v45, v16;
	v37 =	vadd.f32 v37, v39;
	v36 =	vld.idx.msk [tilespmem:v36+s14+$0x0], $0xffff  }
0xe3: {  	v44 =	vld [tilespmem:s28+$0x5C0];
	v45 =	vor.u32 v31, v54;
	v34 =	vmul.f32 v58, v11;
	v46 =	vmul.f32 v62, v16  }
0xe4: {  	v53 =	vld [tilespmem:s28+$0x630];
	v61 =	vadd.s32 s29, v6;
	v35 =	vmul.f32 v1, v11;
	[tilespmem:s28+$0xE620] =	vst v37;
	v37 =	vand.u32 $0xFFFFFE78, v57  }
0xe5: {  	v42 =	vld.idx.msk [tilespmem:v42+s14+$0x0], $0xffff;
	v34 =	vadd.f32 v46, v34;
	v38 =	vmul.f32 v38, v16;
	v37 =	vor.u32 v31, v37  }
0xe6: {  	v2 =	vadd.s32 s3, v15;
	v47 =	vld.idx.msk [tilespmem:v47+s14+$0x0], $0xffff;
	v41 =	vmul.f32 v55, v11;
	v62 =	vand.u32 $0xFFFFFEF8, v61  }
0xe7: {  	v60 =	vld [tilespmem:s28+$0x6B0];
	[tilespmem:s28+$0xE6A0] =	vst v34;
	v35 =	vadd.f32 v38, v35;
	v36 =	vmul.f32 v36, v16;
	v38 =	vor.u32 v24, v62  }
0xe8: {  	v50 =	vadd.s32 s29, v7;
	v54 =	vand.u32 $0xFFFFFDF8, v2;
	v58 =	vadd.s32 s2, v15;
	v45 =	vld.idx.msk [tilespmem:v45+s14+$0x0], $0xffff  }
0xe9: {  	v40 =	vadd.f32 v52, v40;
	v0 =	vld [tilespmem:s28+$0x730];
	v46 =	vand.u32 $0xFFFFFD78, v58;
	[tilespmem:s28+$0xE720] =	vst v35;
	v36 =	vadd.f32 v36, v41  }
0xea: {  	v39 =	vmul.f32 v53, v11;
	v46 =	vor.u32 v32, v46;
	v42 =	vmul.f32 v42, v16;
	v37 =	vld.idx.msk [tilespmem:v37+s14+$0x0], $0xffff  }
0xeb: {  	v48 =	vor.u32 v32, v54;
	v43 =	vmul.f32 v44, v11;
	v1 =	vadd.s32 s30, v17;
	v55 =	vld [tilespmem:s28+$0x3C0];
	[tilespmem:s28+$0xE3B0] =	vst v36  }
0xec: {  	v44 =	vmul.f32 v47, v16;
	v52 =	vand.u32 $0xFFFFFCF8, v1;
	v39 =	vadd.f32 v42, v39;
	v38 =	vld.idx.msk [tilespmem:v38+s14+$0x0], $0xffff  }
0xed: {  	v1 =	vld [tilespmem:s28+$0x6C0];
	v58 =	vadd.s32 s0, v15;
	v34 =	vmul.f32 v60, v11;
	v45 =	vmul.f32 v45, v16  }
0xee: {  	v53 =	vld [tilespmem:s28+$0x640];
	v41 =	vor.u32 v33, v52;
	v35 =	vmul.f32 v0, v11;
	[tilespmem:s28+$0xE630] =	vst v39;
	v39 =	vand.u32 $0xFFFFFE78, v58  }
0xef: {  	v60 =	vld.idx.msk [tilespmem:v46+s14+$0x0], $0xffff;
	v34 =	vadd.f32 v45, v34;
	v37 =	vmul.f32 v37, v16;
	v39 =	vor.u32 v32, v39  }
0xf0: {  	v50 =	vand.u32 $0xFFFFFEF8, v50;
	v43 =	vadd.f32 v44, v43;
	v61 =	vld [tilespmem:s28+$0x5D0];
	v36 =	vmul.f32 v55, v11  }
0xf1: {  	v52 =	vld [tilespmem:s28+$0x740];
	[tilespmem:s28+$0xE6B0] =	vst v34;
	v35 =	vadd.f32 v37, v35;
	v38 =	vmul.f32 v38, v16;
	v37 =	vor.u32 v25, v50  }
0xf2: {  	[tilespmem:s28+$0xE5C0] =	vst v43;
	v57 =	vadd.s32 s28, v19;
	v48 =	vld.idx.msk [tilespmem:v48+s14+$0x0], $0xffff  }
0xf3: {  	v62 =	vand.u32 $0xFFFFFC78, v57;
	v0 =	vadd.s32 s2, v17;
	v41 =	vld.idx.msk [tilespmem:v41+s14+$0x0], $0xffff;
	[tilespmem:s28+$0xE730] =	vst v35;
	v36 =	vadd.f32 v38, v36  }
0xf4: {  	v2 =	vand.u32 $0xFFFFFD78, v0;
	v42 =	vmul.f32 v53, v11;
	v44 =	vmul.f32 v60, v16;
	v39 =	vld.idx.msk [tilespmem:v39+s14+$0x0], $0xffff  }
0xf5: {  	v54 =	vmul.f32 v61, v11;
	v43 =	vor.u32 v33, v2;
	v53 =	vadd.s32 s3, v17;
	v58 =	vld [tilespmem:s28+$0x3D0];
	[tilespmem:s28+$0xE3C0] =	vst v36  }
0xf6: {  	v61 =	vadd.s32 s0, v17;
	v57 =	vand.u32 $0xFFFFFDF8, v53;
	v42 =	vadd.f32 v44, v42;
	v37 =	vld.idx.msk [tilespmem:v37+s14+$0x0], $0xffff  }
0xf7: {  	v45 =	vor.u32 v33, v57;
	v34 =	vmul.f32 v1, v11;
	v48 =	vmul.f32 v48, v16  }
0xf8: {  	v0 =	vld [tilespmem:s28+$0x6D0];
	v1 =	vadd.s32 s29, v8;
	v35 =	vmul.f32 v52, v11;
	[tilespmem:s28+$0xE640] =	vst v42;
	v42 =	vand.u32 $0xFFFFFE78, v61  }
0xf9: {  	v55 =	vld [tilespmem:s28+$0x650];
	v34 =	vadd.f32 v48, v34;
	v39 =	vmul.f32 v39, v16;
	v42 =	vor.u32 v33, v42  }
0xfa: {  	v41 =	vmul.f32 v41, v16;
	v52 =	vand.u32 $0xFFFFFEF8, v1;
	v36 =	vmul.f32 v58, v11;
	v43 =	vld.idx.msk [tilespmem:v43+s14+$0x0], $0xffff  }
0xfb: {  	v53 =	vld [tilespmem:s28+$0x5E0];
	[tilespmem:s28+$0xE6C0] =	vst v34;
	v35 =	vadd.f32 v39, v35;
	v37 =	vmul.f32 v37, v16;
	v39 =	vor.u32 v26, v52  }
0xfc: {  	v46 =	vor.u32 v56, v62;
	v57 =	vadd.s32 s3, v18;
	v60 =	vadd.s32 s30, v18;
	v45 =	vld.idx.msk [tilespmem:v45+s14+$0x0], $0xffff  }
0xfd: {  	v62 =	vand.u32 $0xFFFFFCF8, v60;
	v38 =	vadd.f32 v41, v54;
	v54 =	vld [tilespmem:s28+$0x750];
	[tilespmem:s28+$0xE740] =	vst v35;
	v36 =	vadd.f32 v37, v36  }
0xfe: {  	[tilespmem:s28+$0xE560] =	vst v40;
	v2 =	vadd.s32 s2, v18;
	v58 =	vand.u32 $0xFFFFFDF8, v57;
	v40 =	vor.u32 v59, v62;
	v42 =	vld.idx.msk [tilespmem:v42+s14+$0x0], $0xffff  }
0xff: {  	v60 =	vld [tilespmem:s28+$0x3E0];
	v44 =	vmul.f32 v55, v11;
	v61 =	vadd.s32 s0, v18;
	v48 =	vand.u32 $0xFFFFFD78, v2;
	[tilespmem:s28+$0xE3D0] =	vst v36  }
0x100: {  	v55 =	vor.u32 v59, v48;
	v34 =	vmul.f32 v0, v11;
	v43 =	vmul.f32 v43, v16;
	v39 =	vld.idx.msk [tilespmem:v39+s14+$0x0], $0xffff  }
0x101: {  	v0 =	vand.u32 $0xFFFFFE78, v61;
	v52 =	vadd.s32 s29, v9;
	v45 =	vmul.f32 v45, v16  }
0x102: {  	v57 =	vld [tilespmem:s28+$0x760];
	v35 =	vmul.f32 v54, v11;
	v43 =	vadd.f32 v43, v44;
	v44 =	vor.u32 v59, v58  }
0x103: {  	v62 =	vld [tilespmem:s28+$0x660];
	[tilespmem:s28+$0xE5D0] =	vst v38;
	v34 =	vadd.f32 v45, v34;
	v42 =	vmul.f32 v42, v16;
	v45 =	vor.u32 v59, v0  }
0x104: {  	v41 =	vmul.f32 v53, v11;
	v40 =	vld.idx.msk [tilespmem:v40+s14+$0x0], $0xffff;
	v53 =	vand.u32 $0xFFFFFEF8, v52;
	v36 =	vmul.f32 v60, v11;
	[tilespmem:s28+$0xE650] =	vst v43  }
0x105: {  	v38 =	vld.idx.msk [tilespmem:v55+s14+$0x0], $0xffff;
	v35 =	vadd.f32 v42, v35;
	v39 =	vmul.f32 v39, v16;
	v42 =	vor.u32 v27, v53  }
0x106: {  	v1 =	vadd.s32 s30, v19;
	v2 =	vld [tilespmem:s28+$0x6E0];
	[tilespmem:s28+$0xE6D0] =	vst v34  }
0x107: {  	v48 =	vand.u32 $0xFFFFFCF8, v1;
	v58 =	vadd.s32 s3, v19;
	v44 =	vld.idx.msk [tilespmem:v44+s14+$0x0], $0xffff;
	[tilespmem:s28+$0xE750] =	vst v35;
	v36 =	vadd.f32 v39, v36  }
0x108: {  	v54 =	vor.u32 v56, v48;
	v50 =	vand.u32 $0xFFFFFDF8, v58;
	v45 =	vld.idx.msk [tilespmem:v45+s14+$0x0], $0xffff  }
0x109: {  	v60 =	vld [tilespmem:s28+$0x3F0];
	v40 =	vmul.f32 v40, v16;
	v43 =	vmul.f32 v62, v11;
	v61 =	vor.u32 v56, v50;
	[tilespmem:s28+$0xE3E0] =	vst v36  }
0x10a: {  	v62 =	vadd.s32 s0, v19;
	v55 =	vadd.s32 s2, v19;
	v38 =	vmul.f32 v38, v16;
	v42 =	vld.idx.msk [tilespmem:v42+s14+$0x0], $0xffff  }
0x10b: {  	v48 =	vand.u32 $0xFFFFFD78, v55;
	v34 =	vmul.f32 v2, v11;
	v53 =	vadd.s32 s29, v10  }
0x10c: {  	v38 =	vadd.f32 v38, v43;
	v43 =	vand.u32 $0xFFFFFE78, v62;
	v44 =	vmul.f32 v44, v16  }
0x10d: {  	v47 =	vld [tilespmem:s28+$0x570];
	v35 =	vmul.f32 v57, v11;
	v43 =	vor.u32 v56, v43;
	v1 =	vmul.f32 v45, v16  }
0x10e: {  	v46 =	vld.idx.msk [tilespmem:v46+s14+$0x0], $0xffff;
	v57 =	vand.u32 $0xFFFFFEF8, v53;
	v36 =	vmul.f32 v60, v11;
	v34 =	vadd.f32 v44, v34  }
0x10f: {  	v50 =	vld [tilespmem:s28+$0x400];
	v44 =	vor.u32 v28, v57;
	v35 =	vadd.f32 v1, v35;
	v42 =	vmul.f32 v42, v16  }
0x110: {  	v40 =	vadd.f32 v40, v41;
	v0 =	vld [tilespmem:s28+$0x670];
	v48 =	vor.u32 v56, v48  }
0x111: {  	v60 =	vld [tilespmem:s28+$0x770];
	[tilespmem:s28+$0xE760] =	vst v35;
	v36 =	vadd.f32 v42, v36  }
0x112: {  	[tilespmem:s28+$0xE5E0] =	vst v40;
	v43 =	vld.idx.msk [tilespmem:v43+s14+$0x0], $0xffff  }
0x113: {  	v46 =	vmul.f32 v46, v16;
	v41 =	vld.idx.msk [tilespmem:v54+s14+$0x0], $0xffff;
	[tilespmem:s28+$0xE3F0] =	vst v36  }
0x114: {  	v37 =	vmul.f32 v47, v11;
	v47 =	vadd.s32 s28, v20;
	v54 =	vadd.s32 s30, v20;
	[tilespmem:s28+$0xE660] =	vst v38;
	v44 =	vld.idx.msk [tilespmem:v44+s14+$0x0], $0xffff  }
0x115: {  	v47 =	vand.u32 $0xFFFFFC78, v47;
	v58 =	vand.u32 $0xFFFFFCF8, v54;
	v52 =	vld.idx.msk [tilespmem:v48+s14+$0x0], $0xffff;
	[tilespmem:s28+$0xE6E0] =	vst v34  }
0x116: {  	v37 =	vadd.f32 v46, v37;
	v2 =	vor.u32 v51, v47;
	v40 =	vld.idx.msk [tilespmem:v61+s14+$0x0], $0xffff;
	v61 =	vor.u32 v51, v58  }
0x117: {  	v39 =	vld [tilespmem:s28+$0x5F0];
	v58 =	vadd.s32 s29, v12;
	v35 =	vmul.f32 v60, v11;
	v43 =	vmul.f32 v43, v16  }
0x118: {  	v62 =	vadd.s32 s2, v20;
	v60 =	vand.u32 $0xFFFFFEF8, v58;
	v36 =	vmul.f32 v50, v11  }
0x119: {  	v55 =	vld [tilespmem:s28+$0x6F0];
	v35 =	vadd.f32 v43, v35;
	v44 =	vmul.f32 v44, v16;
	v43 =	vor.u32 v29, v60  }
0x11a: {  	[tilespmem:s28+$0xE570] =	vst v37;
	v54 =	vadd.s32 s0, v20;
	v53 =	vld [tilespmem:s28+$0x600];
	v38 =	vmul.f32 v0, v11;
	v1 =	vand.u32 $0xFFFFFD78, v62  }
0x11b: {  	v42 =	vld.idx.msk [tilespmem:v2+s14+$0x0], $0xffff;
	v2 =	vor.u32 v51, v1;
	v0 =	vmul.f32 v52, v16;
	v36 =	vadd.f32 v44, v36  }
0x11c: {  	v49 =	vld [tilespmem:s28+$0x580];
	v46 =	vand.u32 $0xFFFFFE78, v54;
	v41 =	vmul.f32 v41, v16;
	v39 =	vmul.f32 v39, v11  }
0x11d: {  	s2 =	sor.u32 $0x300, s28;
	v48 =	vadd.s32 s3, v20;
	v57 =	vor.u32 v51, v46;
	v1 =	vld [tilespmem:s28+$0x790];
	v38 =	vadd.f32 v0, v38;
	[tilespmem:s28+$0xE400] =	vst v36  }
0x11e: {  	v39 =	vadd.f32 v41, v39;
	v52 =	vand.u32 $0xFFFFFDF8, v48;
	v50 =	vadd.s32 s2, v63;
	v43 =	vld.idx.msk [tilespmem:v43+s14+$0x0], $0xffff  }
0x11f: {  	v34 =	vmul.f32 v55, v11;
	v55 =	vld [tilespmem:s28+$0x680];
	v45 =	vor.u32 v51, v52;
	v51 =	vand.u32 $0xFFFFFF78, v50;
	[tilespmem:s28+$0xE670] =	vst v38  }
0x120: {  	[tilespmem:s28+$0xE5F0] =	vst v39;
	v39 =	vmul.f32 v53, v11;
	v53 =	vor.u32 v21, v51;
	v41 =	vld.idx.msk [tilespmem:v2+s14+$0x0], $0xffff  }
0x121: {  	v37 =	vld.idx.msk [tilespmem:v61+s14+$0x0], $0xffff  }
0x122: {  	v0 =	vmul.f32 v49, v11  }
0x123: {  	v36 =	vmul.f32 v1, v11;
	v49 =	vmul.f32 v43, v16  }
0x124: {  	v54 =	vld [tilespmem:s28+$0x410]  }
0x125: {  	v38 =	vmul.f32 v55, v11;
	v41 =	vmul.f32 v41, v16;
	v52 =	vadd.f32 v49, v36;
	v36 =	vld.idx.msk [tilespmem:v53+s14+$0x0], $0xffff  }
0x126: {  	v37 =	vmul.f32 v37, v16  }
0x127: {  	v38 =	vadd.f32 v41, v38  }
0x128: {  	v55 =	vadd.s32 s2, v4;
	v37 =	vadd.f32 v37, v39  }
0x129: {  	[tilespmem:s28+$0xE680] =	vst v38;
	v38 =	vand.u32 $0xFFFFFF78, v55  }
0x12a: {  	[tilespmem:s28+$0xE600] =	vst v37;
	v37 =	vmul.f32 v54, v11;
	v38 =	vor.u32 v22, v38;
	v36 =	vmul.f32 v36, v16  }
0x12b: {  	v40 =	vmul.f32 v40, v16  }
0x12c: {  	v61 =	vld [tilespmem:s28+$0x700];
	[tilespmem:s28+$0xE770] =	vst v35;
	v36 =	vadd.f32 v36, v37  }
0x12d: {  	v34 =	vadd.f32 v40, v34;
	v40 =	vld.idx.msk [tilespmem:v57+s14+$0x0], $0xffff  }
0x12e: {  	v57 =	vld [tilespmem:s28+$0x420];
	[tilespmem:s28+$0xE410] =	vst v36  }
0x12f: {  	v58 =	vld.idx.msk [tilespmem:v38+s14+$0x0], $0xffff  }
0x130: {  	v62 =	vld [tilespmem:s28+$0x780];
	_ =	sdelay $0x1  }
0x131: {  	s31 =	sor.u32 $0x380, s28;
	v60 =	vadd.s32 s2, v5  }
0x132: {  	[tilespmem:s28+$0xE6F0] =	vst v34;
	v34 =	vmul.f32 v61, v11;
	v61 =	vadd.s32 s31, v63;
	v38 =	vand.u32 $0xFFFFFF78, v60  }
0x133: {  	v36 =	vmul.f32 v57, v11;
	v38 =	vor.u32 v23, v38;
	v37 =	vmul.f32 v58, v16  }
0x134: {  	v45 =	vld.idx.msk [tilespmem:v45+s14+$0x0], $0xffff;
	v35 =	vmul.f32 v62, v11;
	v62 =	vand.u32 $0xFFFFFFF8, v61  }
0x135: {  	v42 =	vmul.f32 v42, v16;
	v36 =	vadd.f32 v37, v36;
	v37 =	vor.u32 v21, v62;
	_ =	sdelay $0x1  }
0x136: {  	v48 =	vadd.s32 s29, v13;
	v42 =	vadd.f32 v42, v0;
	v0 =	vld [tilespmem:s28+$0x430];
	[tilespmem:s28+$0xE420] =	vst v36  }
0x137: {  	v39 =	vand.u32 $0xFFFFFEF8, v48;
	v38 =	vld.idx.msk [tilespmem:v38+s14+$0x0], $0xffff  }
0x138: {  	v39 =	vor.u32 v30, v39;
	v1 =	vld [tilespmem:s28+$0x490];
	v2 =	vmul.f32 v45, v16  }
0x139: {  	v40 =	vmul.f32 v40, v16;
	v37 =	vld.idx.msk [tilespmem:v37+s14+$0x0], $0xffff  }
0x13a: {  	v34 =	vadd.f32 v2, v34;
	v2 =	vadd.s32 s2, v6  }
0x13b: {  	v44 =	vadd.s32 s31, v4;
	v35 =	vadd.f32 v40, v35;
	v40 =	vand.u32 $0xFFFFFF78, v2  }
0x13c: {  	v40 =	vor.u32 v24, v40;
	[tilespmem:s28+$0xE790] =	vst v52;
	v36 =	vmul.f32 v0, v11;
	v38 =	vmul.f32 v38, v16  }
0x13d: {  	v45 =	vand.u32 $0xFFFFFFF8, v44;
	[tilespmem:s28+$0xE780] =	vst v35;
	v35 =	vld.idx.msk [tilespmem:v39+s14+$0x0], $0xffff;
	v39 =	vmul.f32 v1, v11  }
0x13e: {  	v36 =	vadd.f32 v38, v36;
	v37 =	vmul.f32 v37, v16;
	v38 =	vor.u32 v22, v45;
	_ =	sdelay $0x1  }
0x13f: {  	v46 =	vld [tilespmem:s28+$0x440];
	[tilespmem:s28+$0xE430] =	vst v36;
	v37 =	vadd.f32 v37, v39  }
0x140: {  	v40 =	vld.idx.msk [tilespmem:v40+s14+$0x0], $0xffff  }
0x141: {  	v47 =	vld [tilespmem:s28+$0x4A0];
	[tilespmem:s28+$0xE490] =	vst v37  }
0x142: {  	v38 =	vld.idx.msk [tilespmem:v38+s14+$0x0], $0xffff  }
0x143: {  	v48 =	vadd.s32 s2, v7  }
0x144: {  	v49 =	vadd.s32 s31, v5;
	v39 =	vand.u32 $0xFFFFFF78, v48  }
0x145: {  	v36 =	vmul.f32 v46, v11;
	v39 =	vor.u32 v25, v39;
	v40 =	vmul.f32 v40, v16  }
0x146: {  	v50 =	vand.u32 $0xFFFFFFF8, v49  }
0x147: {  	v37 =	vmul.f32 v47, v11;
	v36 =	vadd.f32 v40, v36;
	v38 =	vmul.f32 v38, v16  }
0x148: {  	[tilespmem:s28+$0xE580] =	vst v42;
	v40 =	vor.u32 v23, v50  }
0x149: {  	v51 =	vld [tilespmem:s28+$0x450];
	[tilespmem:s28+$0xE440] =	vst v36;
	v37 =	vadd.f32 v38, v37  }
0x14a: {  	[tilespmem:s28+$0xE700] =	vst v34;
	v39 =	vld.idx.msk [tilespmem:v39+s14+$0x0], $0xffff  }
0x14b: {  	v34 =	vld [tilespmem:s28+$0x7A0];
	[tilespmem:s28+$0xE4A0] =	vst v37  }
0x14c: {  	v37 =	vld [tilespmem:s28+$0x4B0]  }
0x14d: {  	v40 =	vld.idx.msk [tilespmem:v40+s14+$0x0], $0xffff  }
0x14e: {  	v52 =	vadd.s32 s2, v8  }
0x14f: {  	v38 =	vand.u32 $0xFFFFFF78, v52;
	v36 =	vmul.f32 v51, v11;
	v39 =	vmul.f32 v39, v16  }
0x150: {  	v53 =	vadd.s32 s31, v6;
	v38 =	vor.u32 v26, v38  }
0x151: {  	v54 =	vand.u32 $0xFFFFFFF8, v53;
	v36 =	vadd.f32 v39, v36  }
0x152: {  	s3 =	sor.u32 $0x800, s28;
	v37 =	vmul.f32 v37, v11;
	v40 =	vmul.f32 v40, v16;
	v39 =	vor.u32 v24, v54  }
0x153: {  	v57 =	vadd.s32 s3, v63  }
0x154: {  	v55 =	vld [tilespmem:s28+$0x460];
	[tilespmem:s28+$0xE450] =	vst v36;
	v37 =	vadd.f32 v40, v37;
	v40 =	vand.u32 $0xFFFFFC78, v57  }
0x155: {  	v38 =	vld.idx.msk [tilespmem:v38+s14+$0x0], $0xffff;
	v40 =	vor.u32 v21, v40  }
0x156: {  	v58 =	vadd.s32 s29, v14;
	v60 =	vld [tilespmem:s28+$0x4C0];
	[tilespmem:s28+$0xE4B0] =	vst v37  }
0x157: {  	v34 =	vmul.f32 v34, v11;
	v35 =	vmul.f32 v35, v16;
	v41 =	vand.u32 $0xFFFFFEF8, v58;
	v39 =	vld.idx.msk [tilespmem:v39+s14+$0x0], $0xffff  }
0x158: {  	v61 =	vadd.s32 s2, v9;
	v41 =	vor.u32 v31, v41  }
0x159: {  	v1 =	vadd.s32 s31, v7;
	v34 =	vadd.f32 v35, v34;
	v62 =	vand.u32 $0xFFFFFF78, v61;
	v2 =	vld [tilespmem:s28+$0x910]  }
0x15a: {  	s13 =	sor.u32 $0x880, s28;
	v35 =	vor.u32 v27, v62;
	v36 =	vmul.f32 v55, v11;
	v38 =	vmul.f32 v38, v16;
	v49 =	vld.idx.msk [tilespmem:v40+s14+$0x0], $0xffff  }
0x15b: {  	v48 =	vand.u32 $0xFFFFFFF8, v1;
	v52 =	vadd.s32 s13, v63;
	v0 =	vld [tilespmem:s28+$0x7B0];
	v37 =	vmul.f32 v60, v11  }
0x15c: {  	[tilespmem:s28+$0xE7A0] =	vst v34;
	v51 =	vld [tilespmem:s28+$0x470];
	v47 =	vadd.f32 v38, v36;
	v39 =	vmul.f32 v39, v16;
	v36 =	vor.u32 v25, v48  }
0x15d: {  	v53 =	vadd.s32 s3, v4;
	v58 =	vadd.s32 s2, v10;
	v50 =	vld.idx.msk [tilespmem:v41+s14+$0x0], $0xffff;
	v41 =	vand.u32 $0xFFFFFCF8, v52  }
0x15e: {  	v41 =	vor.u32 v21, v41;
	v60 =	vld [tilespmem:s28+$0x920];
	[tilespmem:s28+$0xE460] =	vst v47;
	v37 =	vadd.f32 v39, v37;
	v39 =	vand.u32 $0xFFFFFC78, v53  }
0x15f: {  	v55 =	vmul.f32 v2, v11;
	v35 =	vld.idx.msk [tilespmem:v35+s14+$0x0], $0xffff;
	v38 =	vmul.f32 v49, v16;
	v39 =	vor.u32 v22, v39  }
0x160: {  	v62 =	vadd.s32 s31, v8;
	v45 =	vand.u32 $0xFFFFFF78, v58;
	v54 =	vld [tilespmem:s28+$0x4D0];
	v57 =	vadd.s32 s29, v15;
	[tilespmem:s28+$0xE4C0] =	vst v37  }
0x161: {  	v45 =	vor.u32 v28, v45;
	v44 =	vand.u32 $0xFFFFFEF8, v57;
	v36 =	vld.idx.msk [tilespmem:v36+s14+$0x0], $0xffff;
	v38 =	vadd.f32 v38, v55  }
0x162: {  	v61 =	vld [tilespmem:s28+$0x990];
	v42 =	vmul.f32 v0, v11;
	v44 =	vor.u32 v32, v44;
	v40 =	vmul.f32 v50, v16  }
0x163: {  	v1 =	vand.u32 $0xFFFFFFF8, v62;
	v34 =	vmul.f32 v51, v11;
	v0 =	vld.idx.msk [tilespmem:v41+s14+$0x0], $0xffff;
	v50 =	vadd.s32 s13, v4;
	[tilespmem:s28+$0xE910] =	vst v38  }
0x164: {  	v43 =	vmul.f32 v60, v11;
	v40 =	vadd.f32 v40, v42;
	v35 =	vmul.f32 v35, v16;
	v39 =	vld.idx.msk [tilespmem:v39+s14+$0x0], $0xffff  }
0x165: {  	v2 =	vld [tilespmem:s28+$0x7C0];
	v53 =	vand.u32 $0xFFFFFCF8, v50;
	v49 =	vadd.s32 s3, v5;
	v37 =	vmul.f32 v54, v11  }
0x166: {  	v60 =	vld [tilespmem:s28+$0x930];
	[tilespmem:s28+$0xE7B0] =	vst v40;
	v34 =	vadd.f32 v35, v34;
	v36 =	vmul.f32 v36, v16;
	v35 =	vor.u32 v26, v1  }
0x167: {  	v44 =	vld.idx.msk [tilespmem:v44+s14+$0x0], $0xffff;
	v42 =	vor.u32 v22, v53;
	v52 =	vand.u32 $0xFFFFFC78, v49  }
0x168: {  	v48 =	vld [tilespmem:s28+$0x480];
	v54 =	vmul.f32 v61, v11;
	v38 =	vmul.f32 v0, v16;
	[tilespmem:s28+$0xE470] =	vst v34;
	v36 =	vadd.f32 v36, v37  }
0x169: {  	v37 =	vor.u32 v23, v52;
	v51 =	vld.idx.msk [tilespmem:v45+s14+$0x0], $0xffff;
	v39 =	vmul.f32 v39, v16  }
0x16a: {  	v55 =	vld [tilespmem:s28+$0x4E0];
	v38 =	vadd.f32 v38, v54;
	[tilespmem:s28+$0xE4D0] =	vst v36  }
0x16b: {  	v57 =	vadd.s32 s2, v12;
	v35 =	vld.idx.msk [tilespmem:v35+s14+$0x0], $0xffff;
	v39 =	vadd.f32 v39, v43  }
0x16c: {  	v62 =	vadd.s32 s31, v9;
	v58 =	vand.u32 $0xFFFFFF78, v57;
	v61 =	vld [tilespmem:s28+$0x9A0];
	[tilespmem:s28+$0xE990] =	vst v38  }
0x16d: {  	v41 =	vmul.f32 v2, v11;
	v50 =	vadd.s32 s13, v5;
	v49 =	vadd.s32 s3, v6;
	v0 =	vld.idx.msk [tilespmem:v42+s14+$0x0], $0xffff;
	[tilespmem:s28+$0xE920] =	vst v39  }
0x16e: {  	v34 =	vmul.f32 v48, v11;
	v45 =	vor.u32 v29, v58;
	v40 =	vmul.f32 v51, v16;
	v37 =	vld.idx.msk [tilespmem:v37+s14+$0x0], $0xffff  }
0x16f: {  	v1 =	vand.u32 $0xFFFFFFF8, v62;
	v52 =	vand.u32 $0xFFFFFCF8, v50;
	v36 =	vmul.f32 v55, v11  }
0x170: {  	v34 =	vadd.f32 v40, v34;
	v35 =	vmul.f32 v35, v16;
	v40 =	vor.u32 v27, v1  }
0x171: {  	v53 =	vld [tilespmem:s28+$0x4F0];
	v2 =	vmul.f32 v44, v16;
	v38 =	vmul.f32 v61, v11;
	v44 =	vor.u32 v23, v52  }
0x172: {  	v48 =	vld [tilespmem:s28+$0x810];
	v39 =	vmul.f32 v0, v16;
	v51 =	vand.u32 $0xFFFFFC78, v49;
	[tilespmem:s28+$0xE480] =	vst v34;
	v35 =	vadd.f32 v35, v36  }
0x173: {  	v43 =	vmul.f32 v60, v11;
	v36 =	vor.u32 v24, v51;
	v45 =	vld.idx.msk [tilespmem:v45+s14+$0x0], $0xffff;
	v37 =	vmul.f32 v37, v16  }
0x174: {  	v54 =	vadd.s32 s29, v17;
	v61 =	vld [tilespmem:s28+$0x9B0];
	v38 =	vadd.f32 v39, v38;
	[tilespmem:s28+$0xE4E0] =	vst v35  }
0x175: {  	v57 =	vand.u32 $0xFFFFFEF8, v54;
	v55 =	vadd.s32 s2, v13;
	v40 =	vld.idx.msk [tilespmem:v40+s14+$0x0], $0xffff;
	v37 =	vadd.f32 v37, v43  }
0x176: {  	v62 =	vadd.s32 s31, v10;
	v58 =	vand.u32 $0xFFFFFF78, v55;
	v60 =	vld [tilespmem:s28+$0x940];
	v39 =	vor.u32 v33, v57;
	[tilespmem:s28+$0xE9A0] =	vst v38  }
0x177: {  	v41 =	vadd.f32 v2, v41;
	v46 =	vor.u32 v30, v58;
	v49 =	vadd.s32 s3, v7;
	v0 =	vld.idx.msk [tilespmem:v44+s14+$0x0], $0xffff;
	[tilespmem:s28+$0xE930] =	vst v37  }
0x178: {  	v1 =	vand.u32 $0xFFFFFFF8, v62;
	v34 =	vmul.f32 v48, v11;
	v45 =	vmul.f32 v45, v16;
	v36 =	vld.idx.msk [tilespmem:v36+s14+$0x0], $0xffff  }
0x179: {  	v2 =	vld [tilespmem:s28+$0x7D0];
	v50 =	vadd.s32 s13, v6;
	v52 =	vand.u32 $0xFFFFFC78, v49;
	v42 =	vor.u32 v28, v1  }
0x17a: {  	[tilespmem:s28+$0xE7C0] =	vst v41;
	v48 =	vld [tilespmem:s28+$0x820];
	v35 =	vmul.f32 v53, v11;
	v34 =	vadd.f32 v45, v34;
	v40 =	vmul.f32 v40, v16  }
0x17b: {  	v38 =	vmul.f32 v61, v11;
	v53 =	vand.u32 $0xFFFFFCF8, v50;
	v39 =	vld.idx.msk [tilespmem:v39+s14+$0x0], $0xffff;
	v43 =	vmul.f32 v60, v11  }
0x17c: {  	v60 =	vld [tilespmem:s28+$0x9C0];
	v37 =	vmul.f32 v0, v16;
	v45 =	vor.u32 v24, v53;
	[tilespmem:s28+$0xE810] =	vst v34;
	v35 =	vadd.f32 v40, v35  }
0x17d: {  	v55 =	vadd.s32 s2, v14;
	v40 =	vor.u32 v25, v52;
	v51 =	vld.idx.msk [tilespmem:v46+s14+$0x0], $0xffff;
	v36 =	vmul.f32 v36, v16  }
0x17e: {  	v54 =	vld [tilespmem:s28+$0x500];
	v57 =	vand.u32 $0xFFFFFF78, v55;
	v61 =	vadd.s32 s31, v12;
	v37 =	vadd.f32 v37, v38;
	[tilespmem:s28+$0xE4F0] =	vst v35  }
0x17f: {  	v44 =	vmul.f32 v2, v11;
	v1 =	vand.u32 $0xFFFFFFF8, v61;
	v42 =	vld.idx.msk [tilespmem:v42+s14+$0x0], $0xffff;
	v36 =	vadd.f32 v36, v43  }
0x180: {  	v58 =	vld [tilespmem:s28+$0x950];
	v50 =	vadd.s32 s3, v8;
	v0 =	vadd.s32 s29, v18;
	v38 =	vor.u32 v31, v57;
	[tilespmem:s28+$0xE9B0] =	vst v37  }
0x181: {  	v39 =	vmul.f32 v39, v16;
	v57 =	vadd.s32 s2, v15;
	v37 =	vmul.f32 v60, v11;
	v62 =	vld.idx.msk [tilespmem:v45+s14+$0x0], $0xffff;
	[tilespmem:s28+$0xE940] =	vst v36  }
0x182: {  	v34 =	vmul.f32 v48, v11;
	v52 =	vand.u32 $0xFFFFFC78, v50;
	v41 =	vmul.f32 v51, v16;
	v40 =	vld.idx.msk [tilespmem:v40+s14+$0x0], $0xffff  }
0x183: {  	v55 =	vld [tilespmem:s28+$0x890];
	v35 =	vmul.f32 v54, v11;
	v45 =	vand.u32 $0xFFFFFEF8, v0;
	v51 =	vadd.s32 s13, v7  }
0x184: {  	v2 =	vld [tilespmem:s28+$0x830];
	v34 =	vadd.f32 v41, v34;
	v42 =	vmul.f32 v42, v16;
	v41 =	vor.u32 v29, v1  }
0x185: {  	v61 =	vld [tilespmem:s28+$0x960];
	v43 =	vmul.f32 v58, v11;
	v45 =	vor.u32 v59, v45;
	v53 =	vand.u32 $0xFFFFFCF8, v51  }
0x186: {  	v54 =	vld [tilespmem:s28+$0x7E0];
	v36 =	vmul.f32 v62, v16;
	v46 =	vor.u32 v25, v53;
	[tilespmem:s28+$0xE820] =	vst v34;
	v35 =	vadd.f32 v42, v35  }
0x187: {  	v58 =	vadd.f32 v39, v44;
	v42 =	vor.u32 v26, v52;
	v38 =	vld.idx.msk [tilespmem:v38+s14+$0x0], $0xffff;
	v40 =	vmul.f32 v40, v16  }
0x188: {  	v60 =	vand.u32 $0xFFFFFF78, v57;
	v62 =	vld [tilespmem:s28+$0x9D0];
	v36 =	vadd.f32 v36, v37;
	[tilespmem:s28+$0xE500] =	vst v35  }
0x189: {  	v50 =	vadd.s32 s29, v19;
	v0 =	vadd.s32 s31, v13;
	[tilespmem:s28+$0xE7D0] =	vst v58;
	v41 =	vld.idx.msk [tilespmem:v41+s14+$0x0], $0xffff;
	v40 =	vadd.f32 v40, v43  }
0x18a: {  	v39 =	vor.u32 v32, v60;
	v60 =	vadd.s32 s2, v17;
	v48 =	vand.u32 $0xFFFFFFF8, v0;
	v49 =	vld.idx.msk [tilespmem:v45+s14+$0x0], $0xffff;
	[tilespmem:s28+$0xE9C0] =	vst v36  }
0x18b: {  	v53 =	vadd.s32 s13, v8;
	v45 =	vand.u32 $0xFFFFFEF8, v50;
	v34 =	vmul.f32 v2, v11;
	v1 =	vld.idx.msk [tilespmem:v46+s14+$0x0], $0xffff;
	[tilespmem:s28+$0xE950] =	vst v40  }
0x18c: {  	v2 =	vmul.f32 v54, v11;
	v52 =	vadd.s32 s3, v9;
	v38 =	vmul.f32 v38, v16;
	v42 =	vld.idx.msk [tilespmem:v42+s14+$0x0], $0xffff  }
0x18d: {  	v57 =	vld [tilespmem:s28+$0x8A0];
	v58 =	vor.u32 v56, v45;
	v45 =	vand.u32 $0xFFFFFF78, v60;
	v35 =	vmul.f32 v55, v11  }
0x18e: {  	v51 =	vld [tilespmem:s28+$0x840];
	v34 =	vadd.f32 v38, v34;
	v41 =	vmul.f32 v41, v16;
	v38 =	vor.u32 v30, v48  }
0x18f: {  	v60 =	vld [tilespmem:s28+$0x9F0];
	v54 =	vand.u32 $0xFFFFFC78, v52;
	v55 =	vand.u32 $0xFFFFFCF8, v53;
	v36 =	vmul.f32 v62, v11  }
0x190: {  	v52 =	vld [tilespmem:s28+$0x850];
	v46 =	vor.u32 v26, v55;
	v40 =	vmul.f32 v1, v16;
	[tilespmem:s28+$0xE830] =	vst v34;
	v35 =	vadd.f32 v41, v35  }
0x191: {  	v43 =	vmul.f32 v61, v11;
	v41 =	vor.u32 v27, v54;
	v39 =	vld.idx.msk [tilespmem:v39+s14+$0x0], $0xffff;
	v42 =	vmul.f32 v42, v16  }
0x192: {  	v61 =	vld [tilespmem:s28+$0x970];
	v36 =	vadd.f32 v40, v36;
	[tilespmem:s28+$0xE890] =	vst v35  }
0x193: {  	v44 =	vmul.f32 v49, v16;
	v38 =	vld.idx.msk [tilespmem:v38+s14+$0x0], $0xffff;
	v42 =	vadd.f32 v42, v43  }
0x194: {  	v50 =	vadd.s32 s3, v10;
	v62 =	vld [tilespmem:s28+$0x9E0];
	[tilespmem:s28+$0xE9D0] =	vst v36  }
0x195: {  	v0 =	vor.u32 v33, v45;
	v53 =	vand.u32 $0xFFFFFC78, v50;
	v37 =	vadd.f32 v44, v2;
	v2 =	vld.idx.msk [tilespmem:v46+s14+$0x0], $0xffff;
	[tilespmem:s28+$0xE960] =	vst v42  }
0x196: {  	v1 =	vadd.s32 s31, v14;
	v34 =	vmul.f32 v51, v11;
	v39 =	vmul.f32 v39, v16;
	v41 =	vld.idx.msk [tilespmem:v41+s14+$0x0], $0xffff  }
0x197: {  	v49 =	vld [tilespmem:s28+$0x7F0];
	v48 =	vand.u32 $0xFFFFFFF8, v1;
	v51 =	vadd.s32 s13, v9;
	v35 =	vmul.f32 v57, v11  }
0x198: {  	v50 =	vld [tilespmem:s28+$0x8D0];
	[tilespmem:s28+$0xE7E0] =	vst v37;
	v34 =	vadd.f32 v39, v34;
	v38 =	vmul.f32 v38, v16;
	v39 =	vor.u32 v31, v48  }
0x199: {  	v40 =	vld.idx.msk [tilespmem:v58+s14+$0x0], $0xffff;
	v54 =	vand.u32 $0xFFFFFCF8, v51;
	v36 =	vmul.f32 v62, v11  }
0x19a: {  	v55 =	vld [tilespmem:s28+$0x8B0];
	v45 =	vor.u32 v27, v54;
	v42 =	vmul.f32 v2, v16;
	v35 =	vadd.f32 v38, v35  }
0x19b: {  	s30 =	sor.u32 $0x900, s28;
	v58 =	vld [tilespmem:s28+$0x980];
	v43 =	vmul.f32 v61, v11;
	[tilespmem:s28+$0xE840] =	vst v34;
	v38 =	vor.u32 v28, v53;
	v41 =	vmul.f32 v41, v16  }
0x19c: {  	v37 =	vmul.f32 v49, v11;
	v57 =	vadd.s32 s30, v63;
	v36 =	vadd.f32 v42, v36;
	v44 =	vld.idx.msk [tilespmem:v0+s14+$0x0], $0xffff;
	[tilespmem:s28+$0xE8A0] =	vst v35  }
0x19d: {  	v61 =	vadd.s32 s31, v15;
	v42 =	vand.u32 $0xFFFFFD78, v57;
	v39 =	vld.idx.msk [tilespmem:v39+s14+$0x0], $0xffff;
	v41 =	vadd.f32 v41, v43  }
0x19e: {  	v54 =	vld [tilespmem:s28+$0xA10];
	v51 =	vand.u32 $0xFFFFFFF8, v61;
	v40 =	vmul.f32 v40, v16;
	v42 =	vor.u32 v21, v42;
	[tilespmem:s28+$0xE9E0] =	vst v36  }
0x19f: {  	v46 =	vor.u32 v32, v51;
	v53 =	vadd.s32 s13, v10;
	v35 =	vmul.f32 v55, v11;
	v62 =	vld.idx.msk [tilespmem:v45+s14+$0x0], $0xffff;
	[tilespmem:s28+$0xE970] =	vst v41  }
0x1a0: {  	v47 =	vand.u32 $0xFFFFFCF8, v53;
	v36 =	vmul.f32 v60, v11;
	v45 =	vmul.f32 v52, v11;
	v38 =	vld.idx.msk [tilespmem:v38+s14+$0x0], $0xffff  }
0x1a1: {  	v61 =	vld [tilespmem:s28+$0xD10];
	v43 =	vmul.f32 v58, v11;
	v58 =	vadd.s32 s2, v18;
	v44 =	vmul.f32 v44, v16  }
0x1a2: {  	v57 =	vld [tilespmem:s28+$0x8C0];
	v47 =	vor.u32 v28, v47;
	v49 =	vand.u32 $0xFFFFFF78, v58;
	v39 =	vmul.f32 v39, v16  }
0x1a3: {  	v52 =	vadd.s32 s3, v12;
	v49 =	vor.u32 v59, v49;
	v42 =	vld.idx.msk [tilespmem:v42+s14+$0x0], $0xffff;
	v44 =	vadd.f32 v44, v45  }
0x1a4: {  	v0 =	vld [tilespmem:s28+$0x800];
	v55 =	vand.u32 $0xFFFFFC78, v52;
	v41 =	vmul.f32 v62, v16;
	v35 =	vadd.f32 v39, v35  }
0x1a5: {  	v1 =	vadd.s32 s31, v17;
	v62 =	vld [tilespmem:s28+$0xA00];
	v39 =	vor.u32 v29, v55;
	[tilespmem:s28+$0xE850] =	vst v44;
	v38 =	vmul.f32 v38, v16  }
0x1a6: {  	v37 =	vadd.f32 v40, v37;
	v60 =	vadd.s32 s30, v4;
	v36 =	vadd.f32 v41, v36;
	v44 =	vld [tilespmem:$0x1FFF0];
	[tilespmem:s28+$0xE8B0] =	vst v35  }
0x1a7: {  	v48 =	vmul.f32 v54, v11;
	v41 =	vand.u32 $0xFFFFFD78, v60;
	v46 =	vld.idx.msk [tilespmem:v46+s14+$0x0], $0xffff;
	v38 =	vadd.f32 v38, v43  }
0x1a8: {  	v51 =	vadd.s32 s30, v5;
	v42 =	vmul.f32 v42, v16;
	v41 =	vor.u32 v22, v41;
	v49 =	vld.idx.msk [tilespmem:v49+s14+$0x0], $0xffff;
	[tilespmem:s28+$0xE9F0] =	vst v36  }
0x1a9: {  	v54 =	vadd.s32 s3, v13;
	v61 =	vmul.f32 v61, v11;
	v53 =	vand.u32 $0xFFFFFFF8, v1;
	v2 =	vld.idx.msk [tilespmem:v47+s14+$0x0], $0xffff;
	[tilespmem:s28+$0xE980] =	vst v38  }
0x1aa: {  	v1 =	vadd.s32 s13, v13;
	v58 =	vand.u32 $0xFFFFFC78, v54;
	v42 =	vadd.f32 v42, v48;
	v39 =	vld.idx.msk [tilespmem:v39+s14+$0x0], $0xffff  }
0x1ab: {  	[tilespmem:$0x1FFC0] =	vst v0;
	v0 =	vadd.s32 s29, v20;
	v55 =	vadd.s32 s13, v12;
	v35 =	vmul.f32 v57, v11;
	v57 =	vld [tilespmem:s28+$0xA20]  }
0x1ac: {  	v45 =	vor.u32 v33, v53;
	v60 =	vand.u32 $0xFFFFFCF8, v55;
	v47 =	vld [tilespmem:s28+$0x860];
	[tilespmem:s28+$0xEA10] =	vst v42;
	v46 =	vmul.f32 v46, v16  }
0x1ad: {  	v48 =	vand.u32 $0xFFFFFEF8, v0;
	v36 =	vmul.f32 v62, v11;
	v62 =	vor.u32 v30, v58;
	v41 =	vld.idx.msk [tilespmem:v41+s14+$0x0], $0xffff  }
0x1ae: {  	v34 =	vld [tilespmem:s28+$0xA90];
	s29 =	sor.u32 $0x980, s28;
	v38 =	vmul.f32 v2, v16;
	v35 =	vadd.f32 v46, v35;
	v46 =	vor.u32 v29, v60  }
0x1af: {  	v52 =	vld [tilespmem:s28+$0xD20];
	v58 =	vadd.s32 s29, v63;
	v48 =	vor.u32 v44, v48;
	v39 =	vmul.f32 v39, v16  }
0x1b0: {  	v53 =	vld [tilespmem:s28+$0xD90];
	v54 =	vmul.f32 v57, v11;
	v57 =	vmul.f32 v49, v16;
	v36 =	vadd.f32 v38, v36  }
0x1b1: {  	v55 =	vmul.f32 v47, v11;
	v2 =	vld [tilespmem:s28+$0xA30];
	v38 =	vand.u32 $0xFFFFFD78, v51;
	[tilespmem:s28+$0xE8C0] =	vst v35;
	v35 =	vadd.f32 v39, v61  }
0x1b2: {  	v0 =	vadd.s32 s3, v14;
	v41 =	vmul.f32 v41, v16;
	v38 =	vor.u32 v23, v38;
	[tilespmem:s28+$0xEA00] =	vst v36;
	v45 =	vld.idx.msk [tilespmem:v45+s14+$0x0], $0xffff  }
0x1b3: {  	v44 =	vand.u32 $0xFFFFFC78, v0;
	v47 =	vand.u32 $0xFFFFFCF8, v1;
	v61 =	vand.u32 $0xFFFFFDF8, v58;
	[tilespmem:s28+$0xED10] =	vst v35;
	v46 =	vld.idx.msk [tilespmem:v46+s14+$0x0], $0xffff  }
0x1b4: {  	v42 =	vadd.f32 v57, v55;
	v40 =	vadd.f32 v41, v54;
	v41 =	vor.u32 v21, v61;
	v60 =	vld.idx.msk [tilespmem:v62+s14+$0x0], $0xffff  }
0x1b5: {  	v1 =	vld [tilespmem:s28+$0xA40];
	v57 =	vadd.s32 s29, v4;
	v36 =	vmul.f32 v53, v11;
	v53 =	vadd.s32 s31, v18  }
0x1b6: {  	v58 =	vand.u32 $0xFFFFFDF8, v57;
	v57 =	vld [tilespmem:s28+$0xAA0];
	[tilespmem:s28+$0xEA20] =	vst v40;
	v62 =	vmul.f32 v50, v11;
	v50 =	vand.u32 $0xFFFFFFF8, v53  }
0x1b7: {  	[tilespmem:s28+$0xE7F0] =	vst v37;
	v0 =	vadd.s32 s3, v15;
	v38 =	vld.idx.msk [tilespmem:v38+s14+$0x0], $0xffff;
	v50 =	vor.u32 v59, v50;
	v45 =	vmul.f32 v45, v16  }
0x1b8: {  	v44 =	vor.u32 v31, v44;
	v47 =	vor.u32 v30, v47;
	v39 =	vmul.f32 v52, v11;
	v35 =	vld.idx.msk [tilespmem:v48+s14+$0x0], $0xffff  }
0x1b9: {  	v41 =	vld.idx.msk [tilespmem:v41+s14+$0x0], $0xffff;
	v46 =	vmul.f32 v46, v16;
	v43 =	vadd.f32 v45, v62;
	v37 =	vmul.f32 v60, v16  }
0x1ba: {  	v55 =	vadd.s32 s2, v19;
	v54 =	vadd.s32 s30, v6;
	v52 =	vadd.s32 s13, v14;
	v60 =	vld [tilespmem:s28+$0x8E0]  }
0x1bb: {  	v36 =	vadd.f32 v46, v36;
	v46 =	vand.u32 $0xFFFFFD78, v54;
	[tilespmem:s28+$0xE8D0] =	vst v43;
	v37 =	vadd.f32 v37, v39;
	v39 =	vld [tilespmem:s28+$0xD30]  }
0x1bc: {  	v40 =	vmul.f32 v2, v11;
	v38 =	vmul.f32 v38, v16;
	v46 =	vor.u32 v24, v46;
	v54 =	vld.idx.msk [tilespmem:v50+s14+$0x0], $0xffff  }
0x1bd: {  	v61 =	vmul.f32 v34, v11;
	v34 =	vand.u32 $0xFFFFFCF8, v52;
	v62 =	vand.u32 $0xFFFFFF78, v55;
	[tilespmem:s28+$0xED90] =	vst v36;
	v36 =	vld [tilespmem:s28+$0xDA0]  }
0x1be: {  	v2 =	vand.u32 $0xFFFFFC78, v0;
	v49 =	vor.u32 v56, v62;
	v38 =	vadd.f32 v38, v40;
	[tilespmem:s28+$0xED20] =	vst v37;
	v37 =	vld.idx.msk [tilespmem:v47+s14+$0x0], $0xffff  }
0x1bf: {  	v62 =	vadd.s32 s31, v19;
	v40 =	vor.u32 v22, v58;
	v41 =	vmul.f32 v41, v16;
	v44 =	vld.idx.msk [tilespmem:v44+s14+$0x0], $0xffff  }
0x1c0: {  	v48 =	vld [tilespmem:s28+$0x870];
	v55 =	vor.u32 v31, v34;
	v43 =	vor.u32 v32, v2;
	v2 =	vand.u32 $0xFFFFFFF8, v62;
	[tilespmem:s28+$0xEA30] =	vst v38  }
0x1c1: {  	v58 =	vadd.s32 s30, v7;
	v38 =	vmul.f32 v1, v11;
	v41 =	vadd.f32 v41, v61;
	v46 =	vld.idx.msk [tilespmem:v46+s14+$0x0], $0xffff  }
0x1c2: {  	[tilespmem:s28+$0xE860] =	vst v42;
	v53 =	vld [tilespmem:s28+$0xA50];
	v42 =	vor.u32 v56, v2;
	v45 =	vmul.f32 v60, v11;
	v39 =	vmul.f32 v39, v11  }
0x1c3: {  	v1 =	vadd.s32 s29, v5;
	v60 =	vld [tilespmem:s28+$0xD40];
	[tilespmem:s28+$0xEA90] =	vst v41;
	v36 =	vmul.f32 v36, v11;
	v37 =	vmul.f32 v37, v16  }
0x1c4: {  	v47 =	vmul.f32 v54, v16;
	v54 =	vadd.s32 s3, v17;
	v40 =	vld.idx.msk [tilespmem:v40+s14+$0x0], $0xffff;
	v44 =	vmul.f32 v44, v16  }
0x1c5: {  	v61 =	vld [tilespmem:s28+$0xDB0];
	v50 =	vand.u32 $0xFFFFFC78, v54;
	v36 =	vadd.f32 v37, v36;
	v37 =	vand.u32 $0xFFFFFD78, v58  }
0x1c6: {  	v49 =	vld.idx.msk [tilespmem:v49+s14+$0x0], $0xffff;
	v39 =	vadd.f32 v44, v39;
	v46 =	vmul.f32 v46, v16;
	v37 =	vor.u32 v25, v37  }
0x1c7: {  	v41 =	vmul.f32 v57, v11;
	v45 =	vadd.f32 v47, v45;
	v57 =	vor.u32 v33, v50;
	v50 =	vld [tilespmem:s28+$0xD60];
	[tilespmem:s28+$0xEDA0] =	vst v36  }
0x1c8: {  	v34 =	vand.u32 $0xFFFFFDF8, v1;
	[tilespmem:s28+$0xED30] =	vst v39;
	v0 =	vld.idx.msk [tilespmem:v55+s14+$0x0], $0xffff;
	v38 =	vadd.f32 v46, v38  }
0x1c9: {  	[tilespmem:s28+$0xE8E0] =	vst v45;
	v40 =	vmul.f32 v40, v16;
	v46 =	vor.u32 v23, v34;
	v43 =	vld.idx.msk [tilespmem:v43+s14+$0x0], $0xffff  }
0x1ca: {  	v42 =	vld.idx.msk [tilespmem:v42+s14+$0x0], $0xffff;
	[tilespmem:s28+$0xEA40] =	vst v38  }
0x1cb: {  	v52 =	vadd.s32 s13, v15;
	v40 =	vadd.f32 v40, v41;
	v37 =	vld.idx.msk [tilespmem:v37+s14+$0x0], $0xffff  }
0x1cc: {  	v47 =	vand.u32 $0xFFFFFCF8, v52;
	v44 =	vmul.f32 v60, v11;
	v60 =	vld [tilespmem:s28+$0xDC0]  }
0x1cd: {  	v47 =	vor.u32 v32, v47;
	v36 =	vmul.f32 v61, v11;
	v55 =	vld [tilespmem:s28+$0xAB0];
	[tilespmem:s28+$0xEAA0] =	vst v40;
	v39 =	vmul.f32 v0, v16  }
0x1ce: {  	v58 =	vadd.s32 s30, v8;
	v46 =	vld.idx.msk [tilespmem:v46+s14+$0x0], $0xffff;
	v43 =	vmul.f32 v43, v16  }
0x1cf: {  	v61 =	vmul.f32 v53, v11;
	v53 =	vld [tilespmem:$0x1FFF0];
	v36 =	vadd.f32 v39, v36;
	v39 =	vand.u32 $0xFFFFFD78, v58  }
0x1d0: {  	v34 =	vld [tilespmem:s28+$0xD50];
	v43 =	vadd.f32 v43, v44;
	v37 =	vmul.f32 v37, v16;
	v62 =	vor.u32 v26, v39  }
0x1d1: {  	v48 =	vmul.f32 v48, v11;
	v2 =	vadd.s32 s29, v6;
	v1 =	vadd.s32 s2, v20;
	v41 =	vld [tilespmem:s28+$0x8F0];
	[tilespmem:s28+$0xEDB0] =	vst v36  }
0x1d2: {  	v52 =	vand.u32 $0xFFFFFDF8, v2;
	v0 =	vmul.f32 v49, v16;
	v47 =	vld.idx.msk [tilespmem:v47+s14+$0x0], $0xffff;
	[tilespmem:s28+$0xED40] =	vst v43;
	v36 =	vadd.f32 v37, v61  }
0x1d3: {  	v40 =	vmul.f32 v55, v11;
	v46 =	vmul.f32 v46, v16;
	v37 =	vor.u32 v24, v52;
	v45 =	vld.idx.msk [tilespmem:v57+s14+$0x0], $0xffff  }
0x1d4: {  	v42 =	vmul.f32 v42, v16;
	v49 =	vand.u32 $0xFFFFFF78, v1;
	v39 =	vadd.f32 v0, v48;
	v57 =	vld [tilespmem:s28+$0xA60];
	[tilespmem:s28+$0xEA50] =	vst v36  }
0x1d5: {  	v55 =	vadd.s32 s13, v17;
	v54 =	vor.u32 v53, v49;
	v40 =	vadd.f32 v46, v40;
	v38 =	vld.idx.msk [tilespmem:v62+s14+$0x0], $0xffff  }
0x1d6: {  	v1 =	vadd.s32 s30, v9;
	v41 =	vmul.f32 v41, v11;
	v0 =	vadd.s32 s3, v18;
	[tilespmem:s28+$0xE870] =	vst v39;
	v62 =	vld [tilespmem:s28+$0xAC0]  }
0x1d7: {  	v49 =	vand.u32 $0xFFFFFCF8, v55;
	v44 =	vmul.f32 v60, v11;
	v39 =	vand.u32 $0xFFFFFC78, v0;
	v0 =	vld [tilespmem:s28+$0xDE0];
	[tilespmem:s28+$0xEAB0] =	vst v40  }
0x1d8: {  	v60 =	vor.u32 v33, v49;
	v61 =	vadd.s32 s31, v20;
	v58 =	vmul.f32 v47, v16;
	v2 =	vld.idx.msk [tilespmem:v37+s14+$0x0], $0xffff  }
0x1d9: {  	v43 =	vmul.f32 v34, v11;
	v49 =	vand.u32 $0xFFFFFFF8, v61;
	v36 =	vld [tilespmem:s28+$0x880];
	v46 =	vand.u32 $0xFFFFFD78, v1  }
0x1da: {  	v46 =	vor.u32 v27, v46;
	v37 =	vld.idx.msk [tilespmem:v54+s14+$0x0], $0xffff;
	v34 =	vmul.f32 v57, v11;
	v44 =	vadd.f32 v58, v44  }
0x1db: {  	v58 =	vadd.s32 s29, v7;
	v57 =	vmul.f32 v38, v16;
	v40 =	vmul.f32 v62, v11;
	v62 =	vld [tilespmem:$0x1FFF0]  }
0x1dc: {  	v39 =	vor.u32 v59, v39;
	v45 =	vmul.f32 v45, v16;
	v61 =	vand.u32 $0xFFFFFDF8, v58;
	[tilespmem:s28+$0xEDC0] =	vst v44;
	v44 =	vld [tilespmem:s28+$0xDD0]  }
0x1dd: {  	v48 =	vor.u32 v25, v61;
	v47 =	vld.idx.msk [tilespmem:v60+s14+$0x0], $0xffff;
	v60 =	vadd.f32 v57, v34;
	v51 =	vmul.f32 v2, v16  }
0x1de: {  	v41 =	vadd.f32 v42, v41;
	v43 =	vadd.f32 v45, v43;
	v58 =	vld [tilespmem:s28+$0xAD0]  }
0x1df: {  	v1 =	vadd.s32 s3, v19;
	v2 =	vadd.s32 s13, v18;
	v34 =	vld [tilespmem:s28+$0xA70];
	[tilespmem:s28+$0xEA60] =	vst v60;
	v40 =	vadd.f32 v51, v40  }
0x1e0: {  	s31 =	sor.u32 $0xA00, s28;
	v61 =	vadd.s32 s30, v10;
	[tilespmem:s28+$0xED50] =	vst v43;
	v52 =	vand.u32 $0xFFFFFCF8, v2;
	v2 =	vadd.s32 s29, v8;
	v53 =	vld.idx.msk [tilespmem:v46+s14+$0x0], $0xffff  }
0x1e1: {  	v54 =	vld.idx.msk [tilespmem:v39+s14+$0x0], $0xffff;
	v42 =	vor.u32 v59, v52;
	v59 =	vadd.s32 s31, v63;
	v51 =	vand.u32 $0xFFFFFDF8, v2;
	[tilespmem:s28+$0xEAC0] =	vst v40  }
0x1e2: {  	v49 =	vor.u32 v62, v49;
	v55 =	vmul.f32 v44, v11;
	v57 =	vmul.f32 v47, v16;
	v48 =	vld.idx.msk [tilespmem:v48+s14+$0x0], $0xffff  }
0x1e3: {  	v38 =	vld [tilespmem:s28+$0x900];
	v62 =	vmul.f32 v50, v11;
	v44 =	vand.u32 $0xFFFFFD78, v61;
	v47 =	vand.u32 $0xFFFFFE78, v59  }
0x1e4: {  	v45 =	vmul.f32 v34, v11;
	v34 =	vld [tilespmem:s28+$0xB10];
	v47 =	vor.u32 v21, v47;
	v60 =	vadd.f32 v57, v55  }
0x1e5: {  	v50 =	vand.u32 $0xFFFFFC78, v1;
	v44 =	vor.u32 v28, v44;
	v59 =	vld [tilespmem:s28+$0xD70];
	v43 =	vmul.f32 v53, v16  }
0x1e6: {  	v51 =	vor.u32 v26, v51;
	v50 =	vor.u32 v56, v50;
	v46 =	vmul.f32 v54, v16;
	[tilespmem:s28+$0xEDD0] =	vst v60;
	v60 =	vld [tilespmem:s28+$0xAE0]  }
0x1e7: {  	v40 =	vmul.f32 v58, v11;
	v42 =	vld.idx.msk [tilespmem:v42+s14+$0x0], $0xffff;
	v43 =	vadd.f32 v43, v45;
	v48 =	vmul.f32 v48, v16  }
0x1e8: {  	[tilespmem:s28+$0xE8F0] =	vst v41;
	v41 =	vmul.f32 v0, v11;
	v58 =	vadd.s32 s13, v19;
	v46 =	vadd.f32 v46, v62;
	v45 =	vld [tilespmem:s28+$0xA80]  }
0x1e9: {  	v61 =	vadd.s32 s31, v4;
	v55 =	vadd.s32 s29, v9;
	v57 =	vld.idx.msk [tilespmem:v47+s14+$0x0], $0xffff;
	[tilespmem:s28+$0xEA70] =	vst v43;
	v40 =	vadd.f32 v48, v40  }
0x1ea: {  	v62 =	vadd.s32 s30, v12;
	[tilespmem:s28+$0xED60] =	vst v46;
	v1 =	vmul.f32 v34, v11;
	v47 =	vand.u32 $0xFFFFFCF8, v58;
	v44 =	vld.idx.msk [tilespmem:v44+s14+$0x0], $0xffff  }
0x1eb: {  	v50 =	vld.idx.msk [tilespmem:v50+s14+$0x0], $0xffff;
	v58 =	vadd.s32 s31, v5;
	v47 =	vor.u32 v56, v47;
	v48 =	vmul.f32 v59, v11;
	[tilespmem:s28+$0xEAD0] =	vst v40  }
0x1ec: {  	s2 =	sor.u32 $0xA80, s28;
	v40 =	vand.u32 $0xFFFFFE78, v61;
	v56 =	vmul.f32 v60, v11;
	v42 =	vmul.f32 v42, v16;
	v0 =	vld.idx.msk [tilespmem:v51+s14+$0x0], $0xffff  }
0x1ed: {  	v39 =	vld.idx.msk [tilespmem:v49+s14+$0x0], $0xffff;
	v61 =	vadd.s32 s2, v63;
	v2 =	vor.u32 v22, v40;
	v53 =	vmul.f32 v45, v11  }
0x1ee: {  	v60 =	vld [tilespmem:s28+$0xB20];
	v43 =	vmul.f32 v57, v16;
	v41 =	vadd.f32 v42, v41;
	v42 =	vand.u32 $0xFFFFFD78, v62  }
0x1ef: {  	v62 =	vld [tilespmem:s28+$0xE10];
	v44 =	vmul.f32 v44, v16;
	v34 =	vor.u32 v29, v42;
	v42 =	vand.u32 $0xFFFFFDF8, v55  }
0x1f0: {  	v50 =	vmul.f32 v50, v16;
	v51 =	vadd.f32 v43, v1;
	v55 =	vld [tilespmem:s28+$0xB90];
	[tilespmem:s28+$0xEDE0] =	vst v41;
	v57 =	vor.u32 v27, v42  }
0x1f1: {  	v42 =	vand.u32 $0xFFFFFEF8, v61;
	v43 =	vld.idx.msk [tilespmem:v47+s14+$0x0], $0xffff;
	v44 =	vadd.f32 v44, v53;
	v46 =	vmul.f32 v0, v16  }
0x1f2: {  	s0 =	sor.u32 $0xB00, s28;
	[tilespmem:s28+$0xEB10] =	vst v51;
	v0 =	vor.u32 v21, v42;
	v42 =	vadd.f32 v50, v48;
	v48 =	vand.u32 $0xFFFFFE78, v58;
	v58 =	vld [tilespmem:s28+$0xC10]  }
0x1f3: {  	v41 =	vadd.s32 s13, v20;
	s13 =	sor.u32 $0xB80, s28;
	v51 =	vmul.f32 v60, v11;
	v52 =	vld.idx.msk [tilespmem:v2+s14+$0x0], $0xffff;
	v2 =	vadd.s32 s0, v63  }
0x1f4: {  	v61 =	vadd.s32 s13, v63;
	[tilespmem:s28+$0xEA80] =	vst v44;
	v59 =	vand.u32 $0xFFFFFF78, v2;
	v60 =	vmul.f32 v62, v11;
	v62 =	vld [tilespmem:$0x1FFF0]  }
0x1f5: {  	v44 =	vand.u32 $0xFFFFFFF8, v61;
	v54 =	vld.idx.msk [tilespmem:v34+s14+$0x0], $0xffff;
	v50 =	vor.u32 v21, v59  }
0x1f6: {  	v46 =	vadd.f32 v46, v56;
	v61 =	vld [tilespmem:s28+$0xC90];
	v59 =	vor.u32 v21, v44  }
0x1f7: {  	v1 =	vadd.s32 s3, v20;
	v34 =	vld [tilespmem:s28+$0xAF0]  }
0x1f8: {  	v53 =	vand.u32 $0xFFFFFC78, v1;
	v1 =	vadd.s32 s2, v4;
	v48 =	vor.u32 v23, v48;
	[tilespmem:s28+$0xEAE0] =	vst v46;
	v47 =	vld.idx.msk [tilespmem:v0+s14+$0x0], $0xffff  }
0x1f9: {  	v2 =	vadd.s32 s31, v6;
	v49 =	vld.idx.msk [tilespmem:v57+s14+$0x0], $0xffff;
	v57 =	vadd.s32 s30, v13;
	v52 =	vmul.f32 v52, v16  }
0x1fa: {  	v55 =	vmul.f32 v55, v11;
	v57 =	vand.u32 $0xFFFFFD78, v57;
	v54 =	vmul.f32 v54, v16;
	v50 =	vld.idx.msk [tilespmem:v50+s14+$0x0], $0xffff  }
0x1fb: {  	v44 =	vor.u32 v62, v53;
	v53 =	vor.u32 v30, v57;
	v51 =	vadd.f32 v52, v51;
	v0 =	vld.idx.msk [tilespmem:v59+s14+$0x0], $0xffff  }
0x1fc: {  	v56 =	vld [tilespmem:s28+$0xE20];
	v58 =	vmul.f32 v58, v11;
	v46 =	vmul.f32 v34, v11;
	v54 =	vadd.f32 v54, v60  }
0x1fd: {  	v52 =	vld [tilespmem:s28+$0xB30];
	[tilespmem:s28+$0xEB20] =	vst v51;
	v51 =	vand.u32 $0xFFFFFEF8, v1;
	v47 =	vmul.f32 v47, v16;
	v60 =	vadd.s32 s0, v4  }
0x1fe: {  	v34 =	vand.u32 $0xFFFFFE78, v2;
	v48 =	vld.idx.msk [tilespmem:v48+s14+$0x0], $0xffff;
	v51 =	vor.u32 v22, v51;
	v62 =	vand.u32 $0xFFFFFF78, v60  }
0x1ff: {  	v40 =	vld [tilespmem:s28+$0xD80];
	[tilespmem:s28+$0xEE10] =	vst v54;
	v47 =	vadd.f32 v47, v55;
	v54 =	vor.u32 v24, v34;
	v34 =	vmul.f32 v61, v11  }
0x200: {  	v55 =	vor.u32 v22, v62;
	v53 =	vld.idx.msk [tilespmem:v53+s14+$0x0], $0xffff;
	v50 =	vmul.f32 v50, v16;
	v57 =	vmul.f32 v0, v16  }
0x201: {  	v56 =	vmul.f32 v56, v11;
	v49 =	vmul.f32 v49, v16;
	v1 =	vadd.s32 s29, v10;
	[tilespmem:s28+$0xEB90] =	vst v47;
	v47 =	vld [tilespmem:s28+$0xBA0]  }
0x202: {  	v59 =	vand.u32 $0xFFFFFDF8, v1;
	v50 =	vadd.f32 v50, v58;
	v1 =	vadd.f32 v57, v34;
	v57 =	vld [tilespmem:s28+$0xB00]  }
0x203: {  	v2 =	vadd.s32 s13, v4;
	v52 =	vmul.f32 v52, v11;
	v48 =	vmul.f32 v48, v16;
	v51 =	vld.idx.msk [tilespmem:v51+s14+$0x0], $0xffff  }
0x204: {  	v59 =	vor.u32 v28, v59;
	v46 =	vadd.f32 v49, v46;
	v58 =	vand.u32 $0xFFFFFFF8, v2;
	[tilespmem:s28+$0xEC10] =	vst v50;
	v50 =	vld [tilespmem:s28+$0xC20]  }
0x205: {  	v34 =	vadd.s32 s0, v5;
	v58 =	vor.u32 v22, v58;
	v48 =	vadd.f32 v48, v52;
	v55 =	vld.idx.msk [tilespmem:v55+s14+$0x0], $0xffff  }
0x206: {  	v0 =	vadd.s32 s2, v5;
	v2 =	vadd.s32 s31, v7;
	[tilespmem:s28+$0xEC90] =	vst v1;
	v1 =	vand.u32 $0xFFFFFF78, v34;
	v52 =	vld [tilespmem:s28+$0xB40]  }
0x207: {  	v34 =	vadd.s32 s30, v14;
	[tilespmem:s28+$0xEB30] =	vst v48;
	v48 =	vand.u32 $0xFFFFFEF8, v0;
	v0 =	vand.u32 $0xFFFFFE78, v2;
	v2 =	vld [tilespmem:s28+$0xBB0]  }
0x208: {  	v47 =	vmul.f32 v47, v11;
	v49 =	vld.idx.msk [tilespmem:v54+s14+$0x0], $0xffff;
	v51 =	vmul.f32 v51, v16;
	v48 =	vor.u32 v23, v48  }
0x209: {  	[tilespmem:s28+$0xEAF0] =	vst v46;
	v53 =	vmul.f32 v53, v16;
	v60 =	vand.u32 $0xFFFFFD78, v34;
	v54 =	vld [tilespmem:s28+$0xCA0];
	v50 =	vmul.f32 v50, v11  }
0x20a: {  	v58 =	vld.idx.msk [tilespmem:v58+s14+$0x0], $0xffff;
	v47 =	vadd.f32 v51, v47;
	v55 =	vmul.f32 v55, v16;
	v51 =	vor.u32 v23, v1  }
0x20b: {  	v59 =	vld.idx.msk [tilespmem:v59+s14+$0x0], $0xffff;
	v34 =	vadd.s32 s0, v6;
	v53 =	vadd.f32 v53, v56;
	v56 =	vor.u32 v31, v60  }
0x20c: {  	v45 =	vld [tilespmem:s28+$0xDF0];
	v57 =	vmul.f32 v57, v11;
	v46 =	vor.u32 v25, v0;
	[tilespmem:s28+$0xEBA0] =	vst v47;
	v50 =	vadd.f32 v55, v50  }
0x20d: {  	v0 =	vadd.s32 s13, v5;
	[tilespmem:s28+$0xEE20] =	vst v53;
	v52 =	vmul.f32 v52, v11;
	v49 =	vmul.f32 v49, v16;
	v48 =	vld.idx.msk [tilespmem:v48+s14+$0x0], $0xffff  }
0x20e: {  	v55 =	vand.u32 $0xFFFFFFF8, v0;
	v47 =	vmul.f32 v2, v11;
	v2 =	vadd.s32 s31, v8;
	[tilespmem:s28+$0xEC20] =	vst v50;
	v50 =	vld [tilespmem:s28+$0xC30]  }
0x20f: {  	v54 =	vmul.f32 v54, v11;
	v58 =	vmul.f32 v58, v16;
	v49 =	vadd.f32 v49, v52;
	v51 =	vld.idx.msk [tilespmem:v51+s14+$0x0], $0xffff  }
0x210: {  	v1 =	vadd.s32 s2, v6;
	v56 =	vld.idx.msk [tilespmem:v56+s14+$0x0], $0xffff;
	v55 =	vor.u32 v23, v55;
	v0 =	vand.u32 $0xFFFFFE78, v2  }
0x211: {  	v2 =	vld [tilespmem:s28+$0xBC0];
	v54 =	vadd.f32 v58, v54;
	[tilespmem:s28+$0xEB40] =	vst v49;
	v49 =	vand.u32 $0xFFFFFEF8, v1;
	v1 =	vand.u32 $0xFFFFFF78, v34  }
0x212: {  	v52 =	vld [tilespmem:s28+$0xB50];
	v34 =	vadd.s32 s29, v12;
	v48 =	vmul.f32 v48, v16;
	v49 =	vor.u32 v24, v49  }
0x213: {  	v59 =	vmul.f32 v59, v16;
	v46 =	vld.idx.msk [tilespmem:v46+s14+$0x0], $0xffff;
	v60 =	vand.u32 $0xFFFFFDF8, v34;
	v50 =	vmul.f32 v50, v11  }
0x214: {  	[tilespmem:s28+$0xECA0] =	vst v54;
	v54 =	vld [tilespmem:s28+$0xCB0];
	v60 =	vor.u32 v29, v60;
	v47 =	vadd.f32 v48, v47;
	v51 =	vmul.f32 v51, v16  }
0x215: {  	v57 =	vadd.f32 v59, v57;
	v55 =	vld.idx.msk [tilespmem:v55+s14+$0x0], $0xffff  }
0x216: {  	v58 =	vld [tilespmem:s28+$0xE30];
	v48 =	vor.u32 v24, v1;
	[tilespmem:s28+$0xEBB0] =	vst v47;
	v50 =	vadd.f32 v51, v50  }
0x217: {  	[tilespmem:s28+$0xEB00] =	vst v57;
	v53 =	vor.u32 v26, v0;
	v49 =	vld.idx.msk [tilespmem:v49+s14+$0x0], $0xffff  }
0x218: {  	v0 =	vadd.s32 s13, v6;
	v52 =	vmul.f32 v52, v11;
	v46 =	vmul.f32 v46, v16;
	[tilespmem:s28+$0xEC30] =	vst v50;
	v50 =	vld [tilespmem:s28+$0xC40]  }
0x219: {  	v51 =	vand.u32 $0xFFFFFFF8, v0;
	v54 =	vmul.f32 v54, v11;
	v59 =	vld.idx.msk [tilespmem:v60+s14+$0x0], $0xffff  }
0x21a: {  	v55 =	vmul.f32 v55, v16;
	v51 =	vor.u32 v24, v51;
	v46 =	vadd.f32 v46, v52;
	v52 =	vld [tilespmem:s28+$0xB60]  }
0x21b: {  	v56 =	vmul.f32 v56, v16;
	v1 =	vadd.s32 s2, v7;
	v47 =	vmul.f32 v2, v11;
	v48 =	vld.idx.msk [tilespmem:v48+s14+$0x0], $0xffff  }
0x21c: {  	v2 =	vadd.s32 s31, v9;
	v54 =	vadd.f32 v55, v54;
	v55 =	vld [tilespmem:s28+$0xE90];
	[tilespmem:s28+$0xEB50] =	vst v46;
	v46 =	vand.u32 $0xFFFFFEF8, v1  }
0x21d: {  	v0 =	vand.u32 $0xFFFFFE78, v2;
	v53 =	vld.idx.msk [tilespmem:v53+s14+$0x0], $0xffff;
	v49 =	vmul.f32 v49, v16;
	v46 =	vor.u32 v25, v46  }
0x21e: {  	v34 =	vadd.s32 s0, v7;
	v58 =	vmul.f32 v58, v11;
	v57 =	vor.u32 v27, v0;
	[tilespmem:s28+$0xECB0] =	vst v54;
	v54 =	vld [tilespmem:s28+$0xCC0]  }
0x21f: {  	[tilespmem:s28+$0xED70] =	vst v42;
	v0 =	vadd.s32 s13, v7;
	v1 =	vand.u32 $0xFFFFFF78, v34;
	v51 =	vld.idx.msk [tilespmem:v51+s14+$0x0], $0xffff;
	v47 =	vadd.f32 v49, v47  }
0x220: {  	v42 =	vld.idx.msk [tilespmem:v44+s14+$0x0], $0xffff;
	v50 =	vmul.f32 v50, v11;
	v48 =	vmul.f32 v48, v16;
	v49 =	vor.u32 v25, v1  }
0x221: {  	v2 =	vld [tilespmem:s28+$0xBD0];
	v34 =	vadd.s32 s30, v15;
	v59 =	vmul.f32 v59, v16;
	v55 =	vmul.f32 v55, v11;
	[tilespmem:s28+$0xEBC0] =	vst v47  }
0x222: {  	v52 =	vmul.f32 v52, v11;
	v48 =	vadd.f32 v48, v50;
	v53 =	vmul.f32 v53, v16;
	v46 =	vld.idx.msk [tilespmem:v46+s14+$0x0], $0xffff  }
0x223: {  	v50 =	vand.u32 $0xFFFFFFF8, v0;
	v54 =	vmul.f32 v54, v11;
	v55 =	vadd.f32 v59, v55;
	v59 =	vld [tilespmem:s28+$0xE50]  }
0x224: {  	v51 =	vmul.f32 v51, v16;
	v50 =	vor.u32 v25, v50;
	[tilespmem:s28+$0xEC40] =	vst v48;
	v48 =	vld [tilespmem:s28+$0xC50];
	v52 =	vadd.f32 v53, v52  }
0x225: {  	v56 =	vadd.f32 v56, v58;
	v60 =	vand.u32 $0xFFFFFD78, v34;
	v1 =	vadd.s32 s2, v8;
	v49 =	vld.idx.msk [tilespmem:v49+s14+$0x0], $0xffff  }
0x226: {  	v58 =	vor.u32 v32, v60;
	v53 =	vld [tilespmem:s28+$0xB70];
	v51 =	vadd.f32 v51, v54;
	[tilespmem:s28+$0xEB60] =	vst v52;
	v52 =	vand.u32 $0xFFFFFEF8, v1  }
0x227: {  	v47 =	vmul.f32 v2, v11;
	v57 =	vld.idx.msk [tilespmem:v57+s14+$0x0], $0xffff;
	v46 =	vmul.f32 v46, v16;
	v52 =	vor.u32 v26, v52  }
0x228: {  	v45 =	vmul.f32 v45, v11;
	v34 =	vadd.s32 s0, v8;
	v2 =	vadd.s32 s31, v10;
	[tilespmem:s28+$0xECC0] =	vst v51;
	v51 =	vld [tilespmem:s28+$0xCD0]  }
0x229: {  	v0 =	vand.u32 $0xFFFFFE78, v2;
	v1 =	vand.u32 $0xFFFFFF78, v34;
	v50 =	vld.idx.msk [tilespmem:v50+s14+$0x0], $0xffff;
	v46 =	vadd.f32 v46, v47  }
0x22a: {  	[tilespmem:s28+$0xEE30] =	vst v56;
	v2 =	vld [tilespmem:s28+$0xBE0];
	v48 =	vmul.f32 v48, v11;
	v49 =	vmul.f32 v49, v16;
	v47 =	vor.u32 v26, v1  }
0x22b: {  	v58 =	vld.idx.msk [tilespmem:v58+s14+$0x0], $0xffff;
	v56 =	vor.u32 v28, v0;
	v0 =	vadd.s32 s13, v8;
	v34 =	vadd.s32 s29, v13;
	[tilespmem:s28+$0xEBD0] =	vst v46  }
0x22c: {  	v53 =	vmul.f32 v53, v11;
	v48 =	vadd.f32 v49, v48;
	v57 =	vmul.f32 v57, v16;
	v52 =	vld.idx.msk [tilespmem:v52+s14+$0x0], $0xffff  }
0x22d: {  	v54 =	vld [tilespmem:s28+$0xE40];
	v60 =	vand.u32 $0xFFFFFDF8, v34;
	v49 =	vand.u32 $0xFFFFFFF8, v0;
	v51 =	vmul.f32 v51, v11  }
0x22e: {  	v50 =	vmul.f32 v50, v16;
	v49 =	vor.u32 v26, v49;
	[tilespmem:s28+$0xEC50] =	vst v48;
	v48 =	vld [tilespmem:s28+$0xC60];
	v53 =	vadd.f32 v57, v53  }
0x22f: {  	v2 =	vmul.f32 v2, v11;
	v60 =	vor.u32 v30, v60;
	v1 =	vadd.s32 s2, v9;
	v47 =	vld.idx.msk [tilespmem:v47+s14+$0x0], $0xffff  }
0x230: {  	v34 =	vadd.s32 s31, v12;
	v57 =	vld [tilespmem:s28+$0xB80];
	v50 =	vadd.f32 v50, v51;
	[tilespmem:s28+$0xEB70] =	vst v53;
	v53 =	vand.u32 $0xFFFFFEF8, v1  }
0x231: {  	v58 =	vmul.f32 v58, v16;
	v56 =	vld.idx.msk [tilespmem:v56+s14+$0x0], $0xffff;
	v52 =	vmul.f32 v52, v16;
	v53 =	vor.u32 v27, v53  }
0x232: {  	v54 =	vmul.f32 v54, v11;
	v46 =	vmul.f32 v43, v16;
	v0 =	vadd.s32 s0, v9;
	[tilespmem:s28+$0xECD0] =	vst v50;
	v1 =	vld [tilespmem:s28+$0xCE0]  }
0x233: {  	[tilespmem:s28+$0xEE90] =	vst v55;
	v43 =	vand.u32 $0xFFFFFE78, v34;
	v61 =	vand.u32 $0xFFFFFF78, v0;
	v49 =	vld.idx.msk [tilespmem:v49+s14+$0x0], $0xffff;
	v52 =	vadd.f32 v52, v2  }
0x234: {  	v62 =	vld.idx.msk [tilespmem:v60+s14+$0x0], $0xffff;
	v55 =	vor.u32 v27, v61;
	v48 =	vmul.f32 v48, v11;
	v47 =	vmul.f32 v47, v16  }
0x235: {  	v34 =	vadd.s32 s13, v9;
	v54 =	vadd.f32 v58, v54;
	v43 =	vor.u32 v29, v43;
	v2 =	vld [tilespmem:s28+$0xBF0];
	[tilespmem:s28+$0xEBE0] =	vst v52  }
0x236: {  	v57 =	vmul.f32 v57, v11;
	v47 =	vadd.f32 v47, v48;
	v56 =	vmul.f32 v56, v16;
	v53 =	vld.idx.msk [tilespmem:v53+s14+$0x0], $0xffff  }
0x237: {  	v58 =	vadd.s32 s30, v17;
	v51 =	vld [tilespmem:s28+$0xEA0];
	v48 =	vand.u32 $0xFFFFFFF8, v34;
	v50 =	vmul.f32 v1, v11  }
0x238: {  	v60 =	vld [tilespmem:s28+$0xC70];
	v49 =	vmul.f32 v49, v16;
	v48 =	vor.u32 v27, v48;
	[tilespmem:s28+$0xEC60] =	vst v47;
	v56 =	vadd.f32 v56, v57  }
0x239: {  	v59 =	vmul.f32 v59, v11;
	v0 =	vadd.s32 s2, v10;
	v58 =	vand.u32 $0xFFFFFD78, v58;
	v55 =	vld.idx.msk [tilespmem:v55+s14+$0x0], $0xffff  }
0x23a: {  	v61 =	vadd.s32 s31, v13;
	v57 =	vld [tilespmem:s28+$0xF10];
	v49 =	vadd.f32 v49, v50;
	[tilespmem:s28+$0xEB80] =	vst v56;
	v56 =	vand.u32 $0xFFFFFEF8, v0  }
0x23b: {  	v1 =	vmul.f32 v2, v11;
	v43 =	vld.idx.msk [tilespmem:v43+s14+$0x0], $0xffff;
	v2 =	vmul.f32 v53, v16;
	v34 =	vor.u32 v28, v56  }
0x23c: {  	v51 =	vmul.f32 v51, v11;
	[tilespmem:s28+$0xECE0] =	vst v49;
	v49 =	vld [tilespmem:s28+$0xCF0];
	v53 =	vmul.f32 v62, v16;
	v62 =	vadd.s32 s0, v10  }
0x23d: {  	v47 =	vmul.f32 v60, v11;
	v48 =	vld.idx.msk [tilespmem:v48+s14+$0x0], $0xffff;
	v0 =	vand.u32 $0xFFFFFF78, v62;
	v44 =	vadd.f32 v2, v1  }
0x23e: {  	v3 =	vld [tilespmem:s28+$0x10B0];
	v56 =	vand.u32 $0xFFFFFE78, v61;
	v55 =	vmul.f32 v55, v16;
	v50 =	vor.u32 v28, v0  }
0x23f: {  	v56 =	vor.u32 v30, v56;
	v57 =	vmul.f32 v57, v11;
	v1 =	vld [tilespmem:s28+$0xC00];
	v2 =	vadd.s32 s29, v14;
	[tilespmem:s28+$0xEBF0] =	vst v44  }
0x240: {  	v60 =	vand.u32 $0xFFFFFDF8, v2;
	v47 =	vadd.f32 v55, v47;
	v43 =	vmul.f32 v43, v16;
	v52 =	vld.idx.msk [tilespmem:v34+s14+$0x0], $0xffff  }
0x241: {  	v2 =	vld [tilespmem:s28+$0xD00];
	v49 =	vmul.f32 v49, v11;
	v60 =	vor.u32 v31, v60;
	v34 =	vadd.s32 s13, v10  }
0x242: {  	v48 =	vmul.f32 v48, v16;
	v55 =	vand.u32 $0xFFFFFFF8, v34;
	[tilespmem:s28+$0xEC70] =	vst v47;
	v47 =	vld [tilespmem:s28+$0xC80];
	v43 =	vadd.f32 v43, v57  }
0x243: {  	v45 =	vadd.f32 v46, v45;
	v0 =	vadd.s32 s2, v12;
	v55 =	vor.u32 v28, v55;
	v50 =	vld.idx.msk [tilespmem:v50+s14+$0x0], $0xffff  }
0x244: {  	v51 =	vadd.f32 v53, v51;
	v57 =	vld [tilespmem:s28+$0xF20];
	v48 =	vadd.f32 v48, v49;
	[tilespmem:s28+$0xEF10] =	vst v43;
	v43 =	vand.u32 $0xFFFFFEF8, v0  }
0x245: {  	v44 =	vmul.f32 v1, v11;
	v53 =	vld.idx.msk [tilespmem:v56+s14+$0x0], $0xffff;
	v52 =	vmul.f32 v52, v16;
	v43 =	vor.u32 v29, v43  }
0x246: {  	[tilespmem:s28+$0xEEA0] =	vst v51;
	v34 =	vadd.s32 s31, v14;
	v49 =	vld [tilespmem:s28+$0xEB0];
	v1 =	vadd.s32 s0, v12;
	v56 =	vor.u32 v33, v58  }
0x247: {  	v51 =	vand.u32 $0xFFFFFE78, v34;
	v34 =	vadd.s32 s29, v15;
	[tilespmem:s28+$0xECF0] =	vst v48;
	v60 =	vld.idx.msk [tilespmem:v60+s14+$0x0], $0xffff;
	v44 =	vadd.f32 v52, v44  }
0x248: {  	[tilespmem:s28+$0xEE40] =	vst v54;
	v0 =	vand.u32 $0xFFFFFF78, v1;
	v47 =	vmul.f32 v47, v11;
	v55 =	vld.idx.msk [tilespmem:v55+s14+$0x0], $0xffff;
	v50 =	vmul.f32 v50, v16  }
0x249: {  	v51 =	vor.u32 v31, v51;
	v1 =	vadd.s32 s13, v12;
	v52 =	vor.u32 v29, v0;
	[tilespmem:s28+$0xEC00] =	vst v44;
	v44 =	vld [tilespmem:s28+$0xF90]  }
0x24a: {  	v57 =	vmul.f32 v57, v11;
	v47 =	vadd.f32 v50, v47;
	v53 =	vmul.f32 v53, v16;
	v43 =	vld.idx.msk [tilespmem:v43+s14+$0x0], $0xffff  }
0x24b: {  	v49 =	vmul.f32 v49, v11;
	v0 =	vadd.s32 s2, v13;
	v50 =	vand.u32 $0xFFFFFFF8, v1;
	v54 =	vld.idx.msk [tilespmem:v56+s14+$0x0], $0xffff  }
0x24c: {  	v1 =	vld [tilespmem:s28+$0xF30];
	v50 =	vor.u32 v29, v50;
	[tilespmem:s28+$0xEC80] =	vst v47;
	v47 =	vmul.f32 v2, v11;
	v53 =	vadd.f32 v53, v57  }
0x24d: {  	v56 =	vld [tilespmem:s28+$0x1010];
	v2 =	vmul.f32 v55, v16;
	v55 =	vmul.f32 v60, v16;
	v60 =	vand.u32 $0xFFFFFEF8, v0  }
0x24e: {  	v52 =	vld.idx.msk [tilespmem:v52+s14+$0x0], $0xffff;
	v57 =	vand.u32 $0xFFFFFDF8, v34;
	v0 =	vadd.s32 s31, v15;
	v60 =	vor.u32 v30, v60  }
0x24f: {  	v34 =	vld [tilespmem:s28+$0x1090];
	v57 =	vor.u32 v32, v57;
	[tilespmem:s28+$0xEF20] =	vst v53;
	v48 =	vadd.f32 v2, v47;
	v44 =	vmul.f32 v44, v11  }
0x250: {  	v2 =	vadd.s32 s0, v13;
	v49 =	vadd.f32 v55, v49;
	v51 =	vld.idx.msk [tilespmem:v51+s14+$0x0], $0xffff;
	v43 =	vmul.f32 v43, v16  }
0x251: {  	v55 =	vld [tilespmem:s28+$0xEC0];
	v53 =	vmul.f32 v1, v11;
	v1 =	vadd.s32 s13, v13;
	v62 =	vand.u32 $0xFFFFFF78, v2;
	[tilespmem:s28+$0xED00] =	vst v48  }
0x252: {  	v56 =	vmul.f32 v56, v11;
	v54 =	vmul.f32 v54, v16;
	v43 =	vadd.f32 v43, v44;
	v50 =	vld.idx.msk [tilespmem:v50+s14+$0x0], $0xffff  }
0x253: {  	v2 =	vadd.s32 s2, v14;
	v61 =	vor.u32 v30, v62;
	v62 =	vld [tilespmem:s28+$0xFA0];
	[tilespmem:s28+$0xEEB0] =	vst v49;
	v52 =	vmul.f32 v52, v16  }
0x254: {  	v48 =	vmul.f32 v34, v11;
	v34 =	vmovc v13;
	v13 =	vmov v12;
	v57 =	vld.idx.msk [tilespmem:v57+s14+$0x0], $0xffff;
	[tilespmem:s28+$0xEF90] =	vst v43;
	v43 =	vand.u32 $0xFFFFFE78, v0  }
0x255: {  	v52 =	vadd.f32 v52, v56;
	v49 =	vld.idx.msk [tilespmem:v60+s14+$0x0], $0xffff;
	v51 =	vmul.f32 v51, v16;
	v60 =	vor.u32 v32, v43  }
0x256: {  	[tilespmem:s28+$0xEDF0] =	vst v45;
	v45 =	vld [tilespmem:s28+$0xF70];
	v12 =	vmovc v10;
	v10 =	vmovc v9;
	v9 =	vmov v8;
	v56 =	vand.u32 $0xFFFFFFF8, v1;
	v0 =	vand.u32 $0xFFFFFEF8, v2  }
0x257: {  	v56 =	vor.u32 v30, v56;
	[tilespmem:s28+$0xF010] =	vst v52;
	v52 =	vld [tilespmem:s28+$0x1020];
	v50 =	vmul.f32 v50, v16;
	v51 =	vadd.f32 v51, v53  }
0x258: {  	v8 =	vmovc v7;
	v55 =	vmul.f32 v55, v11;
	v61 =	vld.idx.msk [tilespmem:v61+s14+$0x0], $0xffff;
	v53 =	vor.u32 v31, v0;
	v0 =	vadd.s32 s29, v17  }
0x259: {  	v7 =	vmovc v6;
	v57 =	vmul.f32 v57, v16;
	v0 =	vand.u32 $0xFFFFFDF8, v0;
	v48 =	vadd.f32 v50, v48;
	v50 =	vld [tilespmem:s28+$0xF40];
	[tilespmem:s28+$0xEF30] =	vst v51  }
0x25a: {  	v62 =	vmul.f32 v62, v11;
	v0 =	vor.u32 v33, v0;
	v49 =	vmul.f32 v49, v16;
	v60 =	vld.idx.msk [tilespmem:v60+s14+$0x0], $0xffff  }
0x25b: {  	v6 =	vmovc v5;
	v5 =	vmovc v4;
	v4 =	vmov v63;
	v63 =	vadd.s32 s0, v14;
	v55 =	vadd.f32 v57, v55;
	[tilespmem:s28+$0xF090] =	vst v48;
	v48 =	vld [tilespmem:s28+$0x10A0]  }
0x25c: {  	v1 =	vand.u32 $0xFFFFFF78, v63;
	v63 =	vadd.s32 s31, v17;
	v49 =	vadd.f32 v49, v62;
	v56 =	vld.idx.msk [tilespmem:v56+s14+$0x0], $0xffff  }
0x25d: {  	v58 =	vadd.s32 s30, v18;
	v54 =	vadd.f32 v54, v59;
	v63 =	vand.u32 $0xFFFFFE78, v63;
	[tilespmem:s28+$0xEEC0] =	vst v55;
	v55 =	vld [tilespmem:s28+$0xED0]  }
0x25e: {  	v51 =	vor.u32 v31, v1;
	v52 =	vmul.f32 v52, v11;
	v61 =	vmul.f32 v61, v16;
	[tilespmem:s28+$0xEFA0] =	vst v49;
	v49 =	vld [tilespmem:s28+$0xFB0]  }
0x25f: {  	v2 =	vadd.s32 s13, v14;
	v63 =	vor.u32 v33, v63;
	v1 =	vadd.s32 s2, v15;
	v0 =	vld.idx.msk [tilespmem:v0+s14+$0x0], $0xffff  }
0x260: {  	v57 =	vand.u32 $0xFFFFFFF8, v2;
	v1 =	vand.u32 $0xFFFFFEF8, v1;
	v52 =	vadd.f32 v61, v52;
	v53 =	vld.idx.msk [tilespmem:v53+s14+$0x0], $0xffff  }
0x261: {  	v43 =	vld [tilespmem:s28+$0xE00];
	v2 =	vadd.s32 s0, v15;
	v50 =	vmul.f32 v50, v11;
	v60 =	vmul.f32 v60, v16  }
0x262: {  	v57 =	vor.u32 v31, v57;
	[tilespmem:s28+$0xF020] =	vst v52;
	v52 =	vld [tilespmem:s28+$0x1030];
	v48 =	vmul.f32 v48, v11;
	v56 =	vmul.f32 v56, v16  }
0x263: {  	v1 =	vor.u32 v32, v1;
	v2 =	vand.u32 $0xFFFFFF78, v2;
	v51 =	vld.idx.msk [tilespmem:v51+s14+$0x0], $0xffff;
	v50 =	vadd.f32 v60, v50  }
0x264: {  	v60 =	vld [tilespmem:$0x1FFD0];
	v59 =	vmul.f32 v55, v11;
	v48 =	vadd.f32 v56, v48;
	v49 =	vmul.f32 v49, v11  }
0x265: {  	v2 =	vor.u32 v32, v2;
	v61 =	vld [tilespmem:s28+$0xE60];
	[tilespmem:s28+$0xEF40] =	vst v50;
	v0 =	vmul.f32 v0, v16;
	v53 =	vmul.f32 v53, v16  }
0x266: {  	v58 =	vand.u32 $0xFFFFFD78, v58;
	v55 =	vld.idx.msk [tilespmem:v63+s14+$0x0], $0xffff;
	v63 =	vmovc v4;
	v4 =	vmovc v5;
	v5 =	vmov v6;
	v6 =	vmov v7;
	[tilespmem:s28+$0xF0A0] =	vst v48  }
0x267: {  	v7 =	vmovc v8;
	v8 =	vmovc v9;
	v9 =	vmov v10;
	v10 =	vmov v12;
	v49 =	vadd.f32 v53, v49;
	v53 =	vld.idx.msk [tilespmem:v57+s14+$0x0], $0xffff  }
0x268: {  	v12 =	vmovc v13;
	v13 =	vmovc v34;
	v34 =	vadd.s32 s31, v18;
	v52 =	vmul.f32 v52, v11;
	v0 =	vadd.f32 v0, v59;
	v57 =	vld [tilespmem:s28+$0xF50]  }
0x269: {  	v59 =	vadd.s32 s2, v17;
	v51 =	vmul.f32 v51, v16;
	v46 =	vor.u32 v60, v58;
	v60 =	vld [tilespmem:$0x1FFD0]  }
0x26a: {  	[tilespmem:s28+$0xEE50] =	vst v54;
	v54 =	vand.u32 $0xFFFFFEF8, v59;
	v59 =	vand.u32 $0xFFFFFE78, v34;
	v34 =	vld [tilespmem:$0x1FFD0]  }
0x26b: {  	[tilespmem:s28+$0xEFB0] =	vst v49;
	v49 =	vld [tilespmem:s28+$0xFC0];
	v50 =	vadd.f32 v51, v52  }
0x26c: {  	v1 =	vld.idx.msk [tilespmem:v1+s14+$0x0], $0xffff  }
0x26d: {  	[tilespmem:s28+$0xF030] =	vst v50;
	v50 =	vld [tilespmem:s28+$0x1040]  }
0x26e: {  	v3 =	vmul.f32 v3, v11;
	v62 =	vadd.s32 s29, v18;
	v58 =	vadd.s32 s13, v15;
	v2 =	vld.idx.msk [tilespmem:v2+s14+$0x0], $0xffff  }
0x26f: {  	v51 =	vand.u32 $0xFFFFFFF8, v58;
	v58 =	vand.u32 $0xFFFFFDF8, v62;
	v62 =	vadd.s32 s0, v17;
	v46 =	vld.idx.msk [tilespmem:v46+s14+$0x0], $0xffff  }
0x270: {  	v51 =	vor.u32 v32, v51;
	v53 =	vmul.f32 v53, v16;
	v52 =	vor.u32 v60, v58;
	v58 =	vld [tilespmem:s28+$0xEE0]  }
0x271: {  	[tilespmem:s28+$0xEED0] =	vst v0;
	v55 =	vmul.f32 v55, v16;
	v57 =	vmul.f32 v57, v11;
	v0 =	vor.u32 v34, v59;
	v59 =	vld [tilespmem:$0x1FFD0]  }
0x272: {  	v60 =	vand.u32 $0xFFFFFF78, v62;
	v62 =	vmul.f32 v61, v11;
	v61 =	vld [tilespmem:$0x1FFE0];
	v3 =	vadd.f32 v53, v3  }
0x273: {  	v53 =	vld [tilespmem:s28+$0xE70];
	v55 =	vadd.f32 v55, v57  }
0x274: {  	[tilespmem:s28+$0xF0B0] =	vst v3;
	v3 =	vld [tilespmem:s28+$0x10C0]  }
0x275: {  	v49 =	vmul.f32 v49, v11;
	v1 =	vmul.f32 v1, v16;
	[tilespmem:s28+$0xEF50] =	vst v55;
	v55 =	vld [tilespmem:s28+$0xF60]  }
0x276: {  	v47 =	vadd.s32 s30, v19;
	v54 =	vor.u32 v33, v54;
	v51 =	vld.idx.msk [tilespmem:v51+s14+$0x0], $0xffff  }
0x277: {  	v47 =	vand.u32 $0xFFFFFD78, v47;
	v1 =	vadd.f32 v1, v49;
	v52 =	vld.idx.msk [tilespmem:v52+s14+$0x0], $0xffff  }
0x278: {  	v50 =	vmul.f32 v50, v11;
	v2 =	vmul.f32 v2, v16;
	v49 =	vor.u32 v33, v60;
	v0 =	vld.idx.msk [tilespmem:v0+s14+$0x0], $0xffff  }
0x279: {  	v60 =	vadd.s32 s13, v17;
	v46 =	vmul.f32 v46, v16;
	v47 =	vor.u32 v61, v47;
	[tilespmem:s28+$0xEFC0] =	vst v1;
	v1 =	vld [tilespmem:s28+$0xFD0]  }
0x27a: {  	v2 =	vadd.f32 v2, v50;
	v50 =	vand.u32 $0xFFFFFFF8, v60;
	v60 =	vmul.f32 v58, v11;
	v58 =	vld [tilespmem:$0x1FFE0]  }
0x27b: {  	v46 =	vadd.f32 v46, v62;
	v54 =	vld.idx.msk [tilespmem:v54+s14+$0x0], $0xffff  }
0x27c: {  	v56 =	vadd.s32 s29, v19;
	v62 =	vadd.s32 s2, v18;
	v50 =	vor.u32 v33, v50;
	[tilespmem:s28+$0xF040] =	vst v2;
	v2 =	vld [tilespmem:s28+$0x1050]  }
0x27d: {  	v57 =	vand.u32 $0xFFFFFEF8, v62;
	v3 =	vmul.f32 v3, v11;
	[tilespmem:s28+$0xEE60] =	vst v46;
	v55 =	vmul.f32 v55, v11;
	v49 =	vld.idx.msk [tilespmem:v49+s14+$0x0], $0xffff  }
0x27e: {  	v62 =	vand.u32 $0xFFFFFDF8, v56;
	v51 =	vmul.f32 v51, v16;
	v47 =	vld.idx.msk [tilespmem:v47+s14+$0x0], $0xffff;
	v0 =	vmul.f32 v0, v16  }
0x27f: {  	v46 =	vor.u32 v58, v62;
	v62 =	vld [tilespmem:$0x1FFF0]  }
0x280: {  	v52 =	vmul.f32 v52, v16;
	v3 =	vadd.f32 v51, v3;
	v0 =	vadd.f32 v0, v55;
	v55 =	vld [tilespmem:$0x1FFF0]  }
0x281: {  	v1 =	vmul.f32 v1, v11;
	v34 =	vmul.f32 v54, v16;
	v54 =	vor.u32 v59, v57;
	v57 =	vld [tilespmem:s28+$0xEF0]  }
0x282: {  	v41 =	vand.u32 $0xFFFFFCF8, v41;
	v61 =	vadd.s32 s0, v18;
	v52 =	vadd.f32 v52, v60;
	[tilespmem:s28+$0xF0C0] =	vst v3;
	v3 =	vld [tilespmem:s28+$0x10D0]  }
0x283: {  	v53 =	vmul.f32 v53, v11;
	v56 =	vand.u32 $0xFFFFFF78, v61;
	v1 =	vadd.f32 v34, v1;
	v50 =	vld.idx.msk [tilespmem:v50+s14+$0x0], $0xffff  }
0x284: {  	v60 =	vadd.s32 s31, v19;
	v2 =	vmul.f32 v2, v11;
	[tilespmem:s28+$0xEEE0] =	vst v52;
	v52 =	vld [tilespmem:$0x1FFE0];
	v49 =	vmul.f32 v49, v16  }
0x285: {  	v61 =	vadd.s32 s13, v18;
	v51 =	vor.u32 v59, v56;
	v56 =	vand.u32 $0xFFFFFE78, v60;
	[tilespmem:s28+$0xEFD0] =	vst v1;
	v1 =	vld [tilespmem:s28+$0xFE0]  }
0x286: {  	v60 =	vadd.s32 s2, v19;
	v2 =	vadd.f32 v49, v2;
	v49 =	vand.u32 $0xFFFFFFF8, v61;
	v46 =	vld.idx.msk [tilespmem:v46+s14+$0x0], $0xffff  }
0x287: {  	v41 =	vor.u32 v62, v41;
	v62 =	vand.u32 $0xFFFFFEF8, v60;
	v60 =	vmul.f32 v47, v16;
	v54 =	vld.idx.msk [tilespmem:v54+s14+$0x0], $0xffff  }
0x288: {  	v49 =	vor.u32 v59, v49;
	[tilespmem:s28+$0xF050] =	vst v2;
	v2 =	vld [tilespmem:s28+$0x1060];
	v3 =	vmul.f32 v3, v11;
	v50 =	vmul.f32 v50, v16  }
0x289: {  	v44 =	vadd.s32 s30, v20;
	[tilespmem:s28+$0xEF60] =	vst v0;
	v52 =	vor.u32 v52, v56;
	v56 =	vld [tilespmem:$0x1FFE0];
	v0 =	vadd.f32 v60, v53  }
0x28a: {  	v44 =	vand.u32 $0xFFFFFD78, v44;
	v51 =	vld.idx.msk [tilespmem:v51+s14+$0x0], $0xffff;
	v3 =	vadd.f32 v50, v3  }
0x28b: {  	v44 =	vor.u32 v55, v44;
	[tilespmem:s28+$0xEE70] =	vst v0;
	v0 =	vld [tilespmem:s28+$0x10F0]  }
0x28c: {  	[tilespmem:s28+$0xF0D0] =	vst v3;
	v3 =	vld [tilespmem:s28+$0x10E0]  }
0x28d: {  	v1 =	vmul.f32 v1, v11;
	v61 =	vmul.f32 v54, v16;
	v49 =	vld.idx.msk [tilespmem:v49+s14+$0x0], $0xffff  }
0x28e: {  	v34 =	vadd.s32 s0, v19;
	v41 =	vld.idx.msk [tilespmem:v41+s14+$0x0], $0xffff;
	v54 =	vor.u32 v56, v62;
	v2 =	vmul.f32 v2, v11  }
0x28f: {  	v62 =	vld.idx.msk [tilespmem:v52+s14+$0x0], $0xffff;
	v1 =	vadd.f32 v61, v1;
	v61 =	vand.u32 $0xFFFFFF78, v34;
	v51 =	vmul.f32 v51, v16  }
0x290: {  	v60 =	vadd.s32 s13, v19;
	v46 =	vmul.f32 v46, v16;
	v44 =	vld.idx.msk [tilespmem:v44+s14+$0x0], $0xffff;
	v47 =	vor.u32 v56, v61  }
0x291: {  	v61 =	vmul.f32 v57, v11;
	v57 =	vld [tilespmem:$0x1FFF0];
	v2 =	vadd.f32 v51, v2;
	v51 =	vand.u32 $0xFFFFFFF8, v60  }
0x292: {  	[tilespmem:s28+$0xEFE0] =	vst v1;
	v1 =	vld [tilespmem:s28+$0xFF0];
	v51 =	vor.u32 v56, v51;
	v3 =	vmul.f32 v3, v11;
	v49 =	vmul.f32 v49, v16  }
0x293: {  	v60 =	vld [tilespmem:$0x1FFC0]  }
0x294: {  	v46 =	vadd.f32 v46, v61;
	v61 =	vld [tilespmem:$0x1FFF0];
	v50 =	vmul.f32 v62, v16;
	v62 =	vadd.f32 v49, v3  }
0x295: {  	v54 =	vld.idx.msk [tilespmem:v54+s14+$0x0], $0xffff;
	[tilespmem:s28+$0xF060] =	vst v2  }
0x296: {  	v2 =	vld [tilespmem:s28+$0x1070];
	[tilespmem:s28+$0xF0E0] =	vst v62  }
0x297: {  	v35 =	vmul.f32 v35, v16;
	v36 =	vmul.f32 v36, v11;
	v48 =	vadd.s32 s29, v20;
	v51 =	vld.idx.msk [tilespmem:v51+s14+$0x0], $0xffff  }
0x298: {  	v37 =	vmul.f32 v37, v16;
	v48 =	vand.u32 $0xFFFFFDF8, v48;
	v58 =	vadd.s32 s31, v20;
	v47 =	vld.idx.msk [tilespmem:v47+s14+$0x0], $0xffff  }
0x299: {  	v45 =	vmul.f32 v45, v11;
	v58 =	vand.u32 $0xFFFFFE78, v58;
	v48 =	vor.u32 v57, v48;
	v57 =	vld [tilespmem:$0x1FFF0]  }
0x29a: {  	v55 =	vadd.s32 s0, v20;
	[tilespmem:s28+$0xEEF0] =	vst v46;
	v46 =	vld [tilespmem:s28+$0xF00];
	v1 =	vmul.f32 v1, v11;
	v62 =	vmul.f32 v54, v16  }
0x29b: {  	v52 =	vadd.s32 s2, v20;
	v45 =	vadd.f32 v50, v45;
	v34 =	vmul.f32 v60, v11;
	v60 =	vld [tilespmem:$0x1FFF0]  }
0x29c: {  	v49 =	vor.u32 v61, v58;
	v1 =	vadd.f32 v62, v1;
	v62 =	vmul.f32 v51, v16;
	v51 =	vld [tilespmem:$0x1FFF0]  }
0x29d: {  	v52 =	vand.u32 $0xFFFFFEF8, v52;
	v0 =	vmul.f32 v0, v11;
	v3 =	vld [tilespmem:s28+$0xE80];
	v58 =	vand.u32 $0xFFFFFF78, v55  }
0x29e: {  	[tilespmem:s28+$0xEF70] =	vst v45;
	v45 =	vld [tilespmem:s28+$0xF80];
	v2 =	vmul.f32 v2, v11;
	v52 =	vor.u32 v57, v52;
	v47 =	vmul.f32 v47, v16  }
0x29f: {  	v61 =	vadd.s32 s13, v20;
	v55 =	vmul.f32 v38, v11;
	v38 =	vld [tilespmem:s28+$0x1080];
	v34 =	vadd.f32 v35, v34  }
0x2a0: {  	v35 =	vld.idx.msk [tilespmem:v48+s14+$0x0], $0xffff;
	v48 =	vand.u32 $0xFFFFFFF8, v61;
	v2 =	vadd.f32 v47, v2;
	v47 =	vor.u32 v60, v58  }
0x2a1: {  	v54 =	vadd.f32 v37, v36;
	[tilespmem:s28+$0xE800] =	vst v34;
	v49 =	vld.idx.msk [tilespmem:v49+s14+$0x0], $0xffff;
	v48 =	vor.u32 v51, v48  }
0x2a2: {  	v41 =	vmul.f32 v41, v16;
	[tilespmem:s28+$0xEFF0] =	vst v1;
	v1 =	vld [tilespmem:s28+$0x1000]  }
0x2a3: {  	v57 =	vmul.f32 v39, v16;
	[tilespmem:s28+$0xE880] =	vst v54;
	v36 =	vld.idx.msk [tilespmem:v52+s14+$0x0], $0xffff;
	v0 =	vadd.f32 v62, v0  }
0x2a4: {  	v58 =	vmul.f32 v40, v11;
	v60 =	vmul.f32 v42, v16;
	[tilespmem:s28+$0xF070] =	vst v2;
	v62 =	vld [tilespmem:s28+$0x1100]  }
0x2a5: {  	v61 =	vmul.f32 v43, v11;
	v2 =	vadd.f32 v57, v55;
	v40 =	vld.idx.msk [tilespmem:v47+s14+$0x0], $0xffff;
	[tilespmem:s28+$0xF0F0] =	vst v0  }
0x2a6: {  	v3 =	vmul.f32 v3, v11;
	v34 =	vadd.f32 v60, v58;
	v47 =	vmul.f32 v44, v16;
	v50 =	vld.idx.msk [tilespmem:v48+s14+$0x0], $0xffff  }
0x2a7: {  	v53 =	vmul.f32 v46, v11;
	v52 =	vadd.f32 v41, v61;
	v35 =	vmul.f32 v35, v16;
	[tilespmem:s28+$0xE900] =	vst v2  }
0x2a8: {  	v54 =	vmul.f32 v45, v11;
	[tilespmem:s28+$0xED80] =	vst v34;
	v55 =	vmul.f32 v49, v16;
	v3 =	vadd.f32 v47, v3  }
0x2a9: {  	[tilespmem:s28+$0xEE00] =	vst v52;
	v57 =	vadd.f32 v35, v53;
	v1 =	vmul.f32 v1, v11;
	v58 =	vmul.f32 v36, v16  }
0x2aa: {  	p1 =	slt.u32 s26, $0x60;
	v60 =	vmul.f32 v38, v11;
	[tilespmem:s28+$0xEE80] =	vst v3;
	v3 =	vadd.f32 v55, v54;
	v61 =	vmul.f32 v40, v16  }
.Ltmp0:
0x2ab: {  	[tilespmem:s28+$0xEF00] =	vst v57;
	v0 =	vmul.f32 v62, v11;
	v1 =	vadd.f32 v58, v1;
	v62 =	vmul.f32 v50, v16;
	(pc) =	sbr.rel @p1 .LBB2_3-.Ltmp0, $4  }
0x2ac: {  	[tilespmem:s28+$0xEF80] =	vst v3;
	v3 =	vadd.f32 v61, v60  }
0x2ad: {  	[tilespmem:s28+$0xF000] =	vst v1;
	v0 =	vadd.f32 v62, v0  }
0x2ae: {  	s31 =	sadd.s32 $0x10, s26;
	[tilespmem:s28+$0xF080] =	vst v3  }
0x2af: {  	s26 =	smov.u32 s31;
	[tilespmem:s28+$0xF100] =	vst v0  }
0x2b0: {  	p1 =	sne.s32 s23, $0x14  }
.Ltmp1:
0x2b1: {  	s0 =	sadd.s32 s6, s25;
	(pc) =	sbr.rel @p1 .LBB2_6-.Ltmp1, $3  }
0x2b2: {  	s0 =	smul.u32 $0xE00, s0;
	_ =	sdelay $0x1  }
0x2b3: {  	s0 =	sadd.s32 s4, s0  }
0x2b4: {  	[hbm4b:s0+s5] =	stream.linear.scatter [tilespmem:s17], [sflag:$0x3], $0x7000, $0x38;
	[tilespmem:$0x1C110] =	vst v63  }
.Ltmp2:
0x2b5: {  	(pc) =	sbr.rel .LBB2_7-.Ltmp2, $4  }
0x2b6: {  	_ = 	snop  }
0x2b7: {  	_ =	swait.ge [sflag:s18], $0x7000  }
0x2b8: {  	[sflag:s18] =	ssyncset.done $0x0  }
0x2b9: {  	[sflag:s18] =	ssyncadd.s32 $0xFFFF9000  }
.LBB2_6:
0x2ba: {  	s0 =	sadd.s32 s25, s10  }
0x2bb: {  	s0 =	smul.u32 $0xE00, s0;
	_ =	sdelay $0x1  }
.Ltmp3:
0x2bc: {  	s0 =	sadd.s32 s1, s0;
	(pc) =	sbr.rel @p0 .LBB2_8-.Ltmp3, $4  }
0x2bd: {  	[tilespmem:s14], [sflag:$0x1] =	stream.linear.gather [hbm4b:s0+s5], $0x7000, $0x38;
	[tilespmem:$0x1C110] =	vst v63  }
0x2be: {  	_ =	swait.ge [sflag:s18], $0x7000  }
0x2bf: {  	[sflag:s18] =	ssyncset.done $0x0  }
0x2c0: {  	[sflag:s18] =	ssyncadd.s32 $0xFFFF9000  }
.LBB2_7:
0x2c1: {  	_ =	swait.ge [sflag:s19], $0x7000  }
0x2c2: {  	[sflag:s19] =	ssyncset.done $0x0  }
0x2c3: {  	[sflag:s19] =	ssyncadd.s32 $0xFFFF9000  }
.LBB2_8:
0x2c4: {  	s25 =	simm.s32 $0x0  }
.LBB2_9:
0x2c5: {  	s26 =	sshll.u32 s25, $0x8  }
0x2c6: {  	v0 =	vadd.s32 s26, v63  }
0x2c7: {  	v0 =	vand.u32 $0xFFFFFC78, v0  }
0x2c8: {  	v0 =	vor.u32 v21, v0;
	_ =	sdelay $0x3  }
0x2c9: {  	v1 =	vld [tilespmem:s26+$0x7110]  }
0x2ca: {  	v0 =	vld.idx.msk [tilespmem:v0+s15+$0x0], $0xffff;
	_ =	sdelay $0x2  }
0x2cb: {  	v2 =	vadd.s32 s26, v4  }
0x2cc: {  	v2 =	vand.u32 $0xFFFFFC78, v2  }
0x2cd: {  	v2 =	vor.u32 v22, v2;
	v1 =	vmul.f32 v1, v11;
	v0 =	vmul.f32 v0, v16;
	_ =	sdelay $0x1  }
0x2ce: {  	v0 =	vadd.f32 v0, v1;
	_ =	sdelay $0x1  }
0x2cf: {  	v40 =	vld [tilespmem:s26+$0x7120];
	[tilespmem:s26+$0x15110] =	vst v0  }
0x2d0: {  	v41 =	vld.idx.msk [tilespmem:v2+s15+$0x0], $0xffff;
	_ =	sdelay $0x2  }
0x2d1: {  	v42 =	vadd.s32 s26, v5  }
0x2d2: {  	v2 =	vand.u32 $0xFFFFFC78, v42  }
0x2d3: {  	v0 =	vmul.f32 v40, v11;
	v2 =	vor.u32 v23, v2;
	v1 =	vmul.f32 v41, v16;
	_ =	sdelay $0x1  }
0x2d4: {  	v0 =	vadd.f32 v1, v0;
	_ =	sdelay $0x1  }
0x2d5: {  	v43 =	vld [tilespmem:s26+$0x7130];
	[tilespmem:s26+$0x15120] =	vst v0  }
0x2d6: {  	v44 =	vld.idx.msk [tilespmem:v2+s15+$0x0], $0xffff;
	_ =	sdelay $0x2  }
0x2d7: {  	v45 =	vadd.s32 s26, v6  }
0x2d8: {  	v2 =	vand.u32 $0xFFFFFC78, v45  }
0x2d9: {  	v0 =	vmul.f32 v43, v11;
	v2 =	vor.u32 v24, v2;
	v1 =	vmul.f32 v44, v16;
	_ =	sdelay $0x1  }
0x2da: {  	v0 =	vadd.f32 v1, v0  }
0x2db: {  	s29 =	sor.u32 $0x80, s26  }
0x2dc: {  	v48 =	vadd.s32 s29, v63;
	[tilespmem:s26+$0x15130] =	vst v0  }
0x2dd: {  	v47 =	vld.idx.msk [tilespmem:v2+s15+$0x0], $0xffff;
	v2 =	vand.u32 $0xFFFFFCF8, v48  }
0x2de: {  	v46 =	vld [tilespmem:s26+$0x7140];
	v2 =	vor.u32 v21, v2;
	_ =	sdelay $0x2  }
0x2df: {  	v3 =	vadd.s32 s26, v7  }
0x2e0: {  	v34 =	vld [tilespmem:s26+$0x7190];
	v3 =	vand.u32 $0xFFFFFC78, v3  }
0x2e1: {  	v3 =	vor.u32 v25, v3;
	v0 =	vmul.f32 v46, v11;
	v1 =	vmul.f32 v47, v16;
	v50 =	vld.idx.msk [tilespmem:v2+s15+$0x0], $0xffff;
	_ =	sdelay $0x1  }
0x2e2: {  	v0 =	vadd.f32 v1, v0  }
0x2e3: {  	v35 =	vadd.s32 s29, v4  }
0x2e4: {  	v49 =	vld [tilespmem:s26+$0x7150];
	v35 =	vand.u32 $0xFFFFFCF8, v35;
	[tilespmem:s26+$0x15140] =	vst v0  }
0x2e5: {  	v35 =	vor.u32 v22, v35;
	v34 =	vmul.f32 v34, v11;
	v52 =	vld.idx.msk [tilespmem:v3+s15+$0x0], $0xffff;
	v0 =	vmul.f32 v50, v16;
	_ =	sdelay $0x1  }
0x2e6: {  	v0 =	vadd.f32 v0, v34  }
0x2e7: {  	v3 =	vadd.s32 s26, v8  }
0x2e8: {  	v54 =	vld [tilespmem:s26+$0x71A0];
	v3 =	vand.u32 $0xFFFFFC78, v3;
	[tilespmem:s26+$0x15190] =	vst v0  }
0x2e9: {  	v1 =	vmul.f32 v49, v11;
	v3 =	vor.u32 v26, v3;
	v2 =	vmul.f32 v52, v16;
	v55 =	vld.idx.msk [tilespmem:v35+s15+$0x0], $0xffff;
	_ =	sdelay $0x1  }
0x2ea: {  	v1 =	vadd.f32 v2, v1  }
0x2eb: {  	v58 =	vadd.s32 s29, v5  }
0x2ec: {  	v53 =	vld [tilespmem:s26+$0x7160];
	v35 =	vand.u32 $0xFFFFFCF8, v58;
	[tilespmem:s26+$0x15150] =	vst v1  }
0x2ed: {  	v0 =	vmul.f32 v54, v11;
	v35 =	vor.u32 v23, v35;
	v3 =	vld.idx.msk [tilespmem:v3+s15+$0x0], $0xffff;
	v1 =	vmul.f32 v55, v16;
	_ =	sdelay $0x1  }
0x2ee: {  	v0 =	vadd.f32 v1, v0  }
0x2ef: {  	v57 =	vadd.s32 s26, v9  }
0x2f0: {  	v62 =	vld [tilespmem:s26+$0x71B0];
	v34 =	vand.u32 $0xFFFFFC78, v57;
	[tilespmem:s26+$0x151A0] =	vst v0  }
0x2f1: {  	v34 =	vor.u32 v27, v34;
	v2 =	vmul.f32 v53, v11;
	v3 =	vmul.f32 v3, v16;
	v36 =	vld.idx.msk [tilespmem:v35+s15+$0x0], $0xffff;
	_ =	sdelay $0x1  }
0x2f2: {  	v60 =	vadd.f32 v3, v2  }
0x2f3: {  	v38 =	vadd.s32 s29, v6  }
0x2f4: {  	v61 =	vld [tilespmem:s26+$0x7170];
	v35 =	vand.u32 $0xFFFFFCF8, v38;
	[tilespmem:s26+$0x15160] =	vst v60  }
0x2f5: {  	s2 =	sor.u32 $0x100, s26;
	v0 =	vmul.f32 v62, v11;
	v35 =	vor.u32 v24, v35;
	v3 =	vld.idx.msk [tilespmem:v34+s15+$0x0], $0xffff;
	v1 =	vmul.f32 v36, v16  }
0x2f6: {  	v36 =	vadd.s32 s2, v63  }
0x2f7: {  	s3 =	sor.u32 $0x180, s26;
	v39 =	vand.u32 $0xFFFFFD78, v36;
	v0 =	vadd.f32 v1, v0  }
0x2f8: {  	v37 =	vadd.s32 s26, v10;
	v41 =	vadd.s32 s3, v63;
	v1 =	vor.u32 v21, v39  }
0x2f9: {  	v40 =	vld [tilespmem:s26+$0x71C0];
	v43 =	vand.u32 $0xFFFFFDF8, v41;
	v34 =	vand.u32 $0xFFFFFC78, v37;
	[tilespmem:s26+$0x151B0] =	vst v0  }
0x2fa: {  	s0 =	sor.u32 $0x200, s26;
	v2 =	vmul.f32 v61, v11;
	v34 =	vor.u32 v28, v34;
	v3 =	vmul.f32 v3, v16;
	v42 =	vld.idx.msk [tilespmem:v35+s15+$0x0], $0xffff  }
0x2fb: {  	v44 =	vld [tilespmem:s26+$0x7210];
	v37 =	vadd.s32 s0, v63;
	v35 =	vor.u32 v21, v43  }
0x2fc: {  	v37 =	vand.u32 $0xFFFFFE78, v37;
	v39 =	vld [tilespmem:s26+$0x7290];
	v2 =	vadd.f32 v3, v2  }
0x2fd: {  	v38 =	vadd.s32 s29, v7;
	v37 =	vor.u32 v21, v37;
	v1 =	vld.idx.msk [tilespmem:v1+s15+$0x0], $0xffff  }
0x2fe: {  	v41 =	vadd.s32 s2, v4;
	v38 =	vand.u32 $0xFFFFFCF8, v38;
	v3 =	vld [tilespmem:s26+$0x7180];
	[tilespmem:s26+$0x15170] =	vst v2  }
0x2ff: {  	v38 =	vor.u32 v25, v38;
	v0 =	vmul.f32 v40, v11;
	v34 =	vld.idx.msk [tilespmem:v34+s15+$0x0], $0xffff;
	v2 =	vmul.f32 v42, v16  }
0x300: {  	v41 =	vand.u32 $0xFFFFFD78, v41;
	v35 =	vld.idx.msk [tilespmem:v35+s15+$0x0], $0xffff  }
0x301: {  	v45 =	vld [tilespmem:s26+$0x71D0];
	v41 =	vor.u32 v22, v41;
	v0 =	vadd.f32 v2, v0  }
0x302: {  	v46 =	vadd.s32 s3, v4;
	v36 =	vmul.f32 v44, v11;
	v37 =	vld.idx.msk [tilespmem:v37+s15+$0x0], $0xffff;
	v1 =	vmul.f32 v1, v16  }
0x303: {  	v50 =	vadd.s32 s29, v8;
	v40 =	vadd.s32 s26, v12;
	v42 =	vld [tilespmem:s26+$0x7310];
	v3 =	vmul.f32 v3, v11;
	[tilespmem:s26+$0x151C0] =	vst v0  }
0x304: {  	v34 =	vmul.f32 v34, v16;
	v1 =	vadd.f32 v1, v36;
	v0 =	vand.u32 $0xFFFFFDF8, v46;
	v47 =	vld.idx.msk [tilespmem:v38+s15+$0x0], $0xffff  }
0x305: {  	v49 =	vmul.f32 v39, v11;
	v35 =	vmul.f32 v35, v16;
	v0 =	vor.u32 v22, v0  }
0x306: {  	v52 =	vld [tilespmem:s26+$0x7220];
	v40 =	vand.u32 $0xFFFFFC78, v40;
	v43 =	vadd.s32 s0, v4;
	v3 =	vadd.f32 v34, v3;
	[tilespmem:s26+$0x15210] =	vst v1  }
0x307: {  	v54 =	vand.u32 $0xFFFFFE78, v43;
	v37 =	vmul.f32 v37, v16;
	v53 =	vld.idx.msk [tilespmem:v41+s15+$0x0], $0xffff;
	v35 =	vadd.f32 v35, v49  }
0x308: {  	v48 =	vld [tilespmem:s26+$0x7510];
	v55 =	vmul.f32 v42, v11;
	v38 =	vor.u32 v22, v54;
	[tilespmem:s26+$0x15180] =	vst v3;
	v3 =	vand.u32 $0xFFFFFCF8, v50  }
0x309: {  	v57 =	vld [tilespmem:s26+$0x72A0];
	v2 =	vmul.f32 v45, v11;
	v3 =	vor.u32 v26, v3;
	[tilespmem:s26+$0x15290] =	vst v35;
	v34 =	vmul.f32 v47, v16  }
0x30a: {  	v58 =	vadd.s32 s2, v5;
	v40 =	vor.u32 v29, v40;
	v37 =	vadd.f32 v37, v55;
	v0 =	vld.idx.msk [tilespmem:v0+s15+$0x0], $0xffff  }
0x30b: {  	v62 =	vld [tilespmem:s26+$0x7320];
	v61 =	vand.u32 $0xFFFFFD78, v58;
	v2 =	vadd.f32 v34, v2  }
0x30c: {  	v60 =	vld [tilespmem:s26+$0x71E0];
	v1 =	vmul.f32 v52, v11;
	v41 =	vor.u32 v23, v61;
	[tilespmem:s26+$0x15310] =	vst v37;
	v39 =	vmul.f32 v53, v16  }
0x30d: {  	v45 =	vadd.s32 s3, v5;
	v38 =	vld.idx.msk [tilespmem:v38+s15+$0x0], $0xffff;
	[tilespmem:s26+$0x151D0] =	vst v2  }
0x30e: {  	v1 =	vadd.f32 v39, v1;
	v2 =	vand.u32 $0xFFFFFDF8, v45;
	v3 =	vld.idx.msk [tilespmem:v3+s15+$0x0], $0xffff  }
0x30f: {  	v40 =	vld.idx.msk [tilespmem:v40+s15+$0x0], $0xffff;
	v35 =	vmul.f32 v57, v11;
	v0 =	vmul.f32 v0, v16;
	v2 =	vor.u32 v23, v2  }
0x310: {  	v36 =	vmul.f32 v48, v11;
	v48 =	vld [tilespmem:s26+$0x7230];
	v49 =	vadd.s32 s0, v5;
	[tilespmem:s26+$0x15220] =	vst v1  }
0x311: {  	v54 =	vadd.s32 s2, v6;
	v50 =	vand.u32 $0xFFFFFE78, v49;
	v41 =	vld.idx.msk [tilespmem:v41+s15+$0x0], $0xffff;
	v0 =	vadd.f32 v0, v35  }
0x312: {  	v37 =	vmul.f32 v62, v11;
	v38 =	vmul.f32 v38, v16;
	v35 =	vor.u32 v23, v50  }
0x313: {  	v52 =	vld [tilespmem:s26+$0x72B0];
	v47 =	vadd.s32 s29, v9;
	v34 =	vmul.f32 v60, v11;
	[tilespmem:s26+$0x152A0] =	vst v0;
	v3 =	vmul.f32 v3, v16  }
0x314: {  	v46 =	vmul.f32 v40, v16;
	v40 =	vand.u32 $0xFFFFFCF8, v47;
	v37 =	vadd.f32 v38, v37;
	v2 =	vld.idx.msk [tilespmem:v2+s15+$0x0], $0xffff  }
0x315: {  	v58 =	vand.u32 $0xFFFFFD78, v54;
	v40 =	vor.u32 v27, v40;
	v3 =	vadd.f32 v3, v34  }
0x316: {  	v42 =	vor.u32 v24, v58;
	v60 =	vld [tilespmem:s26+$0x7330];
	v1 =	vmul.f32 v48, v11;
	[tilespmem:s26+$0x15320] =	vst v37;
	v41 =	vmul.f32 v41, v16  }
0x317: {  	v35 =	vld.idx.msk [tilespmem:v35+s15+$0x0], $0xffff;
	[tilespmem:s26+$0x151E0] =	vst v3;
	v3 =	vadd.s32 s3, v6  }
0x318: {  	v57 =	vld [tilespmem:s26+$0x71F0];
	v36 =	vadd.f32 v46, v36;
	v1 =	vadd.f32 v41, v1;
	v3 =	vand.u32 $0xFFFFFDF8, v3  }
0x319: {  	v46 =	vld [tilespmem:s26+$0x7240];
	v0 =	vmul.f32 v52, v11;
	v2 =	vmul.f32 v2, v16;
	v3 =	vor.u32 v24, v3  }
0x31a: {  	v53 =	vadd.s32 s26, v13;
	v47 =	vadd.s32 s0, v6;
	v61 =	vld.idx.msk [tilespmem:v40+s15+$0x0], $0xffff;
	[tilespmem:s26+$0x15230] =	vst v1  }
0x31b: {  	v55 =	vand.u32 $0xFFFFFC78, v53;
	v50 =	vand.u32 $0xFFFFFE78, v47;
	v49 =	vld.idx.msk [tilespmem:v42+s15+$0x0], $0xffff;
	v0 =	vadd.f32 v2, v0  }
0x31c: {  	v62 =	vld [tilespmem:s26+$0x7520];
	v37 =	vmul.f32 v60, v11;
	v35 =	vmul.f32 v35, v16;
	v2 =	vor.u32 v24, v50  }
0x31d: {  	v38 =	vor.u32 v30, v55;
	v52 =	vld [tilespmem:s26+$0x72C0];
	[tilespmem:s26+$0x152B0] =	vst v0  }
0x31e: {  	v53 =	vadd.s32 s2, v7;
	v45 =	vadd.s32 s29, v10;
	v35 =	vadd.f32 v35, v37;
	v3 =	vld.idx.msk [tilespmem:v3+s15+$0x0], $0xffff  }
0x31f: {  	v34 =	vmul.f32 v57, v11;
	v57 =	vand.u32 $0xFFFFFD78, v53;
	v39 =	vmul.f32 v61, v16  }
0x320: {  	v58 =	vld [tilespmem:s26+$0x7340];
	v40 =	vor.u32 v25, v57;
	v1 =	vmul.f32 v46, v11;
	[tilespmem:s26+$0x15330] =	vst v35;
	v41 =	vmul.f32 v49, v16  }
0x321: {  	v54 =	vmul.f32 v62, v11;
	v48 =	vand.u32 $0xFFFFFCF8, v45;
	[tilespmem:s26+$0x15510] =	vst v36;
	v34 =	vadd.f32 v39, v34;
	v2 =	vld.idx.msk [tilespmem:v2+s15+$0x0], $0xffff  }
0x322: {  	v36 =	vor.u32 v28, v48;
	v38 =	vld.idx.msk [tilespmem:v38+s15+$0x0], $0xffff;
	v61 =	vadd.s32 s3, v7;
	v1 =	vadd.f32 v41, v1  }
0x323: {  	v45 =	vld [tilespmem:s26+$0x7250];
	v0 =	vmul.f32 v52, v11;
	[tilespmem:s26+$0x151F0] =	vst v34;
	v34 =	vand.u32 $0xFFFFFDF8, v61;
	v3 =	vmul.f32 v3, v16  }
0x324: {  	v55 =	vld [tilespmem:s26+$0x7200];
	v60 =	vadd.s32 s26, v14;
	v46 =	vadd.s32 s0, v7;
	v34 =	vor.u32 v25, v34;
	[tilespmem:s26+$0x15240] =	vst v1  }
0x325: {  	v42 =	vand.u32 $0xFFFFFC78, v60;
	v40 =	vld.idx.msk [tilespmem:v40+s15+$0x0], $0xffff;
	v0 =	vadd.f32 v3, v0;
	v3 =	vand.u32 $0xFFFFFE78, v46  }
0x326: {  	v48 =	vld [tilespmem:s26+$0x7530];
	v35 =	vmul.f32 v58, v11;
	v2 =	vmul.f32 v2, v16;
	v3 =	vor.u32 v25, v3  }
0x327: {  	v47 =	vadd.s32 s29, v12;
	v38 =	vmul.f32 v38, v16;
	v62 =	vor.u32 v31, v42;
	v36 =	vld.idx.msk [tilespmem:v36+s15+$0x0], $0xffff  }
0x328: {  	v42 =	vand.u32 $0xFFFFFCF8, v47;
	v52 =	vadd.s32 s2, v8;
	v49 =	vld [tilespmem:s26+$0x72D0];
	v2 =	vadd.f32 v2, v35;
	[tilespmem:s26+$0x152C0] =	vst v0  }
0x329: {  	v37 =	vadd.f32 v38, v54;
	v54 =	vand.u32 $0xFFFFFD78, v52;
	v39 =	vmul.f32 v55, v11;
	v34 =	vld.idx.msk [tilespmem:v34+s15+$0x0], $0xffff  }
0x32a: {  	v57 =	vld [tilespmem:s26+$0x7350];
	v38 =	vor.u32 v26, v54;
	v1 =	vmul.f32 v45, v11;
	[tilespmem:s26+$0x15340] =	vst v2;
	v55 =	vmul.f32 v40, v16  }
0x32b: {  	v50 =	vor.u32 v29, v42;
	[tilespmem:s26+$0x15520] =	vst v37;
	v58 =	vadd.s32 s3, v8;
	v3 =	vld.idx.msk [tilespmem:v3+s15+$0x0], $0xffff  }
0x32c: {  	v53 =	vld.idx.msk [tilespmem:v62+s15+$0x0], $0xffff;
	v62 =	vadd.s32 s26, v15;
	v36 =	vmul.f32 v36, v16;
	v1 =	vadd.f32 v55, v1  }
0x32d: {  	v61 =	vand.u32 $0xFFFFFDF8, v58;
	v46 =	vadd.s32 s0, v8;
	v0 =	vmul.f32 v49, v11  }
0x32e: {  	v45 =	vld [tilespmem:s26+$0x7260];
	v36 =	vadd.f32 v36, v39;
	v39 =	vor.u32 v26, v61;
	v34 =	vmul.f32 v34, v16;
	[tilespmem:s26+$0x15250] =	vst v1  }
0x32f: {  	v41 =	vmul.f32 v48, v11;
	v47 =	vand.u32 $0xFFFFFE78, v46;
	v2 =	vmul.f32 v57, v11;
	v38 =	vld.idx.msk [tilespmem:v38+s15+$0x0], $0xffff  }
0x330: {  	v60 =	vld [tilespmem:s26+$0x7590];
	[tilespmem:s26+$0x15200] =	vst v36;
	v0 =	vadd.f32 v34, v0;
	v34 =	vor.u32 v26, v47;
	v3 =	vmul.f32 v3, v16  }
0x331: {  	v35 =	vmul.f32 v53, v16;
	v49 =	vadd.s32 s29, v13;
	v40 =	vand.u32 $0xFFFFFC78, v62;
	v37 =	vld.idx.msk [tilespmem:v50+s15+$0x0], $0xffff  }
0x332: {  	v48 =	vld [tilespmem:s26+$0x72E0];
	v40 =	vor.u32 v32, v40;
	v50 =	vadd.s32 s2, v9;
	[tilespmem:s26+$0x152D0] =	vst v0;
	v2 =	vadd.f32 v3, v2  }
0x333: {  	v35 =	vadd.f32 v35, v41;
	v41 =	vand.u32 $0xFFFFFCF8, v49;
	v42 =	vand.u32 $0xFFFFFD78, v50;
	v39 =	vld.idx.msk [tilespmem:v39+s15+$0x0], $0xffff  }
0x334: {  	v52 =	vld [tilespmem:s26+$0x7360];
	v1 =	vmul.f32 v45, v11;
	v42 =	vor.u32 v27, v42;
	v38 =	vmul.f32 v38, v16;
	[tilespmem:s26+$0x15350] =	vst v2  }
0x335: {  	v54 =	vadd.s32 s3, v9;
	v53 =	vor.u32 v30, v41;
	v34 =	vld.idx.msk [tilespmem:v34+s15+$0x0], $0xffff  }
0x336: {  	v58 =	vld [tilespmem:s26+$0x7270];
	[tilespmem:s26+$0x15530] =	vst v35;
	v36 =	vmul.f32 v60, v11;
	v37 =	vmul.f32 v37, v16;
	v1 =	vadd.f32 v38, v1  }
0x337: {  	v55 =	vand.u32 $0xFFFFFDF8, v54;
	v60 =	vadd.s32 s0, v9;
	v40 =	vld.idx.msk [tilespmem:v40+s15+$0x0], $0xffff;
	v0 =	vmul.f32 v48, v11  }
0x338: {  	v57 =	vld [tilespmem:s26+$0x75A0];
	v36 =	vadd.f32 v37, v36;
	v37 =	vor.u32 v27, v55;
	v39 =	vmul.f32 v39, v16;
	[tilespmem:s26+$0x15260] =	vst v1  }
0x339: {  	v45 =	vand.u32 $0xFFFFFE78, v60;
	v2 =	vmul.f32 v52, v11;
	v62 =	vld.idx.msk [tilespmem:v42+s15+$0x0], $0xffff  }
0x33a: {  	v47 =	vld [tilespmem:s26+$0x72F0];
	v0 =	vadd.f32 v39, v0;
	v39 =	vor.u32 v27, v45;
	v34 =	vmul.f32 v34, v16  }
0x33b: {  	v61 =	vadd.s32 s26, v17;
	v3 =	vld [tilespmem:s26+$0x7540];
	[tilespmem:s26+$0x15590] =	vst v36  }
0x33c: {  	v46 =	vand.u32 $0xFFFFFC78, v61;
	v48 =	vadd.s32 s2, v10;
	v35 =	vld.idx.msk [tilespmem:v53+s15+$0x0], $0xffff;
	[tilespmem:s26+$0x152E0] =	vst v0;
	v2 =	vadd.f32 v34, v2  }
0x33d: {  	v41 =	vor.u32 v33, v46;
	v54 =	vadd.s32 s3, v10;
	v50 =	vand.u32 $0xFFFFFD78, v48;
	v37 =	vld.idx.msk [tilespmem:v37+s15+$0x0], $0xffff  }
0x33e: {  	s28 =	sor.u32 $0x280, s26;
	v52 =	vld [tilespmem:s26+$0x7370];
	v38 =	vor.u32 v28, v50;
	v1 =	vmul.f32 v58, v11;
	v36 =	vmul.f32 v62, v16;
	[tilespmem:s26+$0x15360] =	vst v2  }
0x33f: {  	v49 =	vmul.f32 v57, v11;
	v48 =	vadd.s32 s28, v63;
	v40 =	vmul.f32 v40, v16;
	v39 =	vld.idx.msk [tilespmem:v39+s15+$0x0], $0xffff  }
0x340: {  	v3 =	vmul.f32 v3, v11;
	v58 =	vadd.s32 s0, v10;
	v1 =	vadd.f32 v36, v1  }
0x341: {  	v44 =	vld [tilespmem:s26+$0x7390];
	v55 =	vand.u32 $0xFFFFFDF8, v54;
	v61 =	vand.u32 $0xFFFFFE78, v58;
	v35 =	vmul.f32 v35, v16  }
0x342: {  	v57 =	vld [tilespmem:s26+$0x7280];
	v3 =	vadd.f32 v40, v3;
	v0 =	vmul.f32 v47, v11;
	v37 =	vmul.f32 v37, v16;
	[tilespmem:s26+$0x15270] =	vst v1  }
0x343: {  	v34 =	vadd.f32 v35, v49;
	v2 =	vmul.f32 v52, v11;
	v36 =	vor.u32 v28, v55;
	v60 =	vld.idx.msk [tilespmem:v38+s15+$0x0], $0xffff  }
0x344: {  	[tilespmem:s26+$0x15540] =	vst v3;
	v3 =	vld [tilespmem:s26+$0x7550];
	v0 =	vadd.f32 v37, v0;
	v37 =	vor.u32 v28, v61;
	v39 =	vmul.f32 v39, v16  }
0x345: {  	v54 =	vadd.s32 s3, v12;
	v50 =	vand.u32 $0xFFFFFEF8, v48;
	v41 =	vld.idx.msk [tilespmem:v41+s15+$0x0], $0xffff;
	v49 =	vadd.s32 s2, v12  }
0x346: {  	v53 =	vadd.s32 s29, v14;
	v47 =	vld [tilespmem:s26+$0x7300];
	[tilespmem:s26+$0x155A0] =	vst v34;
	v34 =	vand.u32 $0xFFFFFD78, v49;
	v2 =	vadd.f32 v39, v2  }
0x347: {  	v40 =	vand.u32 $0xFFFFFCF8, v53;
	v52 =	vld [tilespmem:s26+$0x7380];
	v34 =	vor.u32 v29, v34;
	[tilespmem:s26+$0x152F0] =	vst v0;
	v39 =	vor.u32 v21, v50  }
0x348: {  	v53 =	vadd.s32 s26, v18;
	v1 =	vmul.f32 v57, v11;
	v36 =	vld.idx.msk [tilespmem:v36+s15+$0x0], $0xffff;
	v35 =	vmul.f32 v60, v16;
	[tilespmem:s26+$0x15370] =	vst v2  }
0x349: {  	v43 =	vand.u32 $0xFFFFFDF8, v54;
	v40 =	vor.u32 v31, v40;
	v42 =	vand.u32 $0xFFFFFC78, v53;
	v37 =	vld.idx.msk [tilespmem:v37+s15+$0x0], $0xffff  }
0x34a: {  	v62 =	vld [tilespmem:s26+$0x75B0];
	v3 =	vmul.f32 v3, v11;
	v41 =	vmul.f32 v41, v16;
	v1 =	vadd.f32 v35, v1  }
0x34b: {  	v43 =	vor.u32 v29, v43;
	v45 =	vadd.s32 s28, v4;
	v55 =	vld [tilespmem:s26+$0x7610];
	v57 =	vor.u32 v59, v42  }
0x34c: {  	v58 =	vadd.s32 s0, v12;
	v48 =	vand.u32 $0xFFFFFEF8, v45;
	v3 =	vadd.f32 v41, v3;
	[tilespmem:s26+$0x15280] =	vst v1;
	v39 =	vld.idx.msk [tilespmem:v39+s15+$0x0], $0xffff  }
0x34d: {  	v0 =	vmul.f32 v47, v11;
	v36 =	vmul.f32 v36, v16;
	v1 =	vand.u32 $0xFFFFFE78, v58;
	v34 =	vld.idx.msk [tilespmem:v34+s15+$0x0], $0xffff  }
0x34e: {  	v40 =	vld.idx.msk [tilespmem:v40+s15+$0x0], $0xffff;
	v2 =	vmul.f32 v52, v11;
	v1 =	vor.u32 v29, v1;
	v37 =	vmul.f32 v37, v16  }
0x34f: {  	v49 =	vmul.f32 v44, v11;
	v61 =	vld [tilespmem:s26+$0x7690];
	[tilespmem:s26+$0x15550] =	vst v3;
	v60 =	vadd.s32 s2, v13;
	v0 =	vadd.f32 v36, v0  }
0x350: {  	v38 =	vmul.f32 v62, v11;
	v41 =	vld.idx.msk [tilespmem:v57+s15+$0x0], $0xffff;
	v3 =	vand.u32 $0xFFFFFD78, v60;
	v2 =	vadd.f32 v37, v2  }
0x351: {  	v50 =	vld [tilespmem:s26+$0x7710];
	v35 =	vmul.f32 v55, v11;
	[tilespmem:s26+$0x15300] =	vst v0;
	v39 =	vmul.f32 v39, v16;
	v37 =	vor.u32 v22, v48  }
0x352: {  	v3 =	vor.u32 v30, v3;
	v62 =	vld.idx.msk [tilespmem:v43+s15+$0x0], $0xffff;
	v34 =	vmul.f32 v34, v16;
	[tilespmem:s26+$0x15380] =	vst v2  }
0x353: {  	v39 =	vadd.f32 v39, v49;
	v1 =	vld.idx.msk [tilespmem:v1+s15+$0x0], $0xffff  }
0x354: {  	v53 =	vadd.s32 s3, v13;
	v40 =	vmul.f32 v40, v16;
	v55 =	vld [tilespmem:s26+$0x7620];
	v34 =	vadd.f32 v34, v35  }
0x355: {  	v57 =	vand.u32 $0xFFFFFDF8, v53;
	v58 =	vld [tilespmem:s26+$0x73A0];
	[tilespmem:s26+$0x15390] =	vst v39  }
0x356: {  	v44 =	vor.u32 v30, v57;
	v38 =	vadd.f32 v40, v38;
	v60 =	vadd.s32 s0, v13;
	[tilespmem:s26+$0x15610] =	vst v34;
	v37 =	vld.idx.msk [tilespmem:v37+s15+$0x0], $0xffff  }
0x357: {  	v0 =	vmul.f32 v61, v11;
	v42 =	vmul.f32 v62, v16;
	v34 =	vand.u32 $0xFFFFFE78, v60;
	v3 =	vld.idx.msk [tilespmem:v3+s15+$0x0], $0xffff  }
0x358: {  	v2 =	vmul.f32 v50, v11;
	v34 =	vor.u32 v30, v34;
	v1 =	vmul.f32 v1, v16  }
0x359: {  	v52 =	vadd.s32 s29, v15;
	v48 =	vadd.s32 s28, v5;
	v0 =	vadd.f32 v42, v0  }
0x35a: {  	v53 =	vld [tilespmem:s26+$0x7720];
	v54 =	vand.u32 $0xFFFFFCF8, v52;
	v52 =	vand.u32 $0xFFFFFEF8, v48;
	v1 =	vadd.f32 v1, v2  }
0x35b: {  	v39 =	vmul.f32 v58, v11;
	v62 =	vld [tilespmem:s26+$0x76A0];
	[tilespmem:s26+$0x15690] =	vst v0;
	v37 =	vmul.f32 v37, v16;
	v2 =	vor.u32 v23, v52  }
0x35c: {  	v61 =	vadd.s32 s2, v14;
	v35 =	vmul.f32 v55, v11;
	v50 =	vld.idx.msk [tilespmem:v44+s15+$0x0], $0xffff;
	v3 =	vmul.f32 v3, v16;
	[tilespmem:s26+$0x15710] =	vst v1  }
0x35d: {  	v43 =	vor.u32 v32, v54;
	v49 =	vand.u32 $0xFFFFFD78, v61;
	v37 =	vadd.f32 v37, v39;
	v34 =	vld.idx.msk [tilespmem:v34+s15+$0x0], $0xffff  }
0x35e: {  	v40 =	vld [tilespmem:s26+$0x75C0];
	[tilespmem:s26+$0x155B0] =	vst v38;
	v54 =	vadd.s32 s3, v14;
	v38 =	vor.u32 v31, v49;
	v3 =	vadd.f32 v3, v35  }
0x35f: {  	v58 =	vand.u32 $0xFFFFFDF8, v54;
	v60 =	vld [tilespmem:s26+$0x73B0];
	[tilespmem:s26+$0x153A0] =	vst v37  }
0x360: {  	v55 =	vmul.f32 v41, v16;
	v41 =	vor.u32 v31, v58;
	[tilespmem:s26+$0x15620] =	vst v3;
	v3 =	vadd.s32 s0, v14;
	v2 =	vld.idx.msk [tilespmem:v2+s15+$0x0], $0xffff  }
0x361: {  	v36 =	vld [tilespmem:s26+$0x7560];
	v0 =	vmul.f32 v62, v11;
	v42 =	vmul.f32 v50, v16;
	v3 =	vand.u32 $0xFFFFFE78, v3  }
0x362: {  	v57 =	vld [tilespmem:s26+$0x7630];
	v1 =	vmul.f32 v53, v11;
	v3 =	vor.u32 v31, v3;
	v34 =	vmul.f32 v34, v16  }
0x363: {  	v48 =	vadd.s32 s28, v6;
	v38 =	vld.idx.msk [tilespmem:v38+s15+$0x0], $0xffff;
	v0 =	vadd.f32 v42, v0  }
0x364: {  	v46 =	vadd.s32 s28, v7;
	v49 =	vand.u32 $0xFFFFFEF8, v48;
	v62 =	vld [tilespmem:s26+$0x76B0];
	v1 =	vadd.f32 v34, v1  }
0x365: {  	v37 =	vmul.f32 v60, v11;
	v50 =	vld [tilespmem:s26+$0x7730];
	[tilespmem:s26+$0x156A0] =	vst v0;
	v2 =	vmul.f32 v2, v16;
	v34 =	vor.u32 v24, v49  }
0x366: {  	v36 =	vmul.f32 v36, v11;
	v61 =	vadd.s32 s2, v15;
	v52 =	vadd.s32 s29, v17;
	v41 =	vld.idx.msk [tilespmem:v41+s15+$0x0], $0xffff;
	[tilespmem:s26+$0x15720] =	vst v1  }
0x367: {  	v53 =	vadd.s32 s3, v15;
	v42 =	vand.u32 $0xFFFFFD78, v61;
	v2 =	vadd.f32 v2, v37;
	v3 =	vld.idx.msk [tilespmem:v3+s15+$0x0], $0xffff  }
0x368: {  	v43 =	vld.idx.msk [tilespmem:v43+s15+$0x0], $0xffff;
	v35 =	vmul.f32 v57, v11;
	v42 =	vor.u32 v32, v42;
	v38 =	vmul.f32 v38, v16  }
0x369: {  	v36 =	vadd.f32 v55, v36;
	v58 =	vld [tilespmem:s26+$0x73C0];
	v54 =	vand.u32 $0xFFFFFCF8, v52;
	v57 =	vand.u32 $0xFFFFFDF8, v53;
	[tilespmem:s26+$0x153B0] =	vst v2  }
0x36a: {  	v39 =	vmul.f32 v40, v11;
	v44 =	vor.u32 v32, v57;
	v35 =	vadd.f32 v38, v35;
	v34 =	vld.idx.msk [tilespmem:v34+s15+$0x0], $0xffff  }
0x36b: {  	v48 =	vld [tilespmem:s26+$0x75D0];
	v61 =	vadd.s32 s0, v15;
	v0 =	vmul.f32 v62, v11;
	v41 =	vmul.f32 v41, v16  }
0x36c: {  	v55 =	vld [tilespmem:s26+$0x7640];
	v1 =	vmul.f32 v50, v11;
	[tilespmem:s26+$0x15630] =	vst v35;
	v35 =	vand.u32 $0xFFFFFE78, v61;
	v3 =	vmul.f32 v3, v16  }
0x36d: {  	v40 =	vmul.f32 v43, v16;
	v62 =	vld.idx.msk [tilespmem:v42+s15+$0x0], $0xffff;
	v35 =	vor.u32 v32, v35;
	v0 =	vadd.f32 v41, v0  }
0x36e: {  	v52 =	vld [tilespmem:s26+$0x76C0];
	v37 =	vor.u32 v33, v54;
	v1 =	vadd.f32 v3, v1;
	v3 =	vand.u32 $0xFFFFFEF8, v46  }
0x36f: {  	v54 =	vld [tilespmem:s26+$0x7740];
	v2 =	vmul.f32 v58, v11;
	[tilespmem:s26+$0x156B0] =	vst v0;
	v34 =	vmul.f32 v34, v16;
	v3 =	vor.u32 v25, v3  }
0x370: {  	v60 =	vadd.s32 s26, v19;
	v39 =	vadd.f32 v40, v39;
	v50 =	vadd.s32 s2, v17;
	v44 =	vld.idx.msk [tilespmem:v44+s15+$0x0], $0xffff  }
0x371: {  	v57 =	vmul.f32 v48, v11;
	v53 =	vand.u32 $0xFFFFFD78, v50;
	v61 =	vld [tilespmem:s26+$0x73D0];
	[tilespmem:s26+$0x15730] =	vst v1;
	v2 =	vadd.f32 v34, v2  }
0x372: {  	[tilespmem:s26+$0x155C0] =	vst v39;
	v38 =	vmul.f32 v55, v11;
	v55 =	vadd.s32 s3, v17;
	v40 =	vmul.f32 v62, v16;
	v35 =	vld.idx.msk [tilespmem:v35+s15+$0x0], $0xffff  }
0x373: {  	v49 =	vand.u32 $0xFFFFFC78, v60;
	v39 =	vor.u32 v33, v53;
	v60 =	vand.u32 $0xFFFFFDF8, v55;
	v37 =	vld.idx.msk [tilespmem:v37+s15+$0x0], $0xffff;
	[tilespmem:s26+$0x153C0] =	vst v2  }
0x374: {  	v48 =	vadd.s32 s0, v17;
	v41 =	vor.u32 v33, v60;
	v38 =	vadd.f32 v40, v38;
	v3 =	vld.idx.msk [tilespmem:v3+s15+$0x0], $0xffff  }
0x375: {  	v0 =	vmul.f32 v52, v11;
	v52 =	vadd.s32 s28, v8;
	v44 =	vmul.f32 v44, v16  }
0x376: {  	v50 =	vld [tilespmem:s26+$0x76D0];
	v62 =	vadd.s32 s29, v18;
	v1 =	vmul.f32 v54, v11;
	[tilespmem:s26+$0x15640] =	vst v38;
	v38 =	vand.u32 $0xFFFFFE78, v48  }
0x377: {  	v58 =	vld [tilespmem:s26+$0x7650];
	v38 =	vor.u32 v33, v38;
	v0 =	vadd.f32 v44, v0;
	v35 =	vmul.f32 v35, v16  }
0x378: {  	v37 =	vmul.f32 v37, v16;
	v54 =	vand.u32 $0xFFFFFEF8, v52;
	v2 =	vmul.f32 v61, v11;
	v39 =	vld.idx.msk [tilespmem:v39+s15+$0x0], $0xffff  }
0x379: {  	v55 =	vld [tilespmem:s26+$0x75E0];
	[tilespmem:s26+$0x156C0] =	vst v0;
	v1 =	vadd.f32 v35, v1;
	v35 =	vor.u32 v26, v54;
	v3 =	vmul.f32 v3, v16  }
0x37a: {  	[tilespmem:s26+$0x15560] =	vst v36;
	v42 =	vor.u32 v56, v49;
	v49 =	vand.u32 $0xFFFFFCF8, v62;
	v41 =	vld.idx.msk [tilespmem:v41+s15+$0x0], $0xffff  }
0x37b: {  	v36 =	vor.u32 v59, v49;
	v34 =	vadd.f32 v37, v57;
	v57 =	vld [tilespmem:s26+$0x7750];
	[tilespmem:s26+$0x15740] =	vst v1;
	v2 =	vadd.f32 v3, v2  }
0x37c: {  	v53 =	vadd.s32 s2, v18;
	v60 =	vadd.s32 s3, v18;
	v40 =	vmul.f32 v58, v11;
	v38 =	vld.idx.msk [tilespmem:v38+s15+$0x0], $0xffff  }
0x37d: {  	v62 =	vld [tilespmem:s26+$0x73E0];
	v61 =	vand.u32 $0xFFFFFDF8, v60;
	v48 =	vadd.s32 s0, v18;
	v44 =	vand.u32 $0xFFFFFD78, v53;
	[tilespmem:s26+$0x153D0] =	vst v2  }
0x37e: {  	v58 =	vor.u32 v59, v44;
	v0 =	vmul.f32 v50, v11;
	v39 =	vmul.f32 v39, v16;
	v35 =	vld.idx.msk [tilespmem:v35+s15+$0x0], $0xffff  }
0x37f: {  	[tilespmem:s26+$0x155D0] =	vst v34;
	v50 =	vand.u32 $0xFFFFFE78, v48;
	v54 =	vadd.s32 s28, v9;
	v41 =	vmul.f32 v41, v16  }
0x380: {  	v36 =	vld.idx.msk [tilespmem:v36+s15+$0x0], $0xffff;
	v1 =	vmul.f32 v57, v11;
	v39 =	vadd.f32 v39, v40;
	v40 =	vor.u32 v59, v61  }
0x381: {  	v49 =	vld [tilespmem:s26+$0x7660];
	v0 =	vadd.f32 v41, v0;
	v41 =	vor.u32 v59, v50;
	v38 =	vmul.f32 v38, v16  }
0x382: {  	v37 =	vmul.f32 v55, v11;
	v60 =	vld [tilespmem:s26+$0x7760];
	v55 =	vand.u32 $0xFFFFFEF8, v54;
	[tilespmem:s26+$0x15650] =	vst v39;
	v2 =	vmul.f32 v62, v11  }
0x383: {  	v34 =	vld.idx.msk [tilespmem:v58+s15+$0x0], $0xffff;
	v1 =	vadd.f32 v38, v1;
	v38 =	vor.u32 v27, v55;
	v35 =	vmul.f32 v35, v16  }
0x384: {  	v52 =	vadd.s32 s29, v19;
	v53 =	vld [tilespmem:s26+$0x76E0];
	[tilespmem:s26+$0x156D0] =	vst v0  }
0x385: {  	v44 =	vand.u32 $0xFFFFFCF8, v52;
	v36 =	vmul.f32 v36, v16;
	v40 =	vld.idx.msk [tilespmem:v40+s15+$0x0], $0xffff;
	[tilespmem:s26+$0x15750] =	vst v1;
	v2 =	vadd.f32 v35, v2  }
0x386: {  	v57 =	vor.u32 v56, v44;
	v41 =	vld.idx.msk [tilespmem:v41+s15+$0x0], $0xffff  }
0x387: {  	v36 =	vadd.f32 v36, v37;
	v39 =	vmul.f32 v49, v11;
	v62 =	vld [tilespmem:s26+$0x73F0];
	v58 =	vadd.s32 s2, v19;
	[tilespmem:s26+$0x153E0] =	vst v2  }
0x388: {  	v49 =	vadd.s32 s0, v19;
	v44 =	vand.u32 $0xFFFFFD78, v58;
	v34 =	vmul.f32 v34, v16;
	v38 =	vld.idx.msk [tilespmem:v38+s15+$0x0], $0xffff  }
0x389: {  	v42 =	vld.idx.msk [tilespmem:v42+s15+$0x0], $0xffff;
	v44 =	vor.u32 v56, v44;
	v0 =	vmul.f32 v53, v11;
	v55 =	vadd.s32 s28, v10  }
0x38a: {  	v43 =	vld [tilespmem:s26+$0x7570];
	v34 =	vadd.f32 v34, v39;
	v39 =	vand.u32 $0xFFFFFE78, v49;
	v40 =	vmul.f32 v40, v16  }
0x38b: {  	[tilespmem:s26+$0x155E0] =	vst v36;
	v1 =	vmul.f32 v60, v11;
	v39 =	vor.u32 v56, v39;
	v52 =	vmul.f32 v41, v16  }
0x38c: {  	v37 =	vld.idx.msk [tilespmem:v57+s15+$0x0], $0xffff;
	v60 =	vand.u32 $0xFFFFFEF8, v55;
	v2 =	vmul.f32 v62, v11;
	v0 =	vadd.f32 v40, v0  }
0x38d: {  	v35 =	vld [tilespmem:s26+$0x75F0];
	v40 =	vor.u32 v28, v60;
	v1 =	vadd.f32 v52, v1;
	v38 =	vmul.f32 v38, v16  }
0x38e: {  	v42 =	vmul.f32 v42, v16;
	[tilespmem:s26+$0x15660] =	vst v34;
	v62 =	vld [tilespmem:s26+$0x7770]  }
0x38f: {  	v3 =	vmul.f32 v43, v11;
	v54 =	vld.idx.msk [tilespmem:v44+s15+$0x0], $0xffff;
	[tilespmem:s26+$0x15760] =	vst v1;
	v2 =	vadd.f32 v38, v2  }
0x390: {  	v43 =	vadd.s32 s26, v20;
	v39 =	vld.idx.msk [tilespmem:v39+s15+$0x0], $0xffff  }
0x391: {  	v61 =	vadd.s32 s3, v19;
	v3 =	vadd.f32 v42, v3;
	v57 =	vadd.s32 s29, v20;
	v52 =	vld [tilespmem:s26+$0x7400];
	[tilespmem:s26+$0x153F0] =	vst v2  }
0x392: {  	v46 =	vand.u32 $0xFFFFFDF8, v61;
	v43 =	vand.u32 $0xFFFFFC78, v43;
	v61 =	vand.u32 $0xFFFFFCF8, v57;
	v40 =	vld.idx.msk [tilespmem:v40+s15+$0x0], $0xffff  }
0x393: {  	[tilespmem:s26+$0x15570] =	vst v3;
	v3 =	vor.u32 v51, v61;
	v37 =	vmul.f32 v37, v16;
	v35 =	vmul.f32 v35, v11  }
0x394: {  	v48 =	vor.u32 v56, v46;
	v50 =	vld [tilespmem:s26+$0x7670];
	v53 =	vor.u32 v51, v43;
	v60 =	vadd.s32 s28, v12  }
0x395: {  	v35 =	vadd.f32 v37, v35;
	v1 =	vmul.f32 v62, v11;
	v39 =	vmul.f32 v39, v16  }
0x396: {  	v61 =	vand.u32 $0xFFFFFEF8, v60;
	v47 =	vmul.f32 v54, v16;
	v2 =	vmul.f32 v52, v11  }
0x397: {  	v54 =	vld [tilespmem:s26+$0x7600];
	[tilespmem:s26+$0x155F0] =	vst v35;
	v1 =	vadd.f32 v39, v1;
	v39 =	vor.u32 v29, v61;
	v40 =	vmul.f32 v40, v16  }
0x398: {  	v46 =	vadd.s32 s2, v20;
	[tilespmem:s26+$0x156E0] =	vst v0;
	v3 =	vld.idx.msk [tilespmem:v3+s15+$0x0], $0xffff  }
0x399: {  	v34 =	vmul.f32 v50, v11;
	v36 =	vld.idx.msk [tilespmem:v48+s15+$0x0], $0xffff;
	v48 =	vand.u32 $0xFFFFFD78, v46;
	v2 =	vadd.f32 v40, v2  }
0x39a: {  	v49 =	vor.u32 v51, v48;
	v38 =	vld.idx.msk [tilespmem:v53+s15+$0x0], $0xffff  }
0x39b: {  	v50 =	vadd.s32 s3, v20;
	v34 =	vadd.f32 v47, v34;
	v47 =	vld [tilespmem:s26+$0x7790];
	[tilespmem:s26+$0x15400] =	vst v2  }
0x39c: {  	s30 =	sor.u32 $0x300, s26;
	v53 =	vand.u32 $0xFFFFFDF8, v50;
	v39 =	vld.idx.msk [tilespmem:v39+s15+$0x0], $0xffff  }
0x39d: {  	v50 =	vadd.s32 s30, v63;
	v35 =	vmul.f32 v54, v11;
	v3 =	vmul.f32 v3, v16  }
0x39e: {  	v57 =	vld [tilespmem:s26+$0x7680];
	[tilespmem:s26+$0x15670] =	vst v34;
	v52 =	vand.u32 $0xFFFFFF78, v50  }
0x39f: {  	v37 =	vld.idx.msk [tilespmem:v49+s15+$0x0], $0xffff;
	v54 =	vor.u32 v21, v52;
	v3 =	vadd.f32 v3, v35;
	_ =	sdelay $0x1  }
0x3a0: {  	[tilespmem:s26+$0x15600] =	vst v3;
	v2 =	vmul.f32 v47, v11;
	v3 =	vmul.f32 v39, v16  }
0x3a1: {  	v58 =	vld [tilespmem:s26+$0x76F0]  }
0x3a2: {  	v41 =	vor.u32 v51, v53;
	v53 =	vadd.f32 v3, v2;
	v3 =	vld [tilespmem:s26+$0x7410]  }
0x3a3: {  	v34 =	vmul.f32 v57, v11;
	v37 =	vmul.f32 v37, v16;
	v2 =	vld.idx.msk [tilespmem:v54+s15+$0x0], $0xffff  }
0x3a4: {  	v55 =	vadd.s32 s0, v20  }
0x3a5: {  	v42 =	vand.u32 $0xFFFFFE78, v55;
	v34 =	vadd.f32 v37, v34  }
0x3a6: {  	v0 =	vmul.f32 v58, v11;
	v58 =	vor.u32 v51, v42;
	v57 =	vadd.s32 s30, v4  }
0x3a7: {  	[tilespmem:s26+$0x15680] =	vst v34;
	v34 =	vand.u32 $0xFFFFFF78, v57  }
0x3a8: {  	v34 =	vor.u32 v22, v34;
	v3 =	vmul.f32 v3, v11;
	v2 =	vmul.f32 v2, v16  }
0x3a9: {  	v36 =	vmul.f32 v36, v16  }
0x3aa: {  	[tilespmem:s26+$0x15770] =	vst v1;
	v2 =	vadd.f32 v2, v3  }
0x3ab: {  	v0 =	vadd.f32 v36, v0;
	v36 =	vld.idx.msk [tilespmem:v58+s15+$0x0], $0xffff  }
0x3ac: {  	v58 =	vld [tilespmem:s26+$0x7420];
	[tilespmem:s26+$0x15410] =	vst v2  }
0x3ad: {  	v3 =	vld.idx.msk [tilespmem:v34+s15+$0x0], $0xffff;
	_ =	sdelay $0x3  }
0x3ae: {  	v60 =	vadd.s32 s30, v5  }
0x3af: {  	s31 =	sor.u32 $0x380, s26;
	v62 =	vld [tilespmem:s26+$0x7700];
	v2 =	vmul.f32 v58, v11;
	v34 =	vand.u32 $0xFFFFFF78, v60;
	v3 =	vmul.f32 v3, v16  }
0x3b0: {  	v61 =	vadd.s32 s31, v63;
	v34 =	vor.u32 v23, v34  }
0x3b1: {  	v44 =	vld [tilespmem:s26+$0x7780];
	v2 =	vadd.f32 v3, v2;
	v3 =	vand.u32 $0xFFFFFFF8, v61  }
0x3b2: {  	v45 =	vld [tilespmem:s26+$0x7580];
	[tilespmem:s26+$0x156F0] =	vst v0;
	v3 =	vor.u32 v21, v3  }
0x3b3: {  	v41 =	vld.idx.msk [tilespmem:v41+s15+$0x0], $0xffff  }
0x3b4: {  	v0 =	vmul.f32 v62, v11;
	v62 =	vld [tilespmem:s26+$0x7430];
	[tilespmem:s26+$0x15420] =	vst v2  }
0x3b5: {  	v49 =	vadd.s32 s28, v13;
	v34 =	vld.idx.msk [tilespmem:v34+s15+$0x0], $0xffff  }
0x3b6: {  	v35 =	vand.u32 $0xFFFFFEF8, v49;
	v1 =	vmul.f32 v44, v11;
	v40 =	vld [tilespmem:s26+$0x7490];
	v36 =	vmul.f32 v36, v16  }
0x3b7: {  	v42 =	vadd.s32 s31, v4;
	v35 =	vor.u32 v30, v35;
	v3 =	vld.idx.msk [tilespmem:v3+s15+$0x0], $0xffff  }
0x3b8: {  	v48 =	vmul.f32 v41, v16;
	v41 =	vadd.s32 s30, v6;
	v1 =	vadd.f32 v36, v1  }
0x3b9: {  	v46 =	vmul.f32 v45, v11;
	v38 =	vmul.f32 v38, v16;
	v36 =	vand.u32 $0xFFFFFF78, v41  }
0x3ba: {  	v36 =	vor.u32 v24, v36;
	[tilespmem:s26+$0x15780] =	vst v1;
	v2 =	vmul.f32 v62, v11;
	v34 =	vmul.f32 v34, v16  }
0x3bb: {  	v43 =	vand.u32 $0xFFFFFFF8, v42;
	v38 =	vadd.f32 v38, v46;
	[tilespmem:s26+$0x15790] =	vst v53  }
0x3bc: {  	v1 =	vld.idx.msk [tilespmem:v35+s15+$0x0], $0xffff;
	v35 =	vmul.f32 v40, v11;
	v2 =	vadd.f32 v34, v2;
	v3 =	vmul.f32 v3, v16  }
0x3bd: {  	[tilespmem:s26+$0x15580] =	vst v38;
	v0 =	vadd.f32 v48, v0;
	v34 =	vor.u32 v22, v43  }
0x3be: {  	v44 =	vld [tilespmem:s26+$0x7440];
	[tilespmem:s26+$0x15430] =	vst v2;
	v3 =	vadd.f32 v3, v35  }
0x3bf: {  	[tilespmem:s26+$0x15700] =	vst v0;
	v36 =	vld.idx.msk [tilespmem:v36+s15+$0x0], $0xffff  }
0x3c0: {  	v55 =	vld [tilespmem:s26+$0x77A0];
	[tilespmem:s26+$0x15490] =	vst v3  }
0x3c1: {  	v3 =	vld [tilespmem:s26+$0x74A0]  }
0x3c2: {  	v45 =	vadd.s32 s30, v7;
	v34 =	vld.idx.msk [tilespmem:v34+s15+$0x0], $0xffff  }
0x3c3: {  	v35 =	vand.u32 $0xFFFFFF78, v45  }
0x3c4: {  	v2 =	vmul.f32 v44, v11;
	v35 =	vor.u32 v25, v35;
	v36 =	vmul.f32 v36, v16  }
0x3c5: {  	v46 =	vadd.s32 s31, v5  }
0x3c6: {  	v47 =	vand.u32 $0xFFFFFFF8, v46;
	v2 =	vadd.f32 v36, v2  }
0x3c7: {  	v36 =	vor.u32 v23, v47;
	v3 =	vmul.f32 v3, v11;
	v34 =	vmul.f32 v34, v16  }
0x3c8: {  	v48 =	vld [tilespmem:s26+$0x7450];
	[tilespmem:s26+$0x15440] =	vst v2  }
0x3c9: {  	v35 =	vld.idx.msk [tilespmem:v35+s15+$0x0], $0xffff;
	v3 =	vadd.f32 v34, v3;
	_ =	sdelay $0x1  }
0x3ca: {  	[tilespmem:s26+$0x154A0] =	vst v3;
	v3 =	vld [tilespmem:s26+$0x74B0]  }
0x3cb: {  	v49 =	vadd.s32 s30, v8;
	v36 =	vld.idx.msk [tilespmem:v36+s15+$0x0], $0xffff  }
0x3cc: {  	v34 =	vand.u32 $0xFFFFFF78, v49  }
0x3cd: {  	v2 =	vmul.f32 v48, v11;
	v34 =	vor.u32 v26, v34;
	v35 =	vmul.f32 v35, v16  }
0x3ce: {  	v50 =	vadd.s32 s31, v6  }
0x3cf: {  	v52 =	vand.u32 $0xFFFFFFF8, v50;
	v2 =	vadd.f32 v35, v2  }
0x3d0: {  	s3 =	sor.u32 $0x800, s26;
	v3 =	vmul.f32 v3, v11;
	v35 =	vor.u32 v24, v52;
	v36 =	vmul.f32 v36, v16  }
0x3d1: {  	v54 =	vadd.s32 s3, v63;
	v53 =	vld [tilespmem:s26+$0x7460];
	[tilespmem:s26+$0x15450] =	vst v2  }
0x3d2: {  	v34 =	vld.idx.msk [tilespmem:v34+s15+$0x0], $0xffff;
	v3 =	vadd.f32 v36, v3;
	v36 =	vand.u32 $0xFFFFFC78, v54  }
0x3d3: {  	v0 =	vmul.f32 v55, v11;
	v55 =	vadd.s32 s28, v14;
	v36 =	vor.u32 v21, v36  }
0x3d4: {  	v37 =	vand.u32 $0xFFFFFEF8, v55;
	v1 =	vmul.f32 v1, v16;
	[tilespmem:s26+$0x154B0] =	vst v3;
	v3 =	vld [tilespmem:s26+$0x74C0]  }
0x3d5: {  	v57 =	vadd.s32 s30, v9;
	v37 =	vor.u32 v31, v37;
	v35 =	vld.idx.msk [tilespmem:v35+s15+$0x0], $0xffff  }
0x3d6: {  	v58 =	vand.u32 $0xFFFFFF78, v57;
	v0 =	vadd.f32 v1, v0;
	v60 =	vld [tilespmem:s26+$0x77B0]  }
0x3d7: {  	v1 =	vor.u32 v27, v58;
	v62 =	vld [tilespmem:s26+$0x7910];
	v2 =	vmul.f32 v53, v11;
	v34 =	vmul.f32 v34, v16  }
0x3d8: {  	s13 =	sor.u32 $0x880, s26;
	v61 =	vadd.s32 s31, v7;
	v46 =	vld.idx.msk [tilespmem:v36+s15+$0x0], $0xffff  }
0x3d9: {  	v45 =	vand.u32 $0xFFFFFFF8, v61;
	[tilespmem:s26+$0x157A0] =	vst v0;
	v55 =	vld [tilespmem:s26+$0x7920];
	v49 =	vadd.s32 s13, v63;
	v44 =	vadd.f32 v34, v2  }
0x3da: {  	v47 =	vld.idx.msk [tilespmem:v37+s15+$0x0], $0xffff;
	v3 =	vmul.f32 v3, v11;
	v2 =	vor.u32 v25, v45;
	v35 =	vmul.f32 v35, v16  }
0x3db: {  	v50 =	vadd.s32 s3, v4;
	v58 =	vadd.s32 s31, v8;
	v48 =	vld [tilespmem:s26+$0x7470];
	v37 =	vand.u32 $0xFFFFFCF8, v49;
	[tilespmem:s26+$0x15460] =	vst v44  }
0x3dc: {  	v37 =	vor.u32 v21, v37;
	v1 =	vld.idx.msk [tilespmem:v1+s15+$0x0], $0xffff;
	v3 =	vadd.f32 v35, v3;
	v35 =	vand.u32 $0xFFFFFC78, v50  }
0x3dd: {  	v52 =	vmul.f32 v62, v11;
	v34 =	vmul.f32 v46, v16;
	v35 =	vor.u32 v22, v35  }
0x3de: {  	v61 =	vand.u32 $0xFFFFFFF8, v58;
	v38 =	vmul.f32 v60, v11;
	[tilespmem:s26+$0x154C0] =	vst v3;
	v3 =	vld [tilespmem:s26+$0x74D0]  }
0x3df: {  	v39 =	vmul.f32 v55, v11;
	v53 =	vadd.s32 s28, v15;
	v2 =	vld.idx.msk [tilespmem:v2+s15+$0x0], $0xffff;
	v34 =	vadd.f32 v34, v52  }
0x3e0: {  	v57 =	vld [tilespmem:s26+$0x7990];
	v0 =	vmul.f32 v48, v11;
	v54 =	vadd.s32 s30, v10;
	v40 =	vand.u32 $0xFFFFFEF8, v53  }
0x3e1: {  	v60 =	vld.idx.msk [tilespmem:v37+s15+$0x0], $0xffff;
	v41 =	vand.u32 $0xFFFFFF78, v54;
	v36 =	vmul.f32 v47, v16;
	v1 =	vmul.f32 v1, v16;
	[tilespmem:s26+$0x15910] =	vst v34  }
0x3e2: {  	v40 =	vor.u32 v32, v40;
	v41 =	vor.u32 v28, v41;
	v47 =	vadd.s32 s13, v4;
	v35 =	vld.idx.msk [tilespmem:v35+s15+$0x0], $0xffff  }
0x3e3: {  	v55 =	vld [tilespmem:s26+$0x7930];
	v49 =	vand.u32 $0xFFFFFCF8, v47;
	v36 =	vadd.f32 v36, v38;
	v0 =	vadd.f32 v1, v0  }
0x3e4: {  	v62 =	vld [tilespmem:s26+$0x77C0];
	v3 =	vmul.f32 v3, v11;
	v1 =	vor.u32 v26, v61;
	v2 =	vmul.f32 v2, v16  }
0x3e5: {  	v45 =	vld [tilespmem:s26+$0x7480];
	v38 =	vor.u32 v22, v49;
	v50 =	vmul.f32 v57, v11;
	v46 =	vadd.s32 s3, v5  }
0x3e6: {  	v57 =	vld [tilespmem:s26+$0x79A0];
	v34 =	vmul.f32 v60, v16;
	[tilespmem:s26+$0x15470] =	vst v0;
	v2 =	vadd.f32 v2, v3;
	v3 =	vand.u32 $0xFFFFFC78, v46  }
0x3e7: {  	v48 =	vld.idx.msk [tilespmem:v41+s15+$0x0], $0xffff;
	v35 =	vmul.f32 v35, v16;
	v3 =	vor.u32 v23, v3  }
0x3e8: {  	v52 =	vld [tilespmem:s26+$0x74E0];
	v34 =	vadd.f32 v34, v50;
	[tilespmem:s26+$0x154D0] =	vst v2  }
0x3e9: {  	[tilespmem:s26+$0x157B0] =	vst v36;
	v1 =	vld.idx.msk [tilespmem:v1+s15+$0x0], $0xffff;
	v35 =	vadd.f32 v35, v39  }
0x3ea: {  	v58 =	vadd.s32 s31, v9;
	v53 =	vadd.s32 s30, v12;
	v40 =	vld.idx.msk [tilespmem:v40+s15+$0x0], $0xffff;
	[tilespmem:s26+$0x15990] =	vst v34  }
0x3eb: {  	v54 =	vand.u32 $0xFFFFFF78, v53;
	v37 =	vmul.f32 v62, v11;
	v47 =	vadd.s32 s13, v5;
	v60 =	vld.idx.msk [tilespmem:v38+s15+$0x0], $0xffff;
	[tilespmem:s26+$0x15920] =	vst v35  }
0x3ec: {  	v0 =	vmul.f32 v45, v11;
	v41 =	vor.u32 v29, v54;
	v36 =	vmul.f32 v48, v16;
	v3 =	vld.idx.msk [tilespmem:v3+s15+$0x0], $0xffff  }
0x3ed: {  	v49 =	vand.u32 $0xFFFFFCF8, v47;
	v61 =	vand.u32 $0xFFFFFFF8, v58;
	v2 =	vmul.f32 v52, v11  }
0x3ee: {  	v0 =	vadd.f32 v36, v0;
	v36 =	vor.u32 v27, v61;
	v1 =	vmul.f32 v1, v16  }
0x3ef: {  	v62 =	vmul.f32 v40, v16;
	v40 =	vor.u32 v23, v49;
	v34 =	vmul.f32 v57, v11  }
0x3f0: {  	v45 =	vld [tilespmem:s26+$0x7810];
	v46 =	vadd.s32 s3, v6;
	v35 =	vmul.f32 v60, v16;
	[tilespmem:s26+$0x15480] =	vst v0;
	v1 =	vadd.f32 v1, v2  }
0x3f1: {  	v39 =	vmul.f32 v55, v11;
	v48 =	vand.u32 $0xFFFFFC78, v46;
	v41 =	vld.idx.msk [tilespmem:v41+s15+$0x0], $0xffff;
	v3 =	vmul.f32 v3, v16  }
0x3f2: {  	v50 =	vld [tilespmem:s26+$0x74F0];
	v34 =	vadd.f32 v35, v34;
	v2 =	vor.u32 v24, v48;
	[tilespmem:s26+$0x154E0] =	vst v1  }
0x3f3: {  	v53 =	vadd.s32 s30, v13;
	v36 =	vld.idx.msk [tilespmem:v36+s15+$0x0], $0xffff;
	v3 =	vadd.f32 v3, v39  }
0x3f4: {  	v58 =	vld [tilespmem:s26+$0x79B0];
	v55 =	vand.u32 $0xFFFFFF78, v53;
	[tilespmem:s26+$0x159A0] =	vst v34  }
0x3f5: {  	v47 =	vadd.s32 s13, v6;
	v42 =	vor.u32 v30, v55;
	v60 =	vadd.s32 s31, v10;
	[tilespmem:s26+$0x15930] =	vst v3;
	v3 =	vld.idx.msk [tilespmem:v40+s15+$0x0], $0xffff  }
0x3f6: {  	v57 =	vld [tilespmem:s26+$0x7940];
	v61 =	vand.u32 $0xFFFFFFF8, v60;
	v0 =	vmul.f32 v45, v11;
	v41 =	vmul.f32 v41, v16  }
0x3f7: {  	v37 =	vadd.f32 v62, v37;
	v52 =	vadd.s32 s28, v17;
	v38 =	vor.u32 v28, v61;
	v2 =	vld.idx.msk [tilespmem:v2+s15+$0x0], $0xffff  }
0x3f8: {  	v1 =	vmul.f32 v50, v11;
	v0 =	vadd.f32 v41, v0;
	v36 =	vmul.f32 v36, v16  }
0x3f9: {  	v62 =	vld [tilespmem:s26+$0x77D0];
	v46 =	vadd.s32 s3, v7;
	v34 =	vmul.f32 v58, v11;
	v50 =	vand.u32 $0xFFFFFCF8, v47  }
0x3fa: {  	v45 =	vld [tilespmem:s26+$0x7820];
	v41 =	vor.u32 v24, v50;
	[tilespmem:s26+$0x15810] =	vst v0;
	v1 =	vadd.f32 v36, v1;
	v3 =	vmul.f32 v3, v16  }
0x3fb: {  	v54 =	vand.u32 $0xFFFFFEF8, v52;
	v49 =	vand.u32 $0xFFFFFC78, v46;
	v39 =	vmul.f32 v57, v11;
	v48 =	vld.idx.msk [tilespmem:v42+s15+$0x0], $0xffff  }
0x3fc: {  	v52 =	vld [tilespmem:s26+$0x7500];
	v36 =	vor.u32 v25, v49;
	v2 =	vmul.f32 v2, v16;
	[tilespmem:s26+$0x154F0] =	vst v1;
	v3 =	vadd.f32 v3, v34  }
0x3fd: {  	v53 =	vadd.s32 s30, v14;
	v35 =	vor.u32 v33, v54;
	v38 =	vld.idx.msk [tilespmem:v38+s15+$0x0], $0xffff  }
0x3fe: {  	v46 =	vadd.s32 s13, v7;
	v57 =	vadd.s32 s31, v12;
	v2 =	vadd.f32 v2, v39;
	[tilespmem:s26+$0x159B0] =	vst v3;
	v3 =	vld [tilespmem:s26+$0x79C0]  }
0x3ff: {  	[tilespmem:s26+$0x157C0] =	vst v37;
	v54 =	vand.u32 $0xFFFFFF78, v53;
	v60 =	vadd.s32 s28, v18;
	v61 =	vand.u32 $0xFFFFFFF8, v57;
	v58 =	vld.idx.msk [tilespmem:v41+s15+$0x0], $0xffff  }
0x400: {  	v55 =	vld [tilespmem:s26+$0x7950];
	v0 =	vmul.f32 v45, v11;
	v34 =	vor.u32 v31, v54;
	v37 =	vmul.f32 v48, v16;
	[tilespmem:s26+$0x15940] =	vst v2  }
0x401: {  	v57 =	vadd.s32 s31, v13;
	v1 =	vmul.f32 v52, v11;
	v48 =	vand.u32 $0xFFFFFCF8, v46;
	v36 =	vld.idx.msk [tilespmem:v36+s15+$0x0], $0xffff  }
0x402: {  	v35 =	vld.idx.msk [tilespmem:v35+s15+$0x0], $0xffff;
	v0 =	vadd.f32 v37, v0;
	v37 =	vor.u32 v29, v61;
	v38 =	vmul.f32 v38, v16  }
0x403: {  	v40 =	vmul.f32 v62, v11;
	v62 =	vld [tilespmem:s26+$0x7830];
	v45 =	vadd.s32 s3, v8;
	v42 =	vor.u32 v25, v48  }
0x404: {  	v50 =	vld [tilespmem:s26+$0x7890];
	[tilespmem:s26+$0x15820] =	vst v0;
	v3 =	vmul.f32 v3, v11;
	v1 =	vadd.f32 v38, v1;
	v2 =	vmul.f32 v58, v16  }
0x405: {  	v47 =	vand.u32 $0xFFFFFC78, v45;
	v52 =	vadd.s32 s30, v15;
	v39 =	vmul.f32 v55, v11;
	v34 =	vld.idx.msk [tilespmem:v34+s15+$0x0], $0xffff  }
0x406: {  	v49 =	vld [tilespmem:s26+$0x77E0];
	v38 =	vor.u32 v26, v47;
	v36 =	vmul.f32 v36, v16;
	[tilespmem:s26+$0x15500] =	vst v1;
	v2 =	vadd.f32 v2, v3  }
0x407: {  	v35 =	vmul.f32 v35, v16;
	v53 =	vand.u32 $0xFFFFFF78, v52;
	v41 =	vand.u32 $0xFFFFFEF8, v60;
	v37 =	vld.idx.msk [tilespmem:v37+s15+$0x0], $0xffff  }
0x408: {  	v55 =	vld [tilespmem:s26+$0x79D0];
	v46 =	vadd.s32 s3, v9;
	v41 =	vor.u32 v59, v41;
	v36 =	vadd.f32 v36, v39;
	[tilespmem:s26+$0x159C0] =	vst v2  }
0x409: {  	v60 =	vand.u32 $0xFFFFFFF8, v57;
	v48 =	vand.u32 $0xFFFFFC78, v46;
	v0 =	vmul.f32 v62, v11;
	v58 =	vld.idx.msk [tilespmem:v42+s15+$0x0], $0xffff  }
0x40a: {  	v54 =	vld [tilespmem:s26+$0x7960];
	v3 =	vadd.f32 v35, v40;
	v35 =	vor.u32 v32, v53;
	v34 =	vmul.f32 v34, v16;
	[tilespmem:s26+$0x15950] =	vst v36  }
0x40b: {  	v62 =	vadd.s32 s28, v19;
	v47 =	vadd.s32 s13, v8;
	v1 =	vmul.f32 v50, v11;
	v38 =	vld.idx.msk [tilespmem:v38+s15+$0x0], $0xffff  }
0x40c: {  	v45 =	vld [tilespmem:s26+$0x7840];
	[tilespmem:s26+$0x157D0] =	vst v3;
	v0 =	vadd.f32 v34, v0;
	v34 =	vor.u32 v30, v60;
	v37 =	vmul.f32 v37, v16  }
0x40d: {  	v3 =	vmul.f32 v49, v11;
	v49 =	vand.u32 $0xFFFFFCF8, v47;
	v2 =	vmul.f32 v55, v11;
	v61 =	vld.idx.msk [tilespmem:v41+s15+$0x0], $0xffff  }
0x40e: {  	v46 =	vld [tilespmem:s26+$0x7850];
	v42 =	vor.u32 v26, v49;
	[tilespmem:s26+$0x15830] =	vst v0;
	v1 =	vadd.f32 v37, v1;
	v36 =	vmul.f32 v58, v16  }
0x40f: {  	v39 =	vmul.f32 v54, v11;
	v41 =	vand.u32 $0xFFFFFEF8, v62;
	v35 =	vld.idx.msk [tilespmem:v35+s15+$0x0], $0xffff  }
0x410: {  	v50 =	vld [tilespmem:s26+$0x78A0];
	v37 =	vor.u32 v27, v48;
	v38 =	vmul.f32 v38, v16;
	[tilespmem:s26+$0x15890] =	vst v1;
	v2 =	vadd.f32 v36, v2  }
0x411: {  	v53 =	vadd.s32 s30, v17;
	v52 =	vor.u32 v56, v41;
	v34 =	vld.idx.msk [tilespmem:v34+s15+$0x0], $0xffff  }
0x412: {  	v55 =	vld [tilespmem:s26+$0x79E0];
	v41 =	vand.u32 $0xFFFFFF78, v53;
	v40 =	vmul.f32 v61, v16;
	v38 =	vadd.f32 v38, v39;
	[tilespmem:s26+$0x159D0] =	vst v2  }
0x413: {  	v57 =	vor.u32 v33, v41;
	v0 =	vmul.f32 v45, v11;
	v45 =	vadd.s32 s13, v9;
	v60 =	vld.idx.msk [tilespmem:v42+s15+$0x0], $0xffff  }
0x414: {  	v54 =	vld [tilespmem:s26+$0x7970];
	v58 =	vadd.s32 s31, v14;
	v3 =	vadd.f32 v40, v3;
	v35 =	vmul.f32 v35, v16;
	[tilespmem:s26+$0x15960] =	vst v38  }
0x415: {  	v48 =	vand.u32 $0xFFFFFCF8, v45;
	v61 =	vand.u32 $0xFFFFFFF8, v58;
	v1 =	vmul.f32 v50, v11;
	v37 =	vld.idx.msk [tilespmem:v37+s15+$0x0], $0xffff  }
0x416: {  	v49 =	vld [tilespmem:s26+$0x78B0];
	[tilespmem:s26+$0x157E0] =	vst v3;
	v0 =	vadd.f32 v35, v0;
	v35 =	vor.u32 v31, v61;
	v34 =	vmul.f32 v34, v16  }
0x417: {  	v62 =	vadd.s32 s3, v10;
	v41 =	vor.u32 v27, v48;
	v36 =	vld.idx.msk [tilespmem:v52+s15+$0x0], $0xffff  }
0x418: {  	s29 =	sor.u32 $0x900, s26;
	v2 =	vmul.f32 v55, v11;
	v52 =	vld [tilespmem:s26+$0x7980];
	[tilespmem:s26+$0x15840] =	vst v0;
	v1 =	vadd.f32 v34, v1;
	v38 =	vmul.f32 v60, v16  }
0x419: {  	v47 =	vand.u32 $0xFFFFFC78, v62;
	v50 =	vadd.s32 s29, v63;
	v39 =	vmul.f32 v54, v11;
	v40 =	vld.idx.msk [tilespmem:v57+s15+$0x0], $0xffff  }
0x41a: {  	v53 =	vld [tilespmem:s26+$0x79F0];
	v34 =	vor.u32 v28, v47;
	v37 =	vmul.f32 v37, v16;
	[tilespmem:s26+$0x158A0] =	vst v1;
	v2 =	vadd.f32 v38, v2  }
0x41b: {  	v48 =	vadd.s32 s13, v10;
	v38 =	vand.u32 $0xFFFFFD78, v50;
	v35 =	vld.idx.msk [tilespmem:v35+s15+$0x0], $0xffff  }
0x41c: {  	v43 =	vand.u32 $0xFFFFFCF8, v48;
	v48 =	vld [tilespmem:s26+$0x7A20];
	v37 =	vadd.f32 v37, v39;
	v38 =	vor.u32 v21, v38;
	[tilespmem:s26+$0x159E0] =	vst v2  }
0x41d: {  	v62 =	vadd.s32 s3, v12;
	v39 =	vmul.f32 v52, v11;
	v52 =	vadd.s32 s30, v18;
	v55 =	vld.idx.msk [tilespmem:v41+s15+$0x0], $0xffff  }
0x41e: {  	v54 =	vadd.s32 s31, v15;
	v3 =	vld [tilespmem:s26+$0x77F0];
	v0 =	vmul.f32 v46, v11;
	v45 =	vand.u32 $0xFFFFFF78, v52;
	[tilespmem:s26+$0x15970] =	vst v37  }
0x41f: {  	v57 =	vand.u32 $0xFFFFFFF8, v54;
	v40 =	vmul.f32 v40, v16;
	v45 =	vor.u32 v59, v45;
	v58 =	vld.idx.msk [tilespmem:v34+s15+$0x0], $0xffff  }
0x420: {  	v61 =	vor.u32 v32, v57;
	v1 =	vmul.f32 v49, v11;
	v49 =	vld [tilespmem:s26+$0x7A10];
	v60 =	vmul.f32 v35, v16  }
0x421: {  	v43 =	vor.u32 v28, v43;
	v2 =	vmul.f32 v53, v11;
	v0 =	vadd.f32 v40, v0;
	v38 =	vld.idx.msk [tilespmem:v38+s15+$0x0], $0xffff  }
0x422: {  	v54 =	vld [tilespmem:s26+$0x7A00];
	v41 =	vand.u32 $0xFFFFFC78, v62;
	v1 =	vadd.f32 v60, v1;
	v37 =	vmul.f32 v55, v16  }
0x423: {  	v3 =	vmul.f32 v3, v11;
	v50 =	vld [tilespmem:s26+$0x78C0];
	v41 =	vor.u32 v29, v41;
	[tilespmem:s26+$0x15850] =	vst v0  }
0x424: {  	v53 =	vadd.s32 s29, v4;
	v45 =	vld.idx.msk [tilespmem:v45+s15+$0x0], $0xffff;
	v42 =	vmul.f32 v58, v16;
	[tilespmem:s26+$0x158B0] =	vst v1;
	v2 =	vadd.f32 v37, v2  }
0x425: {  	v36 =	vmul.f32 v36, v16;
	v44 =	vmul.f32 v49, v11;
	v37 =	vand.u32 $0xFFFFFD78, v53;
	v35 =	vld.idx.msk [tilespmem:v61+s15+$0x0], $0xffff  }
0x426: {  	v34 =	vld [tilespmem:s26+$0x7800];
	v39 =	vadd.f32 v42, v39;
	v38 =	vmul.f32 v38, v16;
	v37 =	vor.u32 v22, v37;
	[tilespmem:s26+$0x159F0] =	vst v2  }
0x427: {  	v47 =	vadd.s32 s31, v17;
	v3 =	vadd.f32 v36, v3;
	v57 =	vld.idx.msk [tilespmem:v43+s15+$0x0], $0xffff  }
0x428: {  	v62 =	vadd.s32 s13, v12;
	v55 =	vadd.s32 s28, v20;
	v42 =	vld [tilespmem:s26+$0x7D10];
	[tilespmem:s26+$0x15980] =	vst v39;
	v38 =	vadd.f32 v38, v44  }
0x429: {  	v52 =	vand.u32 $0xFFFFFCF8, v62;
	s28 =	sor.u32 $0x980, s26;
	v58 =	vand.u32 $0xFFFFFFF8, v47;
	v60 =	vand.u32 $0xFFFFFEF8, v55;
	v41 =	vld.idx.msk [tilespmem:v41+s15+$0x0], $0xffff  }
0x42a: {  	v46 =	vadd.s32 s28, v63;
	v1 =	vmul.f32 v50, v11;
	v53 =	vld [tilespmem:s26+$0x78D0];
	[tilespmem:s26+$0x15A10] =	vst v38;
	v35 =	vmul.f32 v35, v16  }
0x42b: {  	v40 =	vor.u32 v33, v58;
	v61 =	vadd.s32 s3, v13;
	v2 =	vmul.f32 v54, v11;
	v37 =	vld.idx.msk [tilespmem:v37+s15+$0x0], $0xffff  }
0x42c: {  	v43 =	vld [tilespmem:s26+$0x7860];
	v49 =	vadd.f32 v35, v1;
	v39 =	vmul.f32 v57, v16;
	v35 =	vor.u32 v29, v52  }
0x42d: {  	v58 =	vld [tilespmem:s26+$0x7D90];
	v50 =	vand.u32 $0xFFFFFC78, v61;
	v44 =	vor.u32 v51, v60;
	v42 =	vmul.f32 v42, v11  }
0x42e: {  	v1 =	vor.u32 v30, v50;
	v57 =	vld [tilespmem:s26+$0x7D20];
	v41 =	vmul.f32 v41, v16;
	v2 =	vadd.f32 v39, v2  }
0x42f: {  	v47 =	vand.u32 $0xFFFFFDF8, v46;
	v61 =	vmul.f32 v45, v16;
	v38 =	vmul.f32 v48, v11;
	v50 =	vld [tilespmem:s26+$0x7A90];
	[tilespmem:s26+$0x158C0] =	vst v49  }
0x430: {  	v54 =	vadd.s32 s29, v5;
	v40 =	vld.idx.msk [tilespmem:v40+s15+$0x0], $0xffff;
	v55 =	vadd.f32 v41, v42;
	v37 =	vmul.f32 v37, v16;
	[tilespmem:s26+$0x15A00] =	vst v2  }
0x431: {  	[tilespmem:s26+$0x157F0] =	vst v3;
	v60 =	vmul.f32 v43, v11;
	v52 =	vadd.s32 s31, v18;
	v39 =	vand.u32 $0xFFFFFD78, v54;
	v62 =	vld.idx.msk [tilespmem:v35+s15+$0x0], $0xffff  }
0x432: {  	v54 =	vadd.s32 s30, v19;
	v39 =	vor.u32 v23, v39;
	[tilespmem:s26+$0x15D10] =	vst v55;
	v3 =	vadd.f32 v37, v38;
	v35 =	vld.idx.msk [tilespmem:v44+s15+$0x0], $0xffff  }
0x433: {  	v38 =	vadd.f32 v61, v60;
	v37 =	vor.u32 v21, v47;
	v61 =	vand.u32 $0xFFFFFF78, v54;
	v1 =	vld.idx.msk [tilespmem:v1+s15+$0x0], $0xffff  }
0x434: {  	v0 =	vmul.f32 v53, v11;
	v46 =	vand.u32 $0xFFFFFFF8, v52;
	v44 =	vld [tilespmem:s26+$0x7870];
	v45 =	vor.u32 v56, v61  }
0x435: {  	v48 =	vadd.s32 s3, v14;
	v49 =	vadd.s32 s13, v13;
	v46 =	vor.u32 v59, v46;
	v61 =	vld [tilespmem:s26+$0x7DB0]  }
0x436: {  	v43 =	vand.u32 $0xFFFFFCF8, v49;
	v2 =	vmul.f32 v58, v11;
	[tilespmem:s26+$0x15A20] =	vst v3;
	v3 =	vld [tilespmem:s26+$0x7A30];
	v40 =	vmul.f32 v40, v16  }
0x437: {  	v43 =	vor.u32 v30, v43;
	v41 =	vmul.f32 v57, v11;
	v39 =	vld.idx.msk [tilespmem:v39+s15+$0x0], $0xffff;
	v36 =	vmul.f32 v62, v16  }
0x438: {  	v42 =	vand.u32 $0xFFFFFC78, v48;
	[tilespmem:s26+$0x15860] =	vst v38;
	v37 =	vld.idx.msk [tilespmem:v37+s15+$0x0], $0xffff;
	v0 =	vadd.f32 v40, v0;
	v1 =	vmul.f32 v1, v16  }
0x439: {  	v42 =	vor.u32 v31, v42;
	v45 =	vld.idx.msk [tilespmem:v45+s15+$0x0], $0xffff;
	v2 =	vadd.f32 v36, v2  }
0x43a: {  	v53 =	vadd.s32 s29, v6;
	[tilespmem:s26+$0x158D0] =	vst v0;
	v1 =	vadd.f32 v1, v41;
	v41 =	vld [tilespmem:s26+$0x7D30]  }
0x43b: {  	v36 =	vand.u32 $0xFFFFFD78, v53;
	v3 =	vmul.f32 v3, v11;
	[tilespmem:s26+$0x15D90] =	vst v2;
	v2 =	vld [tilespmem:s26+$0x7DA0]  }
0x43c: {  	v55 =	vadd.s32 s28, v4;
	v39 =	vmul.f32 v39, v16;
	v36 =	vor.u32 v24, v36;
	[tilespmem:s26+$0x15D20] =	vst v1;
	v1 =	vld.idx.msk [tilespmem:v43+s15+$0x0], $0xffff  }
0x43d: {  	v60 =	vmul.f32 v50, v11;
	v58 =	vand.u32 $0xFFFFFDF8, v55;
	v62 =	vadd.s32 s3, v15;
	v54 =	vld.idx.msk [tilespmem:v46+s15+$0x0], $0xffff  }
0x43e: {  	v3 =	vadd.f32 v39, v3;
	v37 =	vmul.f32 v37, v16;
	v39 =	vor.u32 v22, v58;
	v57 =	vld.idx.msk [tilespmem:v42+s15+$0x0], $0xffff  }
0x43f: {  	v48 =	vadd.s32 s13, v14;
	v52 =	vand.u32 $0xFFFFFC78, v62;
	v62 =	vadd.s32 s31, v19;
	v42 =	vld [tilespmem:s26+$0x78E0]  }
0x440: {  	v53 =	vand.u32 $0xFFFFFCF8, v48;
	v50 =	vand.u32 $0xFFFFFFF8, v62;
	[tilespmem:s26+$0x15A30] =	vst v3;
	v3 =	vld [tilespmem:s26+$0x7A40];
	v37 =	vadd.f32 v37, v60  }
0x441: {  	v55 =	vor.u32 v31, v53;
	v36 =	vld.idx.msk [tilespmem:v36+s15+$0x0], $0xffff;
	v2 =	vmul.f32 v2, v11;
	v1 =	vmul.f32 v1, v16  }
0x442: {  	v0 =	vor.u32 v32, v52;
	v38 =	vor.u32 v56, v50;
	v50 =	vld [tilespmem:s26+$0x7D50];
	[tilespmem:s26+$0x15A90] =	vst v37  }
0x443: {  	v41 =	vmul.f32 v41, v11;
	v39 =	vld.idx.msk [tilespmem:v39+s15+$0x0], $0xffff;
	v40 =	vmul.f32 v57, v16;
	v1 =	vadd.f32 v1, v2  }
0x444: {  	v49 =	vadd.s32 s28, v5;
	v58 =	vadd.s32 s29, v7;
	v43 =	vmul.f32 v54, v16;
	v57 =	vld [tilespmem:s26+$0x7AA0]  }
0x445: {  	v60 =	vld [tilespmem:s26+$0x7D40];
	v42 =	vmul.f32 v42, v11;
	v2 =	vand.u32 $0xFFFFFD78, v58;
	v40 =	vadd.f32 v40, v41;
	[tilespmem:s26+$0x15DA0] =	vst v1  }
0x446: {  	v3 =	vmul.f32 v3, v11;
	v36 =	vmul.f32 v36, v16;
	v2 =	vor.u32 v25, v2;
	v48 =	vld.idx.msk [tilespmem:v55+s15+$0x0], $0xffff  }
0x447: {  	v44 =	vmul.f32 v44, v11;
	v52 =	vand.u32 $0xFFFFFDF8, v49;
	v49 =	vadd.s32 s28, v6;
	[tilespmem:s26+$0x15D30] =	vst v40;
	v55 =	vld [tilespmem:s26+$0x78F0]  }
0x448: {  	v54 =	vadd.s32 s3, v17;
	v42 =	vadd.f32 v43, v42;
	v3 =	vadd.f32 v36, v3;
	v0 =	vld.idx.msk [tilespmem:v0+s15+$0x0], $0xffff  }
0x449: {  	v39 =	vmul.f32 v39, v16;
	v36 =	vor.u32 v23, v52;
	v37 =	vmul.f32 v57, v11;
	v57 =	vld [tilespmem:s26+$0x7AB0]  }
0x44a: {  	v53 =	vadd.s32 s13, v15;
	v62 =	vmul.f32 v45, v16;
	v46 =	vand.u32 $0xFFFFFC78, v54;
	[tilespmem:s26+$0x15A40] =	vst v3;
	v3 =	vld [tilespmem:s26+$0x7A50]  }
0x44b: {  	v58 =	vor.u32 v33, v46;
	v43 =	vand.u32 $0xFFFFFCF8, v53;
	[tilespmem:s26+$0x158E0] =	vst v42;
	v2 =	vld.idx.msk [tilespmem:v2+s15+$0x0], $0xffff;
	v37 =	vadd.f32 v39, v37  }
0x44c: {  	v41 =	vmul.f32 v60, v11;
	v60 =	vadd.s32 s29, v8;
	v53 =	vadd.s32 s13, v17;
	v38 =	vld.idx.msk [tilespmem:v38+s15+$0x0], $0xffff  }
0x44d: {  	v1 =	vmul.f32 v61, v11;
	v43 =	vor.u32 v32, v43;
	v61 =	vld [tilespmem:s26+$0x7DC0];
	v40 =	vmul.f32 v48, v16;
	[tilespmem:s26+$0x15AA0] =	vst v37  }
0x44e: {  	v48 =	vadd.s32 s30, v20;
	v39 =	vmul.f32 v55, v11;
	v0 =	vmul.f32 v0, v16;
	v36 =	vld.idx.msk [tilespmem:v36+s15+$0x0], $0xffff  }
0x44f: {  	v54 =	vld [tilespmem:s26+$0x7A60];
	v37 =	vmul.f32 v57, v11;
	v1 =	vadd.f32 v40, v1;
	v40 =	vand.u32 $0xFFFFFD78, v60  }
0x450: {  	v57 =	vld [tilespmem:s26+$0x7AC0];
	v3 =	vmul.f32 v3, v11;
	v2 =	vmul.f32 v2, v16;
	v40 =	vor.u32 v26, v40  }
0x451: {  	v55 =	vadd.s32 s31, v20;
	v46 =	vmul.f32 v38, v16;
	v38 =	vld [tilespmem:s26+$0x7900];
	v0 =	vadd.f32 v0, v41;
	[tilespmem:s26+$0x15DB0] =	vst v1  }
0x452: {  	v45 =	vand.u32 $0xFFFFFF78, v48;
	v43 =	vld.idx.msk [tilespmem:v43+s15+$0x0], $0xffff;
	v2 =	vadd.f32 v2, v3;
	v3 =	vand.u32 $0xFFFFFDF8, v49  }
0x453: {  	v1 =	vmul.f32 v61, v11;
	v61 =	vld [tilespmem:s26+$0x7DD0];
	[tilespmem:s26+$0x15D40] =	vst v0;
	v36 =	vmul.f32 v36, v16;
	v3 =	vor.u32 v24, v3  }
0x454: {  	v52 =	vor.u32 v51, v45;
	v45 =	vand.u32 $0xFFFFFCF8, v53;
	v41 =	vadd.f32 v62, v44;
	v42 =	vld.idx.msk [tilespmem:v58+s15+$0x0], $0xffff;
	[tilespmem:s26+$0x15A50] =	vst v2  }
0x455: {  	v60 =	vadd.s32 s29, v9;
	v45 =	vor.u32 v33, v45;
	v40 =	vld.idx.msk [tilespmem:v40+s15+$0x0], $0xffff;
	v37 =	vadd.f32 v36, v37  }
0x456: {  	v62 =	vand.u32 $0xFFFFFFF8, v55;
	v55 =	vadd.s32 s13, v18;
	[tilespmem:s26+$0x15870] =	vst v41;
	v49 =	vld [tilespmem:s26+$0x7D70];
	v58 =	vadd.s32 s3, v18  }
0x457: {  	v47 =	vmul.f32 v57, v11;
	v57 =	vld [tilespmem:s26+$0x7A70];
	v41 =	vand.u32 $0xFFFFFC78, v58;
	v43 =	vmul.f32 v43, v16;
	[tilespmem:s26+$0x15AB0] =	vst v37  }
0x458: {  	v0 =	vmul.f32 v50, v11;
	v2 =	vmul.f32 v54, v11;
	v41 =	vor.u32 v59, v41;
	v3 =	vld.idx.msk [tilespmem:v3+s15+$0x0], $0xffff  }
0x459: {  	v54 =	vld [tilespmem:s26+$0x7D60];
	v42 =	vmul.f32 v42, v16;
	v1 =	vadd.f32 v43, v1;
	v43 =	vand.u32 $0xFFFFFD78, v60  }
0x45a: {  	v58 =	vand.u32 $0xFFFFFCF8, v55;
	v55 =	vld [tilespmem:s26+$0x7A80];
	v40 =	vmul.f32 v40, v16;
	v43 =	vor.u32 v27, v43  }
0x45b: {  	v44 =	vor.u32 v51, v62;
	v37 =	vld.idx.msk [tilespmem:v52+s15+$0x0], $0xffff;
	v52 =	vadd.s32 s28, v7;
	v0 =	vadd.f32 v42, v0;
	[tilespmem:s26+$0x15DC0] =	vst v1  }
0x45c: {  	v53 =	vand.u32 $0xFFFFFDF8, v52;
	v45 =	vld.idx.msk [tilespmem:v45+s15+$0x0], $0xffff;
	v2 =	vadd.f32 v40, v2  }
0x45d: {  	s30 =	sor.u32 $0xA00, s26;
	v39 =	vadd.f32 v46, v39;
	v36 =	vld [tilespmem:s26+$0x7880];
	v40 =	vor.u32 v25, v53;
	[tilespmem:s26+$0x15D50] =	vst v0;
	v3 =	vmul.f32 v3, v16  }
0x45e: {  	v0 =	vor.u32 v59, v58;
	v59 =	vadd.s32 s30, v63;
	v41 =	vld.idx.msk [tilespmem:v41+s15+$0x0], $0xffff;
	[tilespmem:s26+$0x15A60] =	vst v2  }
0x45f: {  	[tilespmem:s26+$0x158F0] =	vst v39;
	v46 =	vand.u32 $0xFFFFFE78, v59;
	v43 =	vld.idx.msk [tilespmem:v43+s15+$0x0], $0xffff;
	v3 =	vadd.f32 v3, v47  }
0x460: {  	v39 =	vld.idx.msk [tilespmem:v44+s15+$0x0], $0xffff;
	v60 =	vadd.s32 s29, v10;
	v62 =	vor.u32 v21, v46  }
0x461: {  	v1 =	vmul.f32 v61, v11;
	v53 =	vadd.s32 s3, v19;
	v45 =	vmul.f32 v45, v16;
	[tilespmem:s26+$0x15AC0] =	vst v3;
	v3 =	vld [tilespmem:s26+$0x7AD0]  }
0x462: {  	v42 =	vmul.f32 v54, v11;
	v61 =	vand.u32 $0xFFFFFD78, v60;
	v46 =	vand.u32 $0xFFFFFC78, v53;
	v40 =	vld.idx.msk [tilespmem:v40+s15+$0x0], $0xffff  }
0x463: {  	v52 =	vld [tilespmem:s26+$0x7DE0];
	v46 =	vor.u32 v56, v46;
	v41 =	vmul.f32 v41, v16;
	v1 =	vadd.f32 v45, v1  }
0x464: {  	v44 =	vor.u32 v28, v61;
	v2 =	vmul.f32 v57, v11;
	v57 =	vld [tilespmem:s26+$0x7B10];
	v43 =	vmul.f32 v43, v16  }
0x465: {  	v50 =	vmul.f32 v55, v11;
	v54 =	vadd.s32 s28, v8;
	v58 =	vld.idx.msk [tilespmem:v62+s15+$0x0], $0xffff;
	v41 =	vadd.f32 v41, v42;
	[tilespmem:s26+$0x15DD0] =	vst v1  }
0x466: {  	v59 =	vadd.s32 s13, v19;
	v47 =	vand.u32 $0xFFFFFDF8, v54;
	v0 =	vld.idx.msk [tilespmem:v0+s15+$0x0], $0xffff;
	v2 =	vadd.f32 v43, v2  }
0x467: {  	s0 =	sor.u32 $0xA80, s26;
	v47 =	vor.u32 v26, v47;
	v45 =	vld [tilespmem:s26+$0x7DF0];
	v3 =	vmul.f32 v3, v11;
	[tilespmem:s26+$0x15D60] =	vst v41;
	v40 =	vmul.f32 v40, v16  }
0x468: {  	v61 =	vadd.s32 s30, v4;
	v60 =	vand.u32 $0xFFFFFCF8, v59;
	v59 =	vadd.s32 s0, v63;
	v46 =	vld.idx.msk [tilespmem:v46+s15+$0x0], $0xffff;
	[tilespmem:s26+$0x15A70] =	vst v2  }
0x469: {  	v62 =	vadd.s32 s29, v12;
	v44 =	vld.idx.msk [tilespmem:v44+s15+$0x0], $0xffff;
	v3 =	vadd.f32 v40, v3;
	v40 =	vand.u32 $0xFFFFFE78, v61  }
0x46a: {  	v53 =	vmul.f32 v57, v11;
	v2 =	vmul.f32 v58, v16;
	v58 =	vld [tilespmem:s26+$0x7B20];
	v54 =	vor.u32 v22, v40  }
0x46b: {  	v42 =	vor.u32 v56, v60;
	v1 =	vmul.f32 v52, v11;
	v0 =	vmul.f32 v0, v16;
	[tilespmem:s26+$0x15AD0] =	vst v3;
	v3 =	vld [tilespmem:s26+$0x7AE0]  }
0x46c: {  	v56 =	vadd.s32 s28, v9;
	v2 =	vadd.f32 v2, v53;
	v53 =	vadd.s32 s29, v13;
	v52 =	vld.idx.msk [tilespmem:v47+s15+$0x0], $0xffff  }
0x46d: {  	v60 =	vmul.f32 v49, v11;
	v61 =	vld [tilespmem:s26+$0x7E10];
	v53 =	vand.u32 $0xFFFFFD78, v53;
	v0 =	vadd.f32 v0, v1  }
0x46e: {  	s31 =	sor.u32 $0xB00, s26;
	v40 =	vld [tilespmem:s26+$0x7D80];
	[tilespmem:s26+$0x15B10] =	vst v2;
	v46 =	vmul.f32 v46, v16;
	v1 =	vand.u32 $0xFFFFFD78, v62;
	v44 =	vmul.f32 v44, v16  }
0x46f: {  	v55 =	vor.u32 v29, v1;
	v1 =	vand.u32 $0xFFFFFDF8, v56;
	[tilespmem:s26+$0x15DE0] =	vst v0;
	v48 =	vld.idx.msk [tilespmem:v54+s15+$0x0], $0xffff;
	v54 =	vadd.s32 s31, v63  }
0x470: {  	v43 =	vld.idx.msk [tilespmem:v42+s15+$0x0], $0xffff;
	v57 =	vadd.f32 v44, v50;
	v3 =	vmul.f32 v3, v11;
	v44 =	vand.u32 $0xFFFFFEF8, v59  }
0x471: {  	v56 =	vand.u32 $0xFFFFFF78, v54;
	v54 =	vld [tilespmem:s26+$0x7C10];
	v41 =	vmul.f32 v52, v16;
	v44 =	vor.u32 v21, v44  }
0x472: {  	v62 =	vadd.s32 s3, v20;
	v2 =	vmul.f32 v58, v11;
	v59 =	vld [tilespmem:$0x1FFF0];
	v47 =	vor.u32 v21, v56  }
0x473: {  	v49 =	vmul.f32 v61, v11;
	v1 =	vor.u32 v27, v1;
	[tilespmem:s26+$0x15A80] =	vst v57;
	v57 =	vld [tilespmem:s26+$0x7B90];
	v3 =	vadd.f32 v41, v3  }
0x474: {  	v61 =	vadd.s32 s30, v6;
	v42 =	vadd.f32 v46, v60;
	v0 =	vld.idx.msk [tilespmem:v55+s15+$0x0], $0xffff;
	v55 =	vadd.s32 s30, v5  }
0x475: {  	v50 =	vand.u32 $0xFFFFFC78, v62;
	v41 =	vadd.s32 s13, v20;
	s13 =	sor.u32 $0xB80, s26;
	v46 =	vand.u32 $0xFFFFFE78, v55;
	[tilespmem:s26+$0x15AE0] =	vst v3;
	v3 =	vld [tilespmem:s26+$0x7AF0]  }
0x476: {  	v48 =	vmul.f32 v48, v16;
	v58 =	vadd.s32 s13, v63;
	v46 =	vor.u32 v23, v46;
	v52 =	vld.idx.msk [tilespmem:v44+s15+$0x0], $0xffff  }
0x477: {  	v60 =	vadd.s32 s0, v4;
	v62 =	vadd.s32 s31, v4;
	v44 =	vand.u32 $0xFFFFFFF8, v58;
	v47 =	vld.idx.msk [tilespmem:v47+s15+$0x0], $0xffff  }
0x478: {  	v54 =	vmul.f32 v54, v11;
	v1 =	vld.idx.msk [tilespmem:v1+s15+$0x0], $0xffff;
	v2 =	vadd.f32 v48, v2;
	v55 =	vor.u32 v21, v44  }
0x479: {  	v48 =	vld [tilespmem:s26+$0x7B30];
	v44 =	vor.u32 v59, v50;
	v50 =	vor.u32 v30, v53;
	v0 =	vmul.f32 v0, v16  }
0x47a: {  	v58 =	vand.u32 $0xFFFFFE78, v61;
	v61 =	vadd.s32 s13, v4;
	v51 =	vmul.f32 v57, v11;
	v57 =	vld [tilespmem:s26+$0x7C90];
	[tilespmem:s26+$0x15B20] =	vst v2  }
0x47b: {  	v2 =	vand.u32 $0xFFFFFEF8, v60;
	v0 =	vadd.f32 v0, v49;
	v46 =	vld.idx.msk [tilespmem:v46+s15+$0x0], $0xffff;
	v52 =	vmul.f32 v52, v16  }
0x47c: {  	v59 =	vand.u32 $0xFFFFFF78, v62;
	v2 =	vor.u32 v22, v2;
	v49 =	vld [tilespmem:s26+$0x7E20];
	v47 =	vmul.f32 v47, v16  }
0x47d: {  	v60 =	vadd.s32 s28, v10;
	v3 =	vmul.f32 v3, v11;
	[tilespmem:s26+$0x15E10] =	vst v0;
	v53 =	vld.idx.msk [tilespmem:v55+s15+$0x0], $0xffff;
	v51 =	vadd.f32 v52, v51  }
0x47e: {  	v55 =	vand.u32 $0xFFFFFDF8, v60;
	v50 =	vld.idx.msk [tilespmem:v50+s15+$0x0], $0xffff;
	v52 =	vor.u32 v22, v59;
	v47 =	vadd.f32 v47, v54  }
0x47f: {  	v1 =	vmul.f32 v1, v16;
	v48 =	vmul.f32 v48, v11;
	v55 =	vor.u32 v28, v55;
	[tilespmem:s26+$0x15B90] =	vst v51;
	v51 =	vld [tilespmem:s26+$0x7BA0]  }
0x480: {  	v0 =	vor.u32 v24, v58;
	v62 =	vmul.f32 v57, v11;
	v46 =	vmul.f32 v46, v16;
	[tilespmem:s26+$0x15C10] =	vst v47;
	v47 =	vld [tilespmem:s26+$0x7C20]  }
0x481: {  	v54 =	vand.u32 $0xFFFFFFF8, v61;
	v59 =	vadd.s32 s0, v5;
	v1 =	vadd.f32 v1, v3;
	v2 =	vld.idx.msk [tilespmem:v2+s15+$0x0], $0xffff  }
0x482: {  	v54 =	vor.u32 v22, v54;
	v46 =	vadd.f32 v46, v48;
	v48 =	vld [tilespmem:s26+$0x7B40];
	v53 =	vmul.f32 v53, v16  }
0x483: {  	v61 =	vadd.s32 s30, v7;
	v3 =	vand.u32 $0xFFFFFEF8, v59;
	[tilespmem:s26+$0x15AF0] =	vst v1;
	v52 =	vld.idx.msk [tilespmem:v52+s15+$0x0], $0xffff  }
0x484: {  	v59 =	vand.u32 $0xFFFFFE78, v61;
	v61 =	vadd.s32 s29, v14;
	v55 =	vld.idx.msk [tilespmem:v55+s15+$0x0], $0xffff;
	[tilespmem:s26+$0x15B30] =	vst v46;
	v60 =	vadd.f32 v53, v62  }
0x485: {  	v49 =	vmul.f32 v49, v11;
	v3 =	vor.u32 v23, v3;
	v50 =	vmul.f32 v50, v16;
	v0 =	vld.idx.msk [tilespmem:v0+s15+$0x0], $0xffff  }
0x486: {  	v56 =	vand.u32 $0xFFFFFD78, v61;
	v46 =	vld [tilespmem:s26+$0x7CA0];
	v51 =	vmul.f32 v51, v11;
	v2 =	vmul.f32 v2, v16;
	[tilespmem:s26+$0x15C90] =	vst v60  }
0x487: {  	v1 =	vor.u32 v25, v59;
	v49 =	vadd.f32 v50, v49;
	v50 =	vor.u32 v31, v56;
	v54 =	vld.idx.msk [tilespmem:v54+s15+$0x0], $0xffff  }
0x488: {  	v61 =	vadd.s32 s30, v8;
	v53 =	vld [tilespmem:s26+$0x7B00];
	v62 =	vadd.s32 s31, v5;
	v2 =	vadd.f32 v2, v51  }
0x489: {  	v58 =	vld [tilespmem:s26+$0x7BF0];
	v47 =	vmul.f32 v47, v11;
	v60 =	vand.u32 $0xFFFFFF78, v62;
	v52 =	vmul.f32 v52, v16  }
0x48a: {  	v48 =	vmul.f32 v48, v11;
	v51 =	vor.u32 v23, v60;
	v0 =	vmul.f32 v0, v16;
	[tilespmem:s26+$0x15BA0] =	vst v2;
	v2 =	vld [tilespmem:s26+$0x7BB0]  }
0x48b: {  	v62 =	vadd.s32 s13, v5;
	[tilespmem:s26+$0x15E20] =	vst v49;
	v60 =	vadd.s32 s0, v6;
	v47 =	vadd.f32 v52, v47;
	v3 =	vld.idx.msk [tilespmem:v3+s15+$0x0], $0xffff  }
0x48c: {  	v46 =	vmul.f32 v46, v11;
	v50 =	vld.idx.msk [tilespmem:v50+s15+$0x0], $0xffff;
	v0 =	vadd.f32 v0, v48;
	v54 =	vmul.f32 v54, v16  }
0x48d: {  	v55 =	vmul.f32 v55, v16;
	v53 =	vmul.f32 v53, v11;
	v52 =	vand.u32 $0xFFFFFFF8, v62;
	v48 =	vld [tilespmem:s26+$0x7B50];
	[tilespmem:s26+$0x15C20] =	vst v47  }
0x48e: {  	v52 =	vor.u32 v23, v52;
	v47 =	vld [tilespmem:s26+$0x7C30];
	[tilespmem:s26+$0x15B40] =	vst v0;
	v0 =	vand.u32 $0xFFFFFEF8, v60;
	v46 =	vadd.f32 v54, v46  }
0x48f: {  	v51 =	vld.idx.msk [tilespmem:v51+s15+$0x0], $0xffff;
	v60 =	vand.u32 $0xFFFFFE78, v61;
	v61 =	vadd.s32 s28, v12;
	v2 =	vmul.f32 v2, v11  }
0x490: {  	v1 =	vld.idx.msk [tilespmem:v1+s15+$0x0], $0xffff;
	v0 =	vor.u32 v24, v0;
	v56 =	vand.u32 $0xFFFFFDF8, v61;
	v3 =	vmul.f32 v3, v16  }
0x491: {  	v62 =	vadd.s32 s31, v6;
	v53 =	vadd.f32 v55, v53;
	v54 =	vld [tilespmem:s26+$0x7E30];
	v56 =	vor.u32 v29, v56  }
0x492: {  	v49 =	vor.u32 v26, v60;
	v61 =	vadd.s32 s30, v9;
	[tilespmem:s26+$0x15CA0] =	vst v46;
	v46 =	vld [tilespmem:s26+$0x7CB0];
	v2 =	vadd.f32 v3, v2  }
0x493: {  	v50 =	vmul.f32 v50, v16;
	v59 =	vand.u32 $0xFFFFFE78, v61;
	v52 =	vld.idx.msk [tilespmem:v52+s15+$0x0], $0xffff;
	v3 =	vand.u32 $0xFFFFFF78, v62  }
0x494: {  	v47 =	vmul.f32 v47, v11;
	v51 =	vmul.f32 v51, v16;
	v3 =	vor.u32 v24, v3;
	[tilespmem:s26+$0x15BB0] =	vst v2;
	v2 =	vld [tilespmem:s26+$0x7BC0]  }
0x495: {  	[tilespmem:s26+$0x15B00] =	vst v53;
	v61 =	vadd.s32 s29, v15;
	v48 =	vmul.f32 v48, v11;
	v1 =	vmul.f32 v1, v16;
	v0 =	vld.idx.msk [tilespmem:v0+s15+$0x0], $0xffff  }
0x496: {  	v62 =	vadd.s32 s13, v6;
	v54 =	vmul.f32 v54, v11;
	v47 =	vadd.f32 v51, v47;
	v55 =	vld.idx.msk [tilespmem:v56+s15+$0x0], $0xffff  }
0x497: {  	v51 =	vand.u32 $0xFFFFFFF8, v62;
	v46 =	vmul.f32 v46, v11;
	v1 =	vadd.f32 v1, v48;
	v48 =	vld [tilespmem:s26+$0x7B60]  }
0x498: {  	v51 =	vor.u32 v24, v51;
	v56 =	vand.u32 $0xFFFFFD78, v61;
	[tilespmem:s26+$0x15C30] =	vst v47;
	v47 =	vld [tilespmem:s26+$0x7C40];
	v52 =	vmul.f32 v52, v16  }
0x499: {  	v60 =	vadd.s32 s0, v7;
	v50 =	vadd.f32 v50, v54;
	v54 =	vor.u32 v32, v56;
	[tilespmem:s26+$0x15B50] =	vst v1;
	v3 =	vld.idx.msk [tilespmem:v3+s15+$0x0], $0xffff  }
0x49a: {  	v1 =	vand.u32 $0xFFFFFEF8, v60;
	v46 =	vadd.f32 v52, v46;
	v49 =	vld.idx.msk [tilespmem:v49+s15+$0x0], $0xffff  }
0x49b: {  	v52 =	vld [tilespmem:s26+$0x7E90];
	v2 =	vmul.f32 v2, v11;
	v1 =	vor.u32 v25, v1;
	v0 =	vmul.f32 v0, v16  }
0x49c: {  	v53 =	vor.u32 v27, v59;
	v62 =	vadd.s32 s31, v7;
	[tilespmem:s26+$0x15CB0] =	vst v46;
	v46 =	vld [tilespmem:s26+$0x7CC0]  }
0x49d: {  	v61 =	vadd.s32 s30, v10;
	[tilespmem:s26+$0x15E30] =	vst v50;
	v60 =	vand.u32 $0xFFFFFF78, v62;
	v51 =	vld.idx.msk [tilespmem:v51+s15+$0x0], $0xffff;
	v0 =	vadd.f32 v0, v2  }
0x49e: {  	v47 =	vmul.f32 v47, v11;
	v54 =	vld.idx.msk [tilespmem:v54+s15+$0x0], $0xffff;
	v2 =	vor.u32 v25, v60;
	v3 =	vmul.f32 v3, v16  }
0x49f: {  	v59 =	vand.u32 $0xFFFFFE78, v61;
	v48 =	vmul.f32 v48, v11;
	v49 =	vmul.f32 v49, v16;
	[tilespmem:s26+$0x15BC0] =	vst v0;
	v0 =	vld [tilespmem:s26+$0x7BD0]  }
0x4a0: {  	v45 =	vmul.f32 v45, v11;
	v50 =	vor.u32 v28, v59;
	v1 =	vld.idx.msk [tilespmem:v1+s15+$0x0], $0xffff;
	v3 =	vadd.f32 v3, v47  }
0x4a1: {  	v59 =	vadd.s32 s0, v9;
	v62 =	vadd.s32 s13, v7;
	v48 =	vadd.f32 v49, v48;
	v49 =	vld [tilespmem:s26+$0x7B70]  }
0x4a2: {  	v47 =	vand.u32 $0xFFFFFFF8, v62;
	v46 =	vmul.f32 v46, v11;
	v51 =	vmul.f32 v51, v16;
	[tilespmem:s26+$0x15C40] =	vst v3;
	v3 =	vld [tilespmem:s26+$0x7C50]  }
0x4a3: {  	v55 =	vmul.f32 v55, v16;
	v60 =	vadd.s32 s0, v8;
	v47 =	vor.u32 v25, v47;
	[tilespmem:s26+$0x15B60] =	vst v48;
	v2 =	vld.idx.msk [tilespmem:v2+s15+$0x0], $0xffff  }
0x4a4: {  	v52 =	vmul.f32 v52, v11;
	v48 =	vand.u32 $0xFFFFFEF8, v60;
	v46 =	vadd.f32 v51, v46;
	v53 =	vld.idx.msk [tilespmem:v53+s15+$0x0], $0xffff  }
0x4a5: {  	v61 =	vld [tilespmem:s26+$0x7BE0];
	v0 =	vmul.f32 v0, v11;
	v48 =	vor.u32 v26, v48;
	v1 =	vmul.f32 v1, v16  }
0x4a6: {  	[tilespmem:s26+$0x15D70] =	vst v42;
	v62 =	vadd.s32 s31, v8;
	v52 =	vadd.f32 v55, v52;
	v54 =	vmul.f32 v54, v16;
	v51 =	vld [tilespmem:s26+$0x7E40]  }
0x4a7: {  	v60 =	vand.u32 $0xFFFFFF78, v62;
	v62 =	vadd.s32 s28, v13;
	[tilespmem:s26+$0x15CC0] =	vst v46;
	v46 =	vld [tilespmem:s26+$0x7CD0];
	v0 =	vadd.f32 v1, v0  }
0x4a8: {  	v47 =	vld.idx.msk [tilespmem:v47+s15+$0x0], $0xffff;
	v3 =	vmul.f32 v3, v11;
	v1 =	vor.u32 v26, v60;
	v2 =	vmul.f32 v2, v16  }
0x4a9: {  	v42 =	vld.idx.msk [tilespmem:v44+s15+$0x0], $0xffff;
	v56 =	vand.u32 $0xFFFFFDF8, v62;
	v49 =	vmul.f32 v49, v11;
	v53 =	vmul.f32 v53, v16;
	[tilespmem:s26+$0x15BD0] =	vst v0  }
0x4aa: {  	v56 =	vor.u32 v30, v56;
	v60 =	vadd.s32 s30, v12;
	v48 =	vld.idx.msk [tilespmem:v48+s15+$0x0], $0xffff;
	v2 =	vadd.f32 v2, v3  }
0x4ab: {  	v51 =	vmul.f32 v51, v11;
	v3 =	vadd.s32 s13, v8;
	v49 =	vadd.f32 v53, v49;
	v53 =	vld [tilespmem:s26+$0x7B80]  }
0x4ac: {  	v0 =	vmul.f32 v61, v11;
	v46 =	vmul.f32 v46, v11;
	v3 =	vand.u32 $0xFFFFFFF8, v3;
	[tilespmem:s26+$0x15C50] =	vst v2;
	v2 =	vld [tilespmem:s26+$0x7C60]  }
0x4ad: {  	v61 =	vadd.s32 s31, v9;
	v47 =	vmul.f32 v47, v16;
	v3 =	vor.u32 v26, v3;
	[tilespmem:s26+$0x15B70] =	vst v49;
	v1 =	vld.idx.msk [tilespmem:v1+s15+$0x0], $0xffff  }
0x4ae: {  	v57 =	vand.u32 $0xFFFFFF78, v61;
	v51 =	vadd.f32 v54, v51;
	v49 =	vand.u32 $0xFFFFFEF8, v59;
	v50 =	vld.idx.msk [tilespmem:v50+s15+$0x0], $0xffff  }
0x4af: {  	v55 =	vld [tilespmem:s26+$0x7EA0];
	v47 =	vadd.f32 v47, v46;
	v49 =	vor.u32 v27, v49;
	v48 =	vmul.f32 v48, v16  }
0x4b0: {  	[tilespmem:s26+$0x15E90] =	vst v52;
	v62 =	vld [tilespmem:s26+$0x7CE0];
	v54 =	vadd.s32 s29, v17;
	v46 =	vmul.f32 v43, v16;
	v43 =	vand.u32 $0xFFFFFE78, v60  }
0x4b1: {  	v52 =	vld.idx.msk [tilespmem:v56+s15+$0x0], $0xffff;
	v54 =	vand.u32 $0xFFFFFD78, v54;
	v43 =	vor.u32 v29, v43;
	[tilespmem:s26+$0x15CD0] =	vst v47;
	v0 =	vadd.f32 v48, v0  }
0x4b2: {  	v3 =	vld.idx.msk [tilespmem:v3+s15+$0x0], $0xffff;
	v2 =	vmul.f32 v2, v11;
	v48 =	vor.u32 v27, v57;
	v1 =	vmul.f32 v1, v16  }
0x4b3: {  	v45 =	vadd.f32 v46, v45;
	v46 =	vld [tilespmem:$0x1FFD0];
	v53 =	vmul.f32 v53, v11;
	v50 =	vmul.f32 v50, v16;
	[tilespmem:s26+$0x15BE0] =	vst v0  }
0x4b4: {  	v54 =	vor.u32 v33, v54;
	v49 =	vld.idx.msk [tilespmem:v49+s15+$0x0], $0xffff;
	v1 =	vadd.f32 v1, v2  }
0x4b5: {  	v59 =	vadd.s32 s13, v9;
	v60 =	vadd.s32 s0, v10;
	v50 =	vadd.f32 v50, v53;
	v53 =	vld [tilespmem:s26+$0x7F10]  }
0x4b6: {  	v47 =	vmul.f32 v62, v11;
	v0 =	vmul.f32 v58, v11;
	v2 =	vand.u32 $0xFFFFFFF8, v59;
	[tilespmem:s26+$0x15C60] =	vst v1;
	v1 =	vld [tilespmem:s26+$0x7C70]  }
0x4b7: {  	v58 =	vadd.s32 s31, v10;
	v2 =	vor.u32 v27, v2;
	v3 =	vmul.f32 v3, v16;
	[tilespmem:s26+$0x15B80] =	vst v50;
	v48 =	vld.idx.msk [tilespmem:v48+s15+$0x0], $0xffff  }
0x4b8: {  	v55 =	vmul.f32 v55, v11;
	[tilespmem:s26+$0x15E40] =	vst v51;
	v59 =	vand.u32 $0xFFFFFF78, v58;
	v50 =	vand.u32 $0xFFFFFEF8, v60;
	v43 =	vld.idx.msk [tilespmem:v43+s15+$0x0], $0xffff  }
0x4b9: {  	v51 =	vld.idx.msk [tilespmem:v54+s15+$0x0], $0xffff;
	v3 =	vadd.f32 v3, v47;
	v62 =	vor.u32 v28, v50;
	v61 =	vmul.f32 v49, v16  }
0x4ba: {  	v57 =	vadd.s32 s30, v13;
	v44 =	vor.u32 v28, v59;
	v59 =	vadd.s32 s0, v12;
	v60 =	vld [tilespmem:s26+$0x7C00]  }
0x4bb: {  	v50 =	vand.u32 $0xFFFFFE78, v57;
	v49 =	vmul.f32 v52, v16;
	[tilespmem:s26+$0x15CE0] =	vst v3;
	v3 =	vld [tilespmem:s26+$0x7CF0];
	v0 =	vadd.f32 v61, v0  }
0x4bc: {  	v50 =	vor.u32 v30, v50;
	v2 =	vld.idx.msk [tilespmem:v2+s15+$0x0], $0xffff;
	v1 =	vmul.f32 v1, v11;
	v48 =	vmul.f32 v48, v16  }
0x4bd: {  	v52 =	vld [tilespmem:s26+$0x7E50];
	v53 =	vmul.f32 v53, v11;
	v61 =	vadd.s32 s28, v14;
	v43 =	vmul.f32 v43, v16;
	[tilespmem:s26+$0x15BF0] =	vst v0  }
0x4be: {  	v51 =	vmul.f32 v51, v16;
	v56 =	vand.u32 $0xFFFFFDF8, v61;
	v47 =	vld.idx.msk [tilespmem:v62+s15+$0x0], $0xffff;
	v1 =	vadd.f32 v48, v1  }
0x4bf: {  	v49 =	vadd.f32 v49, v55;
	v56 =	vor.u32 v31, v56;
	v43 =	vadd.f32 v43, v53;
	v53 =	vld [tilespmem:s26+$0x7F20]  }
0x4c0: {  	v55 =	vadd.s32 s29, v18;
	v61 =	vadd.s32 s30, v14;
	v62 =	vadd.s32 s13, v10;
	[tilespmem:s26+$0x15C70] =	vst v1;
	v1 =	vld [tilespmem:s26+$0x7C80]  }
0x4c1: {  	v48 =	vand.u32 $0xFFFFFFF8, v62;
	v3 =	vmul.f32 v3, v11;
	v2 =	vmul.f32 v2, v16;
	[tilespmem:s26+$0x15F10] =	vst v43;
	v44 =	vld.idx.msk [tilespmem:v44+s15+$0x0], $0xffff  }
0x4c2: {  	v55 =	vand.u32 $0xFFFFFD78, v55;
	v0 =	vmul.f32 v60, v11;
	v48 =	vor.u32 v28, v48;
	v50 =	vld.idx.msk [tilespmem:v50+s15+$0x0], $0xffff  }
0x4c3: {  	v60 =	vadd.s32 s31, v12;
	[tilespmem:s26+$0x15EA0] =	vst v49;
	v43 =	vand.u32 $0xFFFFFEF8, v59;
	v2 =	vadd.f32 v2, v3;
	v3 =	vld [tilespmem:s26+$0x7EB0]  }
0x4c4: {  	v49 =	vand.u32 $0xFFFFFE78, v61;
	v43 =	vor.u32 v29, v43;
	v56 =	vld.idx.msk [tilespmem:v56+s15+$0x0], $0xffff;
	v47 =	vmul.f32 v47, v16  }
0x4c5: {  	[tilespmem:s26+$0x15DF0] =	vst v45;
	v61 =	vadd.s32 s28, v15;
	v46 =	vor.u32 v46, v55;
	v49 =	vor.u32 v31, v49;
	v45 =	vld [tilespmem:s26+$0x7F70]  }
0x4c6: {  	v54 =	vand.u32 $0xFFFFFDF8, v61;
	v62 =	vand.u32 $0xFFFFFF78, v60;
	[tilespmem:s26+$0x15CF0] =	vst v2;
	v2 =	vld [tilespmem:s26+$0x7D00];
	v0 =	vadd.f32 v47, v0  }
0x4c7: {  	v48 =	vld.idx.msk [tilespmem:v48+s15+$0x0], $0xffff;
	v1 =	vmul.f32 v1, v11;
	v47 =	vor.u32 v29, v62;
	v44 =	vmul.f32 v44, v16  }
0x4c8: {  	v61 =	vadd.s32 s31, v13;
	v60 =	vadd.s32 s13, v12;
	v53 =	vmul.f32 v53, v11;
	[tilespmem:s26+$0x15C00] =	vst v0;
	v0 =	vld [tilespmem:s26+$0x7F90]  }
0x4c9: {  	v62 =	vadd.s32 s0, v13;
	v50 =	vmul.f32 v50, v16;
	v43 =	vld.idx.msk [tilespmem:v43+s15+$0x0], $0xffff;
	v1 =	vadd.f32 v44, v1  }
0x4ca: {  	v44 =	vand.u32 $0xFFFFFFF8, v60;
	v60 =	vand.u32 $0xFFFFFEF8, v62;
	v62 =	vand.u32 $0xFFFFFF78, v61;
	v61 =	vld [tilespmem:s26+$0x7FA0]  }
0x4cb: {  	v3 =	vmul.f32 v3, v11;
	v50 =	vadd.f32 v50, v53;
	v53 =	vmul.f32 v56, v16;
	[tilespmem:s26+$0x15C80] =	vst v1;
	v1 =	vld [tilespmem:s26+$0x8010]  }
0x4cc: {  	v2 =	vmul.f32 v2, v11;
	v44 =	vor.u32 v29, v44;
	v48 =	vmul.f32 v48, v16;
	v57 =	vld.idx.msk [tilespmem:v47+s15+$0x0], $0xffff  }
0x4cd: {  	v52 =	vmul.f32 v52, v11;
	v54 =	vor.u32 v32, v54;
	v56 =	vld [tilespmem:s26+$0x7EC0];
	v3 =	vadd.f32 v53, v3  }
0x4ce: {  	[tilespmem:s26+$0x15F20] =	vst v50;
	v50 =	vld [tilespmem:s26+$0x7F30];
	v2 =	vadd.f32 v48, v2;
	v0 =	vmul.f32 v0, v11;
	v43 =	vmul.f32 v43, v16  }
0x4cf: {  	v48 =	vld.idx.msk [tilespmem:v49+s15+$0x0], $0xffff;
	v49 =	vor.u32 v30, v60;
	[tilespmem:s26+$0x15EB0] =	vst v3  }
0x4d0: {  	v51 =	vadd.f32 v51, v52;
	[tilespmem:s26+$0x15D00] =	vst v2;
	v2 =	vld [tilespmem:s26+$0x8090];
	v0 =	vadd.f32 v43, v0  }
0x4d1: {  	v60 =	vld.idx.msk [tilespmem:v44+s15+$0x0], $0xffff;
	v1 =	vmul.f32 v1, v11;
	v43 =	vor.u32 v30, v62;
	v57 =	vmul.f32 v57, v16  }
0x4d2: {  	v58 =	vadd.s32 s0, v14;
	[tilespmem:s26+$0x15E50] =	vst v51;
	v3 =	vadd.s32 s30, v15;
	v54 =	vld.idx.msk [tilespmem:v54+s15+$0x0], $0xffff  }
0x4d3: {  	v46 =	vld.idx.msk [tilespmem:v46+s15+$0x0], $0xffff;
	v3 =	vand.u32 $0xFFFFFE78, v3;
	v62 =	vadd.s32 s13, v13;
	[tilespmem:s26+$0x15F90] =	vst v0;
	v1 =	vadd.f32 v57, v1  }
0x4d4: {  	v3 =	vor.u32 v32, v3;
	v50 =	vmul.f32 v50, v11;
	v48 =	vmul.f32 v48, v16;
	v49 =	vld.idx.msk [tilespmem:v49+s15+$0x0], $0xffff  }
0x4d5: {  	v56 =	vmul.f32 v56, v11;
	v57 =	vand.u32 $0xFFFFFFF8, v62;
	v2 =	vmul.f32 v2, v11;
	[tilespmem:s26+$0x16010] =	vst v1;
	v1 =	vld [tilespmem:s26+$0x8020]  }
0x4d6: {  	v57 =	vor.u32 v30, v57;
	v48 =	vadd.f32 v48, v50;
	v53 =	vmul.f32 v60, v16;
	v59 =	vld.idx.msk [tilespmem:v43+s15+$0x0], $0xffff  }
0x4d7: {  	v0 =	vmul.f32 v61, v11;
	v54 =	vmul.f32 v54, v16;
	v60 =	vand.u32 $0xFFFFFEF8, v58;
	v43 =	vld [tilespmem:s26+$0x7E00]  }
0x4d8: {  	v58 =	vadd.s32 s31, v14;
	v50 =	vor.u32 v31, v60;
	[tilespmem:s26+$0x15F30] =	vst v48;
	v2 =	vadd.f32 v53, v2;
	v53 =	vld [tilespmem:s26+$0x7F40]  }
0x4d9: {  	v60 =	vadd.s32 s28, v17;
	v61 =	vand.u32 $0xFFFFFF78, v58;
	v3 =	vld.idx.msk [tilespmem:v3+s15+$0x0], $0xffff;
	v49 =	vmul.f32 v49, v16  }
0x4da: {  	v54 =	vadd.f32 v54, v56;
	v48 =	vor.u32 v31, v61;
	v60 =	vand.u32 $0xFFFFFDF8, v60;
	[tilespmem:s26+$0x16090] =	vst v2;
	v2 =	vld [tilespmem:s26+$0x80A0]  }
0x4db: {  	v56 =	vor.u32 v33, v60;
	v60 =	vadd.s32 s30, v17;
	v0 =	vadd.f32 v49, v0;
	v49 =	vld.idx.msk [tilespmem:v57+s15+$0x0], $0xffff  }
0x4dc: {  	v58 =	vld [tilespmem:s26+$0x7E60];
	v60 =	vand.u32 $0xFFFFFE78, v60;
	v1 =	vmul.f32 v1, v11;
	v62 =	vmul.f32 v59, v16  }
0x4dd: {  	v61 =	vadd.s32 s13, v14;
	[tilespmem:s26+$0x15EC0] =	vst v54;
	v54 =	vld [tilespmem:s26+$0x7ED0];
	v60 =	vor.u32 v33, v60  }
0x4de: {  	[tilespmem:s26+$0x15FA0] =	vst v0;
	v0 =	vld [tilespmem:s26+$0x7FB0];
	v53 =	vmul.f32 v53, v11;
	v3 =	vmul.f32 v3, v16;
	v1 =	vadd.f32 v62, v1  }
0x4df: {  	v57 =	vand.u32 $0xFFFFFFF8, v61;
	v50 =	vld.idx.msk [tilespmem:v50+s15+$0x0], $0xffff  }
0x4e0: {  	v2 =	vmul.f32 v2, v11;
	v3 =	vadd.f32 v3, v53;
	[tilespmem:s26+$0x16020] =	vst v1;
	v1 =	vld [tilespmem:s26+$0x8030];
	v49 =	vmul.f32 v49, v16  }
0x4e1: {  	v57 =	vor.u32 v31, v57;
	v48 =	vld.idx.msk [tilespmem:v48+s15+$0x0], $0xffff  }
0x4e2: {  	[tilespmem:s26+$0x15F40] =	vst v3;
	v2 =	vadd.f32 v49, v2;
	v49 =	vld.idx.msk [tilespmem:v56+s15+$0x0], $0xffff  }
0x4e3: {  	v61 =	vadd.s32 s0, v15;
	v55 =	vld.idx.msk [tilespmem:v60+s15+$0x0], $0xffff  }
0x4e4: {  	v61 =	vand.u32 $0xFFFFFEF8, v61;
	v0 =	vmul.f32 v0, v11;
	v60 =	vld [tilespmem:$0x1FFD0];
	v50 =	vmul.f32 v50, v16  }
0x4e5: {  	v56 =	vor.u32 v32, v61;
	[tilespmem:s26+$0x160A0] =	vst v2;
	v2 =	vld [tilespmem:s26+$0x80B0]  }
0x4e6: {  	v59 =	vadd.s32 s28, v18;
	v62 =	vadd.s32 s31, v15;
	v0 =	vadd.f32 v50, v0;
	v53 =	vld.idx.msk [tilespmem:v57+s15+$0x0], $0xffff  }
0x4e7: {  	v50 =	vand.u32 $0xFFFFFF78, v62;
	v57 =	vld [tilespmem:s26+$0x7F50];
	v1 =	vmul.f32 v1, v11;
	v62 =	vmul.f32 v48, v16  }
0x4e8: {  	v51 =	vand.u32 $0xFFFFFDF8, v59;
	v59 =	vld [tilespmem:$0x1FFD0];
	v50 =	vor.u32 v32, v50  }
0x4e9: {  	v54 =	vmul.f32 v54, v11;
	[tilespmem:s26+$0x15FB0] =	vst v0;
	v0 =	vld [tilespmem:s26+$0x7FC0];
	v1 =	vadd.f32 v62, v1  }
0x4ea: {  	v49 =	vmul.f32 v49, v16;
	v51 =	vor.u32 v60, v51;
	v3 =	vld.idx.msk [tilespmem:v56+s15+$0x0], $0xffff;
	v62 =	vadd.s32 s13, v15  }
0x4eb: {  	v52 =	vand.u32 $0xFFFFFFF8, v62;
	v2 =	vmul.f32 v2, v11;
	[tilespmem:s26+$0x16030] =	vst v1;
	v1 =	vld [tilespmem:s26+$0x8040]  }
0x4ec: {  	v49 =	vadd.f32 v49, v54;
	v53 =	vmul.f32 v53, v16;
	v56 =	vmul.f32 v57, v11;
	v57 =	vld [tilespmem:s26+$0x7EE0]  }
0x4ed: {  	v55 =	vmul.f32 v55, v16;
	v62 =	vadd.s32 s0, v17;
	v52 =	vor.u32 v32, v52;
	v50 =	vld.idx.msk [tilespmem:v50+s15+$0x0], $0xffff  }
0x4ee: {  	v54 =	vand.u32 $0xFFFFFEF8, v62;
	[tilespmem:s26+$0x15ED0] =	vst v49;
	v2 =	vadd.f32 v53, v2;
	v53 =	vld [tilespmem:s26+$0x7E70]  }
0x4ef: {  	v0 =	vmul.f32 v0, v11;
	v55 =	vadd.f32 v55, v56;
	v51 =	vld.idx.msk [tilespmem:v51+s15+$0x0], $0xffff;
	v3 =	vmul.f32 v3, v16  }
0x4f0: {  	v60 =	vadd.s32 s30, v18;
	v62 =	vadd.s32 s31, v17;
	v54 =	vor.u32 v33, v54;
	[tilespmem:s26+$0x160B0] =	vst v2;
	v2 =	vld [tilespmem:s26+$0x80C0]  }
0x4f1: {  	[tilespmem:s26+$0x15F50] =	vst v55;
	v55 =	vld [tilespmem:s26+$0x7F60];
	v0 =	vadd.f32 v3, v0;
	v3 =	vand.u32 $0xFFFFFF78, v62;
	v1 =	vmul.f32 v1, v11  }
0x4f2: {  	v52 =	vld.idx.msk [tilespmem:v52+s15+$0x0], $0xffff;
	v62 =	vand.u32 $0xFFFFFE78, v60;
	v50 =	vmul.f32 v50, v16;
	v3 =	vor.u32 v33, v3  }
0x4f3: {  	v46 =	vmul.f32 v46, v16;
	v49 =	vor.u32 v59, v62;
	v62 =	vld [tilespmem:$0x1FFE0]  }
0x4f4: {  	v47 =	vadd.s32 s29, v19;
	v56 =	vmul.f32 v58, v11;
	[tilespmem:s26+$0x15FC0] =	vst v0;
	v0 =	vld [tilespmem:s26+$0x7FD0];
	v1 =	vadd.f32 v50, v1  }
0x4f5: {  	v47 =	vand.u32 $0xFFFFFD78, v47;
	v61 =	vadd.s32 s28, v19;
	v60 =	vadd.s32 s13, v17;
	v54 =	vld.idx.msk [tilespmem:v54+s15+$0x0], $0xffff  }
0x4f6: {  	v46 =	vadd.f32 v46, v56;
	v50 =	vand.u32 $0xFFFFFFF8, v60;
	v60 =	vadd.s32 s0, v18;
	[tilespmem:s26+$0x16040] =	vst v1;
	v1 =	vld [tilespmem:s26+$0x8050]  }
0x4f7: {  	v2 =	vmul.f32 v2, v11;
	v50 =	vor.u32 v33, v50;
	v52 =	vmul.f32 v52, v16;
	v3 =	vld.idx.msk [tilespmem:v3+s15+$0x0], $0xffff  }
0x4f8: {  	v56 =	vand.u32 $0xFFFFFEF8, v60;
	v47 =	vor.u32 v62, v47;
	v49 =	vld.idx.msk [tilespmem:v49+s15+$0x0], $0xffff;
	v62 =	vadd.s32 s31, v18  }
0x4f9: {  	v60 =	vand.u32 $0xFFFFFDF8, v61;
	v2 =	vadd.f32 v52, v2;
	v61 =	vand.u32 $0xFFFFFF78, v62;
	v62 =	vld [tilespmem:$0x1FFE0]  }
0x4fa: {  	v52 =	vmul.f32 v54, v16;
	v54 =	vor.u32 v59, v56;
	v56 =	vmul.f32 v57, v11;
	v57 =	vld [tilespmem:s26+$0x7EF0]  }
0x4fb: {  	v0 =	vmul.f32 v0, v11;
	[tilespmem:s26+$0x160C0] =	vst v2;
	v2 =	vld [tilespmem:s26+$0x80D0]  }
0x4fc: {  	v50 =	vld.idx.msk [tilespmem:v50+s15+$0x0], $0xffff  }
0x4fd: {  	[tilespmem:s26+$0x15E60] =	vst v46;
	v0 =	vadd.f32 v52, v0;
	v52 =	vor.u32 v59, v61;
	v61 =	vld [tilespmem:$0x1FFF0]  }
0x4fe: {  	v1 =	vmul.f32 v1, v11;
	v47 =	vld.idx.msk [tilespmem:v47+s15+$0x0], $0xffff;
	v3 =	vmul.f32 v3, v16  }
0x4ff: {  	v41 =	vand.u32 $0xFFFFFCF8, v41;
	v46 =	vor.u32 v62, v60;
	v62 =	vld [tilespmem:$0x1FFE0]  }
0x500: {  	v51 =	vmul.f32 v51, v16;
	v53 =	vmul.f32 v53, v11;
	[tilespmem:s26+$0x15FD0] =	vst v0;
	v0 =	vld [tilespmem:s26+$0x7FE0];
	v1 =	vadd.f32 v3, v1  }
0x501: {  	v55 =	vmul.f32 v55, v11;
	v60 =	vadd.s32 s30, v19;
	v54 =	vld.idx.msk [tilespmem:v54+s15+$0x0], $0xffff;
	v3 =	vadd.s32 s13, v18  }
0x502: {  	v51 =	vadd.f32 v51, v56;
	v56 =	vand.u32 $0xFFFFFE78, v60;
	v3 =	vand.u32 $0xFFFFFFF8, v3;
	[tilespmem:s26+$0x16050] =	vst v1;
	v1 =	vld [tilespmem:s26+$0x8060]  }
0x503: {  	v2 =	vmul.f32 v2, v11;
	v50 =	vmul.f32 v50, v16;
	v3 =	vor.u32 v59, v3;
	v52 =	vld.idx.msk [tilespmem:v52+s15+$0x0], $0xffff  }
0x504: {  	v49 =	vmul.f32 v49, v16;
	[tilespmem:s26+$0x15EE0] =	vst v51;
	v47 =	vmul.f32 v47, v16;
	v51 =	vor.u32 v62, v56;
	v56 =	vld [tilespmem:$0x1FFE0]  }
0x505: {  	v41 =	vor.u32 v61, v41;
	v46 =	vld.idx.msk [tilespmem:v46+s15+$0x0], $0xffff;
	v2 =	vadd.f32 v50, v2  }
0x506: {  	v49 =	vadd.f32 v49, v55;
	v47 =	vadd.f32 v47, v53;
	v53 =	vmul.f32 v38, v11;
	v38 =	vld [tilespmem:s26+$0x8080]  }
0x507: {  	v60 =	vadd.s32 s0, v19;
	v0 =	vmul.f32 v0, v11;
	v61 =	vmul.f32 v54, v16;
	[tilespmem:s26+$0x160D0] =	vst v2;
	v2 =	vld [tilespmem:s26+$0x80E0]  }
0x508: {  	v62 =	vand.u32 $0xFFFFFEF8, v60;
	v60 =	vadd.s32 s31, v19;
	v3 =	vld.idx.msk [tilespmem:v3+s15+$0x0], $0xffff  }
0x509: {  	v44 =	vadd.s32 s29, v20;
	[tilespmem:s26+$0x15F60] =	vst v49;
	v0 =	vadd.f32 v61, v0;
	v61 =	vand.u32 $0xFFFFFF78, v60;
	v60 =	vld [tilespmem:$0x1FFF0]  }
0x50a: {  	v1 =	vmul.f32 v1, v11;
	v41 =	vld.idx.msk [tilespmem:v41+s15+$0x0], $0xffff;
	v54 =	vor.u32 v56, v62;
	v62 =	vmul.f32 v52, v16  }
0x50b: {  	v44 =	vand.u32 $0xFFFFFD78, v44;
	v50 =	vld.idx.msk [tilespmem:v51+s15+$0x0], $0xffff;
	v49 =	vor.u32 v56, v61;
	v61 =	vadd.s32 s13, v19  }
0x50c: {  	[tilespmem:s26+$0x15FE0] =	vst v0;
	v0 =	vld [tilespmem:s26+$0x7FF0];
	v51 =	vand.u32 $0xFFFFFFF8, v61;
	v1 =	vadd.f32 v62, v1;
	v62 =	vmul.f32 v57, v11  }
0x50d: {  	v2 =	vmul.f32 v2, v11;
	v51 =	vor.u32 v56, v51;
	v57 =	vld [tilespmem:$0x1FFF0];
	v3 =	vmul.f32 v3, v16  }
0x50e: {  	v44 =	vor.u32 v60, v44;
	v60 =	vld [tilespmem:$0x1FFF0]  }
0x50f: {  	v46 =	vmul.f32 v46, v16;
	[tilespmem:s26+$0x16060] =	vst v1;
	v1 =	vld [tilespmem:s26+$0x8070];
	v2 =	vadd.f32 v3, v2  }
0x510: {  	v54 =	vld.idx.msk [tilespmem:v54+s15+$0x0], $0xffff  }
0x511: {  	v34 =	vmul.f32 v34, v11;
	v35 =	vmul.f32 v35, v16;
	v46 =	vadd.f32 v46, v62;
	v62 =	vld [tilespmem:$0x1FFF0];
	[tilespmem:s26+$0x160E0] =	vst v2  }
0x512: {  	v51 =	vld.idx.msk [tilespmem:v51+s15+$0x0], $0xffff  }
0x513: {  	v34 =	vadd.f32 v35, v34;
	v36 =	vmul.f32 v36, v11;
	v48 =	vadd.s32 s28, v20;
	v49 =	vld.idx.msk [tilespmem:v49+s15+$0x0], $0xffff  }
0x514: {  	v45 =	vmul.f32 v45, v11;
	v48 =	vand.u32 $0xFFFFFDF8, v48;
	v58 =	vadd.s32 s30, v20;
	v3 =	vld [tilespmem:s26+$0x7E80]  }
0x515: {  	v58 =	vand.u32 $0xFFFFFE78, v58;
	v0 =	vmul.f32 v0, v11;
	v2 =	vld [tilespmem:s26+$0x80F0];
	v61 =	vmul.f32 v54, v16  }
0x516: {  	[tilespmem:s26+$0x15E70] =	vst v47;
	v50 =	vmul.f32 v50, v16;
	v47 =	vor.u32 v57, v48;
	v48 =	vor.u32 v60, v58;
	v58 =	vld [tilespmem:$0x1FFF0]  }
0x517: {  	v52 =	vadd.s32 s0, v20;
	v0 =	vadd.f32 v61, v0;
	v61 =	vmul.f32 v51, v16;
	v51 =	vld [tilespmem:$0x1FFF0]  }
0x518: {  	v55 =	vadd.s32 s31, v20;
	v52 =	vand.u32 $0xFFFFFEF8, v52;
	[tilespmem:s26+$0x15EF0] =	vst v46;
	v46 =	vld [tilespmem:s26+$0x7F00];
	v45 =	vadd.f32 v50, v45  }
0x519: {  	v44 =	vld.idx.msk [tilespmem:v44+s15+$0x0], $0xffff;
	v52 =	vor.u32 v62, v52;
	v1 =	vmul.f32 v1, v11;
	v49 =	vmul.f32 v49, v16  }
0x51a: {  	v37 =	vmul.f32 v37, v16;
	v57 =	vand.u32 $0xFFFFFF78, v55;
	v60 =	vadd.s32 s13, v20;
	[tilespmem:s26+$0x15F70] =	vst v45;
	v45 =	vld [tilespmem:s26+$0x7F80]  }
0x51b: {  	[tilespmem:s26+$0x15800] =	vst v34;
	v35 =	vld.idx.msk [tilespmem:v47+s15+$0x0], $0xffff;
	v1 =	vadd.f32 v49, v1;
	v49 =	vand.u32 $0xFFFFFFF8, v60;
	v47 =	vor.u32 v58, v57  }
0x51c: {  	v62 =	vadd.f32 v37, v36;
	v2 =	vmul.f32 v2, v11;
	v48 =	vld.idx.msk [tilespmem:v48+s15+$0x0], $0xffff;
	v49 =	vor.u32 v51, v49  }
0x51d: {  	v55 =	vmul.f32 v40, v11;
	[tilespmem:s26+$0x15FF0] =	vst v0;
	v0 =	vld [tilespmem:s26+$0x8000]  }
0x51e: {  	v54 =	vmul.f32 v39, v16;
	[tilespmem:s26+$0x15880] =	vst v62;
	v36 =	vld.idx.msk [tilespmem:v52+s15+$0x0], $0xffff;
	v2 =	vadd.f32 v61, v2  }
0x51f: {  	v3 =	vmul.f32 v3, v11;
	v57 =	vmul.f32 v42, v16;
	[tilespmem:s26+$0x16070] =	vst v1;
	v61 =	vld [tilespmem:s26+$0x8100]  }
0x520: {  	v62 =	vmul.f32 v44, v16;
	v1 =	vadd.f32 v54, v53;
	[tilespmem:s26+$0x160F0] =	vst v2;
	v58 =	vld.idx.msk [tilespmem:v47+s15+$0x0], $0xffff  }
0x521: {  	v50 =	vmul.f32 v46, v11;
	v34 =	vadd.f32 v57, v55;
	v35 =	vmul.f32 v35, v16;
	v47 =	vld.idx.msk [tilespmem:v49+s15+$0x0], $0xffff  }
0x522: {  	v3 =	vadd.f32 v62, v3;
	v52 =	vmul.f32 v45, v11;
	[tilespmem:s26+$0x15900] =	vst v1;
	v53 =	vmul.f32 v48, v16  }
0x523: {  	[tilespmem:s26+$0x15D80] =	vst v34;
	v54 =	vadd.f32 v35, v50;
	v0 =	vmul.f32 v0, v11;
	v55 =	vmul.f32 v36, v16  }
0x524: {  	v41 =	vmul.f32 v41, v16;
	v60 =	vmul.f32 v43, v11;
	[tilespmem:s26+$0x15E80] =	vst v3;
	v3 =	vadd.f32 v53, v52  }
0x525: {  	p0 =	slt.u32 s25, $0x60;
	v57 =	vmul.f32 v38, v11;
	[tilespmem:s26+$0x15F00] =	vst v54;
	v0 =	vadd.f32 v55, v0;
	v58 =	vmul.f32 v58, v16  }
.Ltmp4:
0x526: {  	[tilespmem:s26+$0x15F80] =	vst v3;
	v49 =	vadd.f32 v41, v60;
	v60 =	vmul.f32 v61, v11;
	v61 =	vmul.f32 v47, v16;
	(pc) =	sbr.rel @p0 .LBB2_9-.Ltmp4, $4  }
0x527: {  	[tilespmem:s26+$0x16000] =	vst v0;
	v3 =	vadd.f32 v58, v57  }
0x528: {  	[tilespmem:s26+$0x15E00] =	vst v49;
	v62 =	vadd.f32 v61, v60  }
0x529: {  	s31 =	sadd.s32 $0x10, s25;
	[tilespmem:s26+$0x16080] =	vst v3  }
0x52a: {  	s25 =	smov.u32 s31;
	[tilespmem:s26+$0x16100] =	vst v62  }
0x52b: {  	s23 =	sadd.s32 $0x1, s23  }
0x52c: {  	p0 =	sne.s32 s23, $0x15  }
.Ltmp5:
0x52d: {  	_ = 	snop;
	(pc) =	sbr.rel @p0 .LBB2_2-.Ltmp5, $3  }
0x52e: {  	_ =	sdelay $0x1  }
0x52f: {  	s0 =	sadd.s32 s4, s24  }
0x530: {  	[hbm4b:s0+s5] =	stream.linear.scatter [tilespmem:s20], [sflag:$0x4], $0x7000, $0x38;
	[tilespmem:$0x1C110] =	vst v63  }
0x531: {  	s22 =	sadd.s32 $0x1, s22  }
0x532: {  	_ =	swait.ge [sflag:s21], $0x7000;
	p0 =	sne.s32 s22, s11  }
.Ltmp6:
0x533: {  	[sflag:s21] =	ssyncset.done $0x0;
	(pc) =	sbr.rel @p0 .LBB2_1-.Ltmp6, $4  }
0x534: {  	[sflag:s21] =	ssyncadd.s32 $0xFFFF9000  }
0x535: {  	_ =	swait.ge [sflag:s19], $0x7000  }
0x536: {  	[sflag:s19] =	ssyncset.done $0x0  }
0x537: {  	[sflag:s19] =	ssyncadd.s32 $0xFFFF9000  }
0x538: {  	_ =	sfence.sel $0x180000  }
0x539: {  	[bflag:$0x0] =	sbarrier.arrive $0xFFFF  }
0x53a: {  	_ =	strace $0x90000047  }
0x53b: {  	s0 =	stileid.u32;
	[bflag:$0x2] =	sbarrier.arrive $0xFFFF  }
0x53c: {  	p0 =	sne.s32 s0, $0x0;
	s0 =	rddreg [dreg:$0x4]  }
0x53d: {  	s0 =	sadd.s32 @!p0 $0x100000, s0  }
0x53e: {  	[sflag:s0] =	ssyncadd.tile.s32 @!p0 $0x1;
	_ =	shalt  }
.Lfunc_end2:
_tile_overlayer_lowered:
.L_overlay_start_2:
0x53f: {  	(tag) =	ssettag $0x2  }
0x540: {  	s0 =	rddreg [dreg:$0x0];
	s2 =	stileid.u32  }
0x541: {  	s1 =	rddreg [dreg:$0x1];
	p0 =	sne.s32 s2, $0x0  }
0x542: {  	s3 =	rddreg [dreg:$0x2];
	[bflag:$0x3] =	sbarrier.arrive $0xFFFF;
	s2 =	simm.s32 @!p0 $0x1C05  }
0x543: {  	[timem:s3], [sflag:s2] =	dma.local @!p0 [hbm:s0], s1  }
0x544: {  	s0 =	simm.s32 @!p0 $0x5  }
0x545: {  	_ =	swait.ge @!p0 [sflag:s0], s1  }
0x546: {  	s1 =	ssub.s32 @!p0 $0x0, s1;
	[sflag:s0] =	ssyncset.done @!p0 $0x0  }
0x547: {  	[sflag:s0] =	ssyncadd.s32 @!p0 s1  }
0x548: {  	[bflag:$0x3] =	sbarrier.arrive $0xFFFF  }
0x549: {  	_ =	shalt  }

</sc_bundles>
